<compile_context>
chip_gen: v7x
topology: tpu7x:2x2x1
jax: 0.10.2.dev20260603
libtpu: 0.0.44.dev20260713+nightly
codegen_flags: <defaults>
</compile_context>

<pallas_src>
import functools

import jax
import jax.numpy as jnp
from jax import lax
from jax.experimental import pallas as pl
from jax.experimental.pallas import tpu as pltpu
from jax.experimental.pallas import tpu_sc as plsc

N = 10000
E = 320000
D = 128

NC = 2
NS = 16
NW = NC * NS

K = 80
EPT = E // NW
NCHUNK = EPT // K
NPAD = 10112
ROWS_PT = NPAD // NS
ZR = 40

DK = 125
DEPT = E // NS
DNCHUNK = DEPT // DK
SLAB = NPAD // NS

_mesh = plsc.VectorSubcoreMesh(
    core_axis_name="c", subcore_axis_name="s", num_cores=NC, num_subcores=NS
)


@functools.partial(
    pl.kernel,
    out_type=jax.ShapeDtypeStruct((NC * NPAD,), jnp.float32),
    mesh=_mesh,
    scratch_types=[
        pltpu.VMEM((DNCHUNK, DK), jnp.int32),
        pltpu.VMEM((128,), jnp.float32),
        pltpu.VMEM((640,), jnp.float32),
        pltpu.VMEM_SHARED((NPAD,), jnp.float32),
        pltpu.SemaphoreType.DMA,
    ],
)
def _deg_kernel(eidx_hbm, degp_hbm, idx_v, ones_v, z_v, cnt_sh, lsem):
    c = lax.axis_index("c")
    s = lax.axis_index("s")

    pltpu.async_copy(eidx_hbm.at[c, s], idx_v, lsem)

    def fill_ones(i, carry):
        ones_v[pl.ds(i * 16, 16)] = jnp.ones((16,), jnp.float32)
        return carry

    lax.fori_loop(0, 128 // 16, fill_ones, 0)

    def fill_zeros(i, carry):
        z_v[pl.ds(i * 16, 16)] = jnp.zeros((16,), jnp.float32)
        return carry

    lax.fori_loop(0, 640 // 16, fill_zeros, 0)

    sl = pl.ds(s * SLAB, SLAB)
    pltpu.sync_copy(z_v.at[pl.ds(0, SLAB)], cnt_sh.at[sl])
    pltpu.make_async_copy(eidx_hbm.at[c, s], idx_v, lsem).wait()
    plsc.subcore_barrier()

    def body(j, carry):
        pltpu.sync_copy(ones_v.at[pl.ds(0, DK)], cnt_sh.at[idx_v.at[j]],
                        add=True)
        return carry

    lax.fori_loop(0, DNCHUNK, body, 0)

    plsc.subcore_barrier()
    pltpu.sync_copy(cnt_sh.at[sl], z_v.at[pl.ds(0, SLAB)])
    pltpu.sync_copy(z_v.at[pl.ds(0, SLAB)],
                    degp_hbm.at[pl.ds(c * NPAD + s * SLAB, SLAB)])


@functools.partial(
    pl.kernel,
    out_type=jax.ShapeDtypeStruct((NC, NPAD, D), jnp.float32),
    mesh=_mesh,
    scratch_types=[
        pltpu.VMEM((EPT,), jnp.int32),
        pltpu.VMEM((NCHUNK, K), jnp.int32),
        pltpu.VMEM((2, K, D), jnp.float32),
        pltpu.VMEM_SHARED((NPAD, D), jnp.float32),
        pltpu.SemaphoreType.DMA,
        pltpu.SemaphoreType.DMA,
        pltpu.SemaphoreType.DMA,
        pltpu.SemaphoreType.DMA,
    ],
)
def _scat_kernel(h_hbm, src_hbm, dst_hbm, aggp_hbm, src_v, dst_v, rows_v,
                 acc_sh, gsem0, gsem1, ssem0, ssem1):
    c = lax.axis_index("c")
    s = lax.axis_index("s")
    w = c * NS + s

    pltpu.async_copy(src_hbm.at[w], src_v, ssem0)
    pltpu.async_copy(dst_hbm.at[w], dst_v, ssem1)

    def fill_zeros(i, carry):
        rows_v[0, i // 8, pl.ds((i % 8) * 16, 16)] = jnp.zeros((16,),
                                                               jnp.float32)
        return carry

    lax.fori_loop(0, K * D // 16, fill_zeros, 0)
    for i in range(ROWS_PT // K):
        pltpu.sync_copy(rows_v.at[0],
                        acc_sh.at[pl.ds(s * ROWS_PT + i * K, K)])
    _rem = ROWS_PT - (ROWS_PT // K) * K
    if _rem:
        pltpu.sync_copy(
            rows_v.at[0, pl.ds(0, _rem)],
            acc_sh.at[pl.ds(s * ROWS_PT + (ROWS_PT // K) * K, _rem)])
    pltpu.make_async_copy(src_hbm.at[w], src_v, ssem0).wait()
    pltpu.make_async_copy(dst_hbm.at[w], dst_v, ssem1).wait()
    plsc.subcore_barrier()

    def src_at(j):
        return src_v.at[pl.ds(j * K, K)]

    pltpu.async_copy(h_hbm.at[src_at(0)], rows_v.at[0], gsem0)
    pltpu.async_copy(h_hbm.at[src_at(1)], rows_v.at[1], gsem1)

    def body(i, carry):
        j0 = i * 2
        pltpu.make_async_copy(h_hbm.at[src_at(j0)], rows_v.at[0],
                              gsem0).wait()
        pltpu.sync_copy(rows_v.at[0], acc_sh.at[dst_v.at[j0]], add=True)

        @pl.when(j0 + 2 < NCHUNK)
        def _():
            pltpu.async_copy(h_hbm.at[src_at(j0 + 2)], rows_v.at[0], gsem0)

        pltpu.make_async_copy(h_hbm.at[src_at(j0 + 1)], rows_v.at[1],
                              gsem1).wait()
        pltpu.sync_copy(rows_v.at[1], acc_sh.at[dst_v.at[j0 + 1]], add=True)

        @pl.when(j0 + 3 < NCHUNK)
        def _():
            pltpu.async_copy(h_hbm.at[src_at(j0 + 3)], rows_v.at[1], gsem1)

        return carry

    lax.fori_loop(0, NCHUNK // 2, body, 0)

    if NCHUNK % 2:
        jl = NCHUNK - 1
        pltpu.make_async_copy(h_hbm.at[src_at(jl)], rows_v.at[0],
                              gsem0).wait()
        pltpu.sync_copy(rows_v.at[0], acc_sh.at[dst_v.at[jl]], add=True)

    plsc.subcore_barrier()
    rows = pl.ds(s * ROWS_PT, ROWS_PT)
    pltpu.sync_copy(acc_sh.at[rows], aggp_hbm.at[c, rows])


BR = 2000
GR = N // BR


def _norm_col(deg_blk):
    return lax.rsqrt(jnp.maximum(deg_blk, 1.0))


def _mm1_body(feats_r, degs_r, w_r, o_r):
    onorm = _norm_col(degs_r[...])
    x = feats_r[...] * onorm
    o_r[...] = jnp.dot(x, w_r[...], preferred_element_type=jnp.float32,
                       precision=lax.Precision.HIGHEST)


def _mm2_body(aggp_r, degs_r, degd_r, w_r, b_r, o_r):
    a = aggp_r[0] + aggp_r[1]
    inorm = _norm_col(degd_r[...])
    onorm = _norm_col(degs_r[...])
    x = (a * inorm + b_r[...]) * onorm
    o_r[...] = jnp.dot(x, w_r[...], preferred_element_type=jnp.float32,
                       precision=lax.Precision.HIGHEST)


def _fin_body(aggp_r, degd_r, b_r, o_r):
    a = aggp_r[0] + aggp_r[1]
    inorm = _norm_col(degd_r[...])
    o_r[...] = a * inorm + b_r[...]


def _tc_mm1(feats, degsrc_t, w1):
    return pl.pallas_call(
        _mm1_body,
        grid=(GR,),
        in_specs=[
            pl.BlockSpec((BR, D), lambda i: (i, 0)),
            pl.BlockSpec((BR, 1), lambda i: (i, 0)),
            pl.BlockSpec((D, D), lambda i: (0, 0)),
        ],
        out_specs=pl.BlockSpec((BR, D), lambda i: (i, 0)),
        out_shape=jax.ShapeDtypeStruct((N, D), jnp.float32),
    )(feats, degsrc_t, w1)


def _tc_mm2(aggp, degsrc_t, degdst_t, w2, b1):
    return pl.pallas_call(
        _mm2_body,
        grid=(GR,),
        in_specs=[
            pl.BlockSpec((NC, BR, D), lambda i: (0, i, 0)),
            pl.BlockSpec((BR, 1), lambda i: (i, 0)),
            pl.BlockSpec((BR, 1), lambda i: (i, 0)),
            pl.BlockSpec((D, D), lambda i: (0, 0)),
            pl.BlockSpec((1, D), lambda i: (0, 0)),
        ],
        out_specs=pl.BlockSpec((BR, D), lambda i: (i, 0)),
        out_shape=jax.ShapeDtypeStruct((N, D), jnp.float32),
    )(aggp, degsrc_t, degdst_t, w2, b1)


def _tc_fin(aggp, degdst_t, b2):
    return pl.pallas_call(
        _fin_body,
        grid=(GR,),
        in_specs=[
            pl.BlockSpec((NC, BR, D), lambda i: (0, i, 0)),
            pl.BlockSpec((BR, 1), lambda i: (i, 0)),
            pl.BlockSpec((1, D), lambda i: (0, 0)),
        ],
        out_specs=pl.BlockSpec((BR, D), lambda i: (i, 0)),
        out_shape=jax.ShapeDtypeStruct((N, D), jnp.float32),
    )(aggp, degdst_t, b2)


def kernel(feats, edge_index, W1, b1, W2, b2):
    ei = edge_index.astype(jnp.int32)
    eidx = ei.reshape(NC, NS, DNCHUNK, DK)
    srcp = ei[0].reshape(NW, EPT)
    dstp = ei[1].reshape(NW, NCHUNK, K)

    degp = _deg_kernel(eidx).reshape(NC, NPAD)
    deg_t = jnp.transpose(degp)
    degsrc_t = deg_t[:N, 0:1]
    degdst_t = deg_t[:N, 1:2]

    h1 = _tc_mm1(feats, degsrc_t, W1)
    aggp1 = _scat_kernel(h1, srcp, dstp)
    h2 = _tc_mm2(aggp1, degsrc_t, degdst_t, W2, b1.reshape(1, D))
    aggp2 = _scat_kernel(h2, srcp, dstp)
    return _tc_fin(aggp2, degdst_t, b2.reshape(1, D))

# --- scband reference (transcript-rebuilt; emitter-appended) ---
"""Pipeline reference for scband-graph-module-53068615909478 (READ-ONLY COPY).

The authoritative reference and input builder live on the scoring server;
editing this copy changes nothing except your own understanding.
"""

import jax, jax.numpy as jnp
import numpy as np

N = 10000
E = 320000
D = 128


def setup_inputs(seed: int = 0):
    key = jax.random.key(seed)
    ks = jax.random.split(key, 4)
    feats = jax.random.normal(ks[0], (N, D), dtype=jnp.float32)
    edge_index = jax.random.randint(ks[1], (2, E), 0, N)
    scale = 1.0 / np.sqrt(D)
    W1 = jax.random.normal(ks[2], (D, D), dtype=jnp.float32) * scale
    b1 = jnp.zeros((D,), dtype=jnp.float32)
    W2 = jax.random.normal(ks[3], (D, D), dtype=jnp.float32) * scale
    b2 = jnp.zeros((D,), dtype=jnp.float32)
    return {"feats": feats, "edge_index": edge_index, "W1": W1, "b1": b1, "W2": W2, "b2": b2}


def _graph_conv(h, src, dst, out_norm, in_norm, W, b):
    # DGL GraphConv with norm='both': D_out^{-1/2} applied to src feats,
    # mult by W (in_feats == out_feats so W applied before aggregation),
    # sum aggregation over edges, D_in^{-1/2} on dst, then bias.
    h = h * out_norm[:, None]
    h = h @ W
    msg = h[src]
    agg = jax.ops.segment_sum(msg, dst, num_segments=N)
    agg = agg * in_norm[:, None]
    return agg + b


def reference(feats, edge_index, W1, b1, W2, b2):
    src = edge_index[0]
    dst = edge_index[1]
    out_deg = jnp.maximum(jnp.bincount(src, length=N), 1).astype(jnp.float32)
    in_deg = jnp.maximum(jnp.bincount(dst, length=N), 1).astype(jnp.float32)
    out_norm = jax.lax.rsqrt(out_deg)
    in_norm = jax.lax.rsqrt(in_deg)
    h = _graph_conv(feats, src, dst, out_norm, in_norm, W1, b1)
    h = _graph_conv(h, src, dst, out_norm, in_norm, W2, b2)
    return h

if __name__ == "__main__":
    import jax
    _d = setup_inputs()
    print(jax.jit(kernel)(*tuple(_d.values())))

</pallas_src>

<mosaic_0001>
#map = affine_map<(d0, d1) -> (0, 0)>
#map1 = affine_map<(d0, d1) -> (0, 0, 0)>
module attributes {stable_mosaic.version = 14 : i64} {
  func.func @_scat_kernel(%arg0: i32, %arg1: i32, %arg2: memref<10000x128xf32, #tpu.memory_space<hbm>>, %arg3: memref<32x10000xi32, #tpu.memory_space<hbm>>, %arg4: memref<32x125x80xi32, #tpu.memory_space<hbm>>, %arg5: memref<2x10112x128xf32, #tpu.memory_space<hbm>>, %arg6: memref<10000xi32, #tpu.memory_space<vmem>>, %arg7: memref<125x80xi32, #tpu.memory_space<vmem>>, %arg8: memref<2x80x128xf32, #tpu.memory_space<vmem>>, %arg9: memref<10112x128xf32, #tpu.memory_space<vmem_shared>>, %arg10: memref<!tpu.dma_semaphore, #tpu.memory_space<semaphore_mem>>, %arg11: memref<!tpu.dma_semaphore, #tpu.memory_space<semaphore_mem>>, %arg12: memref<!tpu.dma_semaphore, #tpu.memory_space<semaphore_mem>>, %arg13: memref<!tpu.dma_semaphore, #tpu.memory_space<semaphore_mem>>) attributes {dimension_semantics = [#tpu.dimension_semantics<core_parallel>, #tpu.dimension_semantics<subcore_parallel>], iteration_bounds = array<i64: 2, 16>, scalar_prefetch = 0 : i64, scratch_operands = 8 : i64, tpu.core_type = #tpu.core_type<sc_vector_subcore>, window_params = [{transform_indices = #map}, {transform_indices = #map}, {transform_indices = #map1}, {transform_indices = #map1}]} {
    %mul3A = arith.constant 16 : i32
    %mul3A_0 = arith.muli %arg0, %mul3A : i32
    %add3A = arith.addi %mul3A_0, %arg1 : i32
    %dma_start3A = arith.constant 0 : i32
    %dma_start3A_1 = tpu.memref_slice %arg3[%add3A, %dma_start3A] : memref<32x10000xi32, #tpu.memory_space<hbm>> -> memref<1x10000xi32, #tpu.memory_space<hbm>>
    %dma_start3A_2 = tpu.memref_squeeze %dma_start3A_1 : memref<1x10000xi32, #tpu.memory_space<hbm>> -> memref<10000xi32, #tpu.memory_space<hbm>>
    %dma_start3A_3 = arith.constant 0 : i32
    %dma_start3A_4 = tpu.memref_slice %arg3[%add3A, %dma_start3A_3] : memref<32x10000xi32, #tpu.memory_space<hbm>> -> memref<1x10000xi32, #tpu.memory_space<hbm>>
    %dma_start3A_5 = tpu.memref_squeeze %dma_start3A_4 : memref<1x10000xi32, #tpu.memory_space<hbm>> -> memref<10000xi32, #tpu.memory_space<hbm>>
    tpu.enqueue_dma source(%dma_start3A_5 : memref<10000xi32, #tpu.memory_space<hbm>>) target(%arg6 : memref<10000xi32, #tpu.memory_space<vmem>>) target_semaphore(%arg12 : memref<!tpu.dma_semaphore, #tpu.memory_space<semaphore_mem>>)
    %dma_start3A_6 = arith.constant 0 : i32
    %dma_start3A_7 = arith.constant 0 : i32
    %dma_start3A_8 = tpu.memref_slice %arg4[%add3A, %dma_start3A_6, %dma_start3A_7] : memref<32x125x80xi32, #tpu.memory_space<hbm>> -> memref<1x125x80xi32, #tpu.memory_space<hbm>>
    %dma_start3A_9 = tpu.memref_squeeze %dma_start3A_8 : memref<1x125x80xi32, #tpu.memory_space<hbm>> -> memref<125x80xi32, #tpu.memory_space<hbm>>
    %dma_start3A_10 = arith.constant 0 : i32
    %dma_start3A_11 = arith.constant 0 : i32
    %dma_start3A_12 = tpu.memref_slice %arg4[%add3A, %dma_start3A_10, %dma_start3A_11] : memref<32x125x80xi32, #tpu.memory_space<hbm>> -> memref<1x125x80xi32, #tpu.memory_space<hbm>>
    %dma_start3A_13 = tpu.memref_squeeze %dma_start3A_12 : memref<1x125x80xi32, #tpu.memory_space<hbm>> -> memref<125x80xi32, #tpu.memory_space<hbm>>
    tpu.enqueue_dma source(%dma_start3A_13 : memref<125x80xi32, #tpu.memory_space<hbm>>) target(%arg7 : memref<125x80xi32, #tpu.memory_space<vmem>>) target_semaphore(%arg13 : memref<!tpu.dma_semaphore, #tpu.memory_space<semaphore_mem>>)
    %scan3A = arith.constant 0 : i32
    %scan3A_14 = arith.constant 0 : i32
    %scan3A_15 = arith.constant 640 : i32
    %scan3A_16 = arith.addi %scan3A_14, %scan3A_15 : i32
    %scan3A_17 = arith.constant 1 : i32
    scf.for %scan3A_112 = %scan3A_14 to %scan3A_16 step %scan3A_17  : i32 {
      %broadcast_in_dim3A = arith.constant 0.000000e+00 : f32
      %broadcast_in_dim3A_113 = vector.broadcast %broadcast_in_dim3A : f32 to vector<16xf32>
      %jit3A = arith.constant 8 : i32
      %div3A = arith.divsi %scan3A_112, %jit3A : i32
      %sign3A = arith.constant 0 : i32
      %sign3A_114 = arith.cmpi sgt, %scan3A_112, %sign3A : i32
      %sign3A_115 = arith.extui %sign3A_114 : i1 to i32
      %sign3A_116 = arith.constant 0 : i32
      %sign3A_117 = arith.cmpi slt, %scan3A_112, %sign3A_116 : i32
      %sign3A_118 = arith.extui %sign3A_117 : i1 to i32
      %sign3A_119 = arith.subi %sign3A_115, %sign3A_118 : i32
      %sign3A_120 = arith.constant 0 : i32
      %sign3A_121 = arith.cmpi sgt, %jit3A, %sign3A_120 : i32
      %sign3A_122 = arith.extui %sign3A_121 : i1 to i32
      %sign3A_123 = arith.constant 0 : i32
      %sign3A_124 = arith.cmpi slt, %jit3A, %sign3A_123 : i32
      %sign3A_125 = arith.extui %sign3A_124 : i1 to i32
      %sign3A_126 = arith.subi %sign3A_122, %sign3A_125 : i32
      %ne3A = arith.cmpi ne, %sign3A_119, %sign3A_126 : i32
      %rem3A = arith.remsi %scan3A_112, %jit3A : i32
      %ne3A_127 = arith.constant 0 : i32
      %ne3A_128 = arith.cmpi ne, %rem3A, %ne3A_127 : i32
      %and3A = arith.andi %ne3A, %ne3A_128 : i1
      %sub3A = arith.constant 1 : i32
      %sub3A_129 = arith.subi %div3A, %sub3A : i32
      %select_n3A = arith.select %and3A, %sub3A_129, %div3A : i32
      %jit3A_130 = arith.constant 8 : i32
      %eq3A = arith.constant 0 : i32
      %eq3A_131 = arith.cmpi eq, %jit3A_130, %eq3A : i32
      %jit3A_132 = arith.constant 1 : i32
      %select_n3A_133 = arith.select %eq3A_131, %jit3A_132, %jit3A_130 : i32
      %rem3A_134 = arith.remsi %scan3A_112, %select_n3A_133 : i32
      %ne3A_135 = arith.constant 0 : i32
      %ne3A_136 = arith.cmpi ne, %rem3A_134, %ne3A_135 : i32
      %lt3A = arith.constant 0 : i32
      %lt3A_137 = arith.cmpi slt, %rem3A_134, %lt3A : i32
      %lt3A_138 = arith.constant 0 : i32
      %lt3A_139 = arith.cmpi slt, %select_n3A_133, %lt3A_138 : i32
      %ne3A_140 = arith.xori %lt3A_137, %lt3A_139 : i1
      %and3A_141 = arith.andi %ne3A_140, %ne3A_136 : i1
      %add3A_142 = arith.addi %rem3A_134, %select_n3A_133 : i32
      %select_n3A_143 = arith.select %and3A_141, %add3A_142, %rem3A_134 : i32
      %mul3A_144 = arith.constant 16 : i32
      %mul3A_145 = arith.muli %select_n3A_143, %mul3A_144 : i32
      %swap3A = arith.constant 0 : i32
      %swap3A_146 = arith.index_cast %swap3A : i32 to index
      %swap3A_147 = arith.index_cast %select_n3A : i32 to index
      %swap3A_148 = arith.index_cast %mul3A_145 : i32 to index
      %swap3A_149 = tpu.vector_load %arg8[%swap3A_146, %swap3A_147, %swap3A_148] {strides = array<i32>} : memref<2x80x128xf32, #tpu.memory_space<vmem>>, vector<1x1x16xf32>,
      %swap3A_150 = vector.shape_cast %swap3A_149 : vector<1x1x16xf32> to vector<16xf32>
      %swap3A_151 = vector.shape_cast %broadcast_in_dim3A_113 : vector<16xf32> to vector<1x1x16xf32>
      tpu.vector_store %arg8[%swap3A_146, %swap3A_147, %swap3A_148], %swap3A_151 {strides = array<i32>} : memref<2x80x128xf32, #tpu.memory_space<vmem>>, vector<1x1x16xf32>,
    }
    %scan3A_18 = arith.constant 640 : i32
    %mul3A_19 = arith.constant 632 : i32
    %mul3A_20 = arith.muli %arg1, %mul3A_19 : i32
    %add3A_21 = arith.constant 0 : i32
    %add3A_22 = arith.addi %mul3A_20, %add3A_21 : i32
    %run_scoped3A = arith.constant 0 : i32
    "tpu.region"() ({
      %run_scoped3A_112 = tpu.sem_alloc : memref<!tpu.dma_semaphore, #tpu.memory_space<semaphore_mem>>
      %dma_start3A_113 = arith.constant 0 : i32
      %dma_start3A_114 = arith.constant 0 : i32
      %dma_start3A_115 = tpu.memref_slice %arg8[%run_scoped3A, %dma_start3A_113, %dma_start3A_114] : memref<2x80x128xf32, #tpu.memory_space<vmem>> -> memref<1x80x128xf32, #tpu.memory_space<vmem>>
      %dma_start3A_116 = tpu.memref_squeeze %dma_start3A_115 : memref<1x80x128xf32, #tpu.memory_space<vmem>> -> memref<80x128xf32, #tpu.memory_space<vmem>>
      %dma_start3A_117 = arith.constant 0 : i32
      %dma_start3A_118 = tpu.memref_slice %arg9[%add3A_22, %dma_start3A_117] : memref<10112x128xf32, #tpu.memory_space<vmem_shared>> -> memref<80x128xf32, #tpu.memory_space<vmem_shared>>
      %dma_start3A_119 = arith.constant 0 : i32
      %dma_start3A_120 = tpu.memref_slice %arg9[%add3A_22, %dma_start3A_119] : memref<10112x128xf32, #tpu.memory_space<vmem_shared>> -> memref<80x128xf32, #tpu.memory_space<vmem_shared>>
      %dma_start3A_121 = arith.constant 0 : i32
      %dma_start3A_122 = arith.constant 0 : i32
      %dma_start3A_123 = tpu.memref_slice %arg8[%run_scoped3A, %dma_start3A_121, %dma_start3A_122] : memref<2x80x128xf32, #tpu.memory_space<vmem>> -> memref<1x80x128xf32, #tpu.memory_space<vmem>>
      %dma_start3A_124 = tpu.memref_squeeze %dma_start3A_123 : memref<1x80x128xf32, #tpu.memory_space<vmem>> -> memref<80x128xf32, #tpu.memory_space<vmem>>
      tpu.enqueue_dma source(%dma_start3A_124 : memref<80x128xf32, #tpu.memory_space<vmem>>) target(%dma_start3A_120 : memref<80x128xf32, #tpu.memory_space<vmem_shared>>) target_semaphore(%run_scoped3A_112 : memref<!tpu.dma_semaphore, #tpu.memory_space<semaphore_mem>>)
      %dma_wait3A_125 = arith.constant 0 : i32
      %dma_wait3A_126 = arith.constant 0 : i32
      %dma_wait3A_127 = tpu.memref_slice %arg8[%run_scoped3A, %dma_wait3A_125, %dma_wait3A_126] : memref<2x80x128xf32, #tpu.memory_space<vmem>> -> memref<1x80x128xf32, #tpu.memory_space<vmem>>
      %dma_wait3A_128 = tpu.memref_squeeze %dma_wait3A_127 : memref<1x80x128xf32, #tpu.memory_space<vmem>> -> memref<80x128xf32, #tpu.memory_space<vmem>>
      %dma_wait3A_129 = arith.constant 0 : i32
      %dma_wait3A_130 = tpu.memref_slice %arg9[%add3A_22, %dma_wait3A_129] : memref<10112x128xf32, #tpu.memory_space<vmem_shared>> -> memref<80x128xf32, #tpu.memory_space<vmem_shared>>
      %dma_wait3A_131 = arith.constant 0 : i32
      %dma_wait3A_132 = tpu.memref_slice %arg9[%add3A_22, %dma_wait3A_131] : memref<10112x128xf32, #tpu.memory_space<vmem_shared>> -> memref<80x128xf32, #tpu.memory_space<vmem_shared>>
      %dma_wait3A_133 = arith.constant 0 : i32
      %dma_wait3A_134 = arith.constant 0 : i32
      %dma_wait3A_135 = tpu.memref_slice %arg8[%run_scoped3A, %dma_wait3A_133, %dma_wait3A_134] : memref<2x80x128xf32, #tpu.memory_space<vmem>> -> memref<1x80x128xf32, #tpu.memory_space<vmem>>
      %dma_wait3A_136 = tpu.memref_squeeze %dma_wait3A_135 : memref<1x80x128xf32, #tpu.memory_space<vmem>> -> memref<80x128xf32, #tpu.memory_space<vmem>>
      tpu.wait_dma2 semaphore(%run_scoped3A_112 : memref<!tpu.dma_semaphore, #tpu.memory_space<semaphore_mem>>) src(%dma_wait3A_136 : memref<80x128xf32, #tpu.memory_space<vmem>>) dst(%dma_wait3A_132 : memref<80x128xf32, #tpu.memory_space<vmem_shared>>)
      tpu.yield
    }) : () -> ()
    %mul3A_23 = arith.constant 632 : i32
    %mul3A_24 = arith.muli %arg1, %mul3A_23 : i32
    %add3A_25 = arith.constant 80 : i32
    %add3A_26 = arith.addi %mul3A_24, %add3A_25 : i32
    %run_scoped3A_27 = arith.constant 0 : i32
    "tpu.region"() ({
      %run_scoped3A_112 = tpu.sem_alloc : memref<!tpu.dma_semaphore, #tpu.memory_space<semaphore_mem>>
      %dma_start3A_113 = arith.constant 0 : i32
      %dma_start3A_114 = arith.constant 0 : i32
      %dma_start3A_115 = tpu.memref_slice %arg8[%run_scoped3A_27, %dma_start3A_113, %dma_start3A_114] : memref<2x80x128xf32, #tpu.memory_space<vmem>> -> memref<1x80x128xf32, #tpu.memory_space<vmem>>
      %dma_start3A_116 = tpu.memref_squeeze %dma_start3A_115 : memref<1x80x128xf32, #tpu.memory_space<vmem>> -> memref<80x128xf32, #tpu.memory_space<vmem>>
      %dma_start3A_117 = arith.constant 0 : i32
      %dma_start3A_118 = tpu.memref_slice %arg9[%add3A_26, %dma_start3A_117] : memref<10112x128xf32, #tpu.memory_space<vmem_shared>> -> memref<80x128xf32, #tpu.memory_space<vmem_shared>>
      %dma_start3A_119 = arith.constant 0 : i32
      %dma_start3A_120 = tpu.memref_slice %arg9[%add3A_26, %dma_start3A_119] : memref<10112x128xf32, #tpu.memory_space<vmem_shared>> -> memref<80x128xf32, #tpu.memory_space<vmem_shared>>
      %dma_start3A_121 = arith.constant 0 : i32
      %dma_start3A_122 = arith.constant 0 : i32
      %dma_start3A_123 = tpu.memref_slice %arg8[%run_scoped3A_27, %dma_start3A_121, %dma_start3A_122] : memref<2x80x128xf32, #tpu.memory_space<vmem>> -> memref<1x80x128xf32, #tpu.memory_space<vmem>>
      %dma_start3A_124 = tpu.memref_squeeze %dma_start3A_123 : memref<1x80x128xf32, #tpu.memory_space<vmem>> -> memref<80x128xf32, #tpu.memory_space<vmem>>
      tpu.enqueue_dma source(%dma_start3A_124 : memref<80x128xf32, #tpu.memory_space<vmem>>) target(%dma_start3A_120 : memref<80x128xf32, #tpu.memory_space<vmem_shared>>) target_semaphore(%run_scoped3A_112 : memref<!tpu.dma_semaphore, #tpu.memory_space<semaphore_mem>>)
      %dma_wait3A_125 = arith.constant 0 : i32
      %dma_wait3A_126 = arith.constant 0 : i32
      %dma_wait3A_127 = tpu.memref_slice %arg8[%run_scoped3A_27, %dma_wait3A_125, %dma_wait3A_126] : memref<2x80x128xf32, #tpu.memory_space<vmem>> -> memref<1x80x128xf32, #tpu.memory_space<vmem>>
      %dma_wait3A_128 = tpu.memref_squeeze %dma_wait3A_127 : memref<1x80x128xf32, #tpu.memory_space<vmem>> -> memref<80x128xf32, #tpu.memory_space<vmem>>
      %dma_wait3A_129 = arith.constant 0 : i32
      %dma_wait3A_130 = tpu.memref_slice %arg9[%add3A_26, %dma_wait3A_129] : memref<10112x128xf32, #tpu.memory_space<vmem_shared>> -> memref<80x128xf32, #tpu.memory_space<vmem_shared>>
      %dma_wait3A_131 = arith.constant 0 : i32
      %dma_wait3A_132 = tpu.memref_slice %arg9[%add3A_26, %dma_wait3A_131] : memref<10112x128xf32, #tpu.memory_space<vmem_shared>> -> memref<80x128xf32, #tpu.memory_space<vmem_shared>>
      %dma_wait3A_133 = arith.constant 0 : i32
      %dma_wait3A_134 = arith.constant 0 : i32
      %dma_wait3A_135 = tpu.memref_slice %arg8[%run_scoped3A_27, %dma_wait3A_133, %dma_wait3A_134] : memref<2x80x128xf32, #tpu.memory_space<vmem>> -> memref<1x80x128xf32, #tpu.memory_space<vmem>>
      %dma_wait3A_136 = tpu.memref_squeeze %dma_wait3A_135 : memref<1x80x128xf32, #tpu.memory_space<vmem>> -> memref<80x128xf32, #tpu.memory_space<vmem>>
      tpu.wait_dma2 semaphore(%run_scoped3A_112 : memref<!tpu.dma_semaphore, #tpu.memory_space<semaphore_mem>>) src(%dma_wait3A_136 : memref<80x128xf32, #tpu.memory_space<vmem>>) dst(%dma_wait3A_132 : memref<80x128xf32, #tpu.memory_space<vmem_shared>>)
      tpu.yield
    }) : () -> ()
    %mul3A_28 = arith.constant 632 : i32
    %mul3A_29 = arith.muli %arg1, %mul3A_28 : i32
    %add3A_30 = arith.constant 160 : i32
    %add3A_31 = arith.addi %mul3A_29, %add3A_30 : i32
    %run_scoped3A_32 = arith.constant 0 : i32
    "tpu.region"() ({
      %run_scoped3A_112 = tpu.sem_alloc : memref<!tpu.dma_semaphore, #tpu.memory_space<semaphore_mem>>
      %dma_start3A_113 = arith.constant 0 : i32
      %dma_start3A_114 = arith.constant 0 : i32
      %dma_start3A_115 = tpu.memref_slice %arg8[%run_scoped3A_32, %dma_start3A_113, %dma_start3A_114] : memref<2x80x128xf32, #tpu.memory_space<vmem>> -> memref<1x80x128xf32, #tpu.memory_space<vmem>>
      %dma_start3A_116 = tpu.memref_squeeze %dma_start3A_115 : memref<1x80x128xf32, #tpu.memory_space<vmem>> -> memref<80x128xf32, #tpu.memory_space<vmem>>
      %dma_start3A_117 = arith.constant 0 : i32
      %dma_start3A_118 = tpu.memref_slice %arg9[%add3A_31, %dma_start3A_117] : memref<10112x128xf32, #tpu.memory_space<vmem_shared>> -> memref<80x128xf32, #tpu.memory_space<vmem_shared>>
      %dma_start3A_119 = arith.constant 0 : i32
      %dma_start3A_120 = tpu.memref_slice %arg9[%add3A_31, %dma_start3A_119] : memref<10112x128xf32, #tpu.memory_space<vmem_shared>> -> memref<80x128xf32, #tpu.memory_space<vmem_shared>>
      %dma_start3A_121 = arith.constant 0 : i32
      %dma_start3A_122 = arith.constant 0 : i32
      %dma_start3A_123 = tpu.memref_slice %arg8[%run_scoped3A_32, %dma_start3A_121, %dma_start3A_122] : memref<2x80x128xf32, #tpu.memory_space<vmem>> -> memref<1x80x128xf32, #tpu.memory_space<vmem>>
      %dma_start3A_124 = tpu.memref_squeeze %dma_start3A_123 : memref<1x80x128xf32, #tpu.memory_space<vmem>> -> memref<80x128xf32, #tpu.memory_space<vmem>>
      tpu.enqueue_dma source(%dma_start3A_124 : memref<80x128xf32, #tpu.memory_space<vmem>>) target(%dma_start3A_120 : memref<80x128xf32, #tpu.memory_space<vmem_shared>>) target_semaphore(%run_scoped3A_112 : memref<!tpu.dma_semaphore, #tpu.memory_space<semaphore_mem>>)
      %dma_wait3A_125 = arith.constant 0 : i32
      %dma_wait3A_126 = arith.constant 0 : i32
      %dma_wait3A_127 = tpu.memref_slice %arg8[%run_scoped3A_32, %dma_wait3A_125, %dma_wait3A_126] : memref<2x80x128xf32, #tpu.memory_space<vmem>> -> memref<1x80x128xf32, #tpu.memory_space<vmem>>
      %dma_wait3A_128 = tpu.memref_squeeze %dma_wait3A_127 : memref<1x80x128xf32, #tpu.memory_space<vmem>> -> memref<80x128xf32, #tpu.memory_space<vmem>>
      %dma_wait3A_129 = arith.constant 0 : i32
      %dma_wait3A_130 = tpu.memref_slice %arg9[%add3A_31, %dma_wait3A_129] : memref<10112x128xf32, #tpu.memory_space<vmem_shared>> -> memref<80x128xf32, #tpu.memory_space<vmem_shared>>
      %dma_wait3A_131 = arith.constant 0 : i32
      %dma_wait3A_132 = tpu.memref_slice %arg9[%add3A_31, %dma_wait3A_131] : memref<10112x128xf32, #tpu.memory_space<vmem_shared>> -> memref<80x128xf32, #tpu.memory_space<vmem_shared>>
      %dma_wait3A_133 = arith.constant 0 : i32
      %dma_wait3A_134 = arith.constant 0 : i32
      %dma_wait3A_135 = tpu.memref_slice %arg8[%run_scoped3A_32, %dma_wait3A_133, %dma_wait3A_134] : memref<2x80x128xf32, #tpu.memory_space<vmem>> -> memref<1x80x128xf32, #tpu.memory_space<vmem>>
      %dma_wait3A_136 = tpu.memref_squeeze %dma_wait3A_135 : memref<1x80x128xf32, #tpu.memory_space<vmem>> -> memref<80x128xf32, #tpu.memory_space<vmem>>
      tpu.wait_dma2 semaphore(%run_scoped3A_112 : memref<!tpu.dma_semaphore, #tpu.memory_space<semaphore_mem>>) src(%dma_wait3A_136 : memref<80x128xf32, #tpu.memory_space<vmem>>) dst(%dma_wait3A_132 : memref<80x128xf32, #tpu.memory_space<vmem_shared>>)
      tpu.yield
    }) : () -> ()
    %mul3A_33 = arith.constant 632 : i32
    %mul3A_34 = arith.muli %arg1, %mul3A_33 : i32
    %add3A_35 = arith.constant 240 : i32
    %add3A_36 = arith.addi %mul3A_34, %add3A_35 : i32
    %run_scoped3A_37 = arith.constant 0 : i32
    "tpu.region"() ({
      %run_scoped3A_112 = tpu.sem_alloc : memref<!tpu.dma_semaphore, #tpu.memory_space<semaphore_mem>>
      %dma_start3A_113 = arith.constant 0 : i32
      %dma_start3A_114 = arith.constant 0 : i32
      %dma_start3A_115 = tpu.memref_slice %arg8[%run_scoped3A_37, %dma_start3A_113, %dma_start3A_114] : memref<2x80x128xf32, #tpu.memory_space<vmem>> -> memref<1x80x128xf32, #tpu.memory_space<vmem>>
      %dma_start3A_116 = tpu.memref_squeeze %dma_start3A_115 : memref<1x80x128xf32, #tpu.memory_space<vmem>> -> memref<80x128xf32, #tpu.memory_space<vmem>>
      %dma_start3A_117 = arith.constant 0 : i32
      %dma_start3A_118 = tpu.memref_slice %arg9[%add3A_36, %dma_start3A_117] : memref<10112x128xf32, #tpu.memory_space<vmem_shared>> -> memref<80x128xf32, #tpu.memory_space<vmem_shared>>
      %dma_start3A_119 = arith.constant 0 : i32
      %dma_start3A_120 = tpu.memref_slice %arg9[%add3A_36, %dma_start3A_119] : memref<10112x128xf32, #tpu.memory_space<vmem_shared>> -> memref<80x128xf32, #tpu.memory_space<vmem_shared>>
      %dma_start3A_121 = arith.constant 0 : i32
      %dma_start3A_122 = arith.constant 0 : i32
      %dma_start3A_123 = tpu.memref_slice %arg8[%run_scoped3A_37, %dma_start3A_121, %dma_start3A_122] : memref<2x80x128xf32, #tpu.memory_space<vmem>> -> memref<1x80x128xf32, #tpu.memory_space<vmem>>
      %dma_start3A_124 = tpu.memref_squeeze %dma_start3A_123 : memref<1x80x128xf32, #tpu.memory_space<vmem>> -> memref<80x128xf32, #tpu.memory_space<vmem>>
      tpu.enqueue_dma source(%dma_start3A_124 : memref<80x128xf32, #tpu.memory_space<vmem>>) target(%dma_start3A_120 : memref<80x128xf32, #tpu.memory_space<vmem_shared>>) target_semaphore(%run_scoped3A_112 : memref<!tpu.dma_semaphore, #tpu.memory_space<semaphore_mem>>)
      %dma_wait3A_125 = arith.constant 0 : i32
      %dma_wait3A_126 = arith.constant 0 : i32
      %dma_wait3A_127 = tpu.memref_slice %arg8[%run_scoped3A_37, %dma_wait3A_125, %dma_wait3A_126] : memref<2x80x128xf32, #tpu.memory_space<vmem>> -> memref<1x80x128xf32, #tpu.memory_space<vmem>>
      %dma_wait3A_128 = tpu.memref_squeeze %dma_wait3A_127 : memref<1x80x128xf32, #tpu.memory_space<vmem>> -> memref<80x128xf32, #tpu.memory_space<vmem>>
      %dma_wait3A_129 = arith.constant 0 : i32
      %dma_wait3A_130 = tpu.memref_slice %arg9[%add3A_36, %dma_wait3A_129] : memref<10112x128xf32, #tpu.memory_space<vmem_shared>> -> memref<80x128xf32, #tpu.memory_space<vmem_shared>>
      %dma_wait3A_131 = arith.constant 0 : i32
      %dma_wait3A_132 = tpu.memref_slice %arg9[%add3A_36, %dma_wait3A_131] : memref<10112x128xf32, #tpu.memory_space<vmem_shared>> -> memref<80x128xf32, #tpu.memory_space<vmem_shared>>
      %dma_wait3A_133 = arith.constant 0 : i32
      %dma_wait3A_134 = arith.constant 0 : i32
      %dma_wait3A_135 = tpu.memref_slice %arg8[%run_scoped3A_37, %dma_wait3A_133, %dma_wait3A_134] : memref<2x80x128xf32, #tpu.memory_space<vmem>> -> memref<1x80x128xf32, #tpu.memory_space<vmem>>
      %dma_wait3A_136 = tpu.memref_squeeze %dma_wait3A_135 : memref<1x80x128xf32, #tpu.memory_space<vmem>> -> memref<80x128xf32, #tpu.memory_space<vmem>>
      tpu.wait_dma2 semaphore(%run_scoped3A_112 : memref<!tpu.dma_semaphore, #tpu.memory_space<semaphore_mem>>) src(%dma_wait3A_136 : memref<80x128xf32, #tpu.memory_space<vmem>>) dst(%dma_wait3A_132 : memref<80x128xf32, #tpu.memory_space<vmem_shared>>)
      tpu.yield
    }) : () -> ()
    %mul3A_38 = arith.constant 632 : i32
    %mul3A_39 = arith.muli %arg1, %mul3A_38 : i32
    %add3A_40 = arith.constant 320 : i32
    %add3A_41 = arith.addi %mul3A_39, %add3A_40 : i32
    %run_scoped3A_42 = arith.constant 0 : i32
    "tpu.region"() ({
      %run_scoped3A_112 = tpu.sem_alloc : memref<!tpu.dma_semaphore, #tpu.memory_space<semaphore_mem>>
      %dma_start3A_113 = arith.constant 0 : i32
      %dma_start3A_114 = arith.constant 0 : i32
      %dma_start3A_115 = tpu.memref_slice %arg8[%run_scoped3A_42, %dma_start3A_113, %dma_start3A_114] : memref<2x80x128xf32, #tpu.memory_space<vmem>> -> memref<1x80x128xf32, #tpu.memory_space<vmem>>
      %dma_start3A_116 = tpu.memref_squeeze %dma_start3A_115 : memref<1x80x128xf32, #tpu.memory_space<vmem>> -> memref<80x128xf32, #tpu.memory_space<vmem>>
      %dma_start3A_117 = arith.constant 0 : i32
      %dma_start3A_118 = tpu.memref_slice %arg9[%add3A_41, %dma_start3A_117] : memref<10112x128xf32, #tpu.memory_space<vmem_shared>> -> memref<80x128xf32, #tpu.memory_space<vmem_shared>>
      %dma_start3A_119 = arith.constant 0 : i32
      %dma_start3A_120 = tpu.memref_slice %arg9[%add3A_41, %dma_start3A_119] : memref<10112x128xf32, #tpu.memory_space<vmem_shared>> -> memref<80x128xf32, #tpu.memory_space<vmem_shared>>
      %dma_start3A_121 = arith.constant 0 : i32
      %dma_start3A_122 = arith.constant 0 : i32
      %dma_start3A_123 = tpu.memref_slice %arg8[%run_scoped3A_42, %dma_start3A_121, %dma_start3A_122] : memref<2x80x128xf32, #tpu.memory_space<vmem>> -> memref<1x80x128xf32, #tpu.memory_space<vmem>>
      %dma_start3A_124 = tpu.memref_squeeze %dma_start3A_123 : memref<1x80x128xf32, #tpu.memory_space<vmem>> -> memref<80x128xf32, #tpu.memory_space<vmem>>
      tpu.enqueue_dma source(%dma_start3A_124 : memref<80x128xf32, #tpu.memory_space<vmem>>) target(%dma_start3A_120 : memref<80x128xf32, #tpu.memory_space<vmem_shared>>) target_semaphore(%run_scoped3A_112 : memref<!tpu.dma_semaphore, #tpu.memory_space<semaphore_mem>>)
      %dma_wait3A_125 = arith.constant 0 : i32
      %dma_wait3A_126 = arith.constant 0 : i32
      %dma_wait3A_127 = tpu.memref_slice %arg8[%run_scoped3A_42, %dma_wait3A_125, %dma_wait3A_126] : memref<2x80x128xf32, #tpu.memory_space<vmem>> -> memref<1x80x128xf32, #tpu.memory_space<vmem>>
      %dma_wait3A_128 = tpu.memref_squeeze %dma_wait3A_127 : memref<1x80x128xf32, #tpu.memory_space<vmem>> -> memref<80x128xf32, #tpu.memory_space<vmem>>
      %dma_wait3A_129 = arith.constant 0 : i32
      %dma_wait3A_130 = tpu.memref_slice %arg9[%add3A_41, %dma_wait3A_129] : memref<10112x128xf32, #tpu.memory_space<vmem_shared>> -> memref<80x128xf32, #tpu.memory_space<vmem_shared>>
      %dma_wait3A_131 = arith.constant 0 : i32
      %dma_wait3A_132 = tpu.memref_slice %arg9[%add3A_41, %dma_wait3A_131] : memref<10112x128xf32, #tpu.memory_space<vmem_shared>> -> memref<80x128xf32, #tpu.memory_space<vmem_shared>>
      %dma_wait3A_133 = arith.constant 0 : i32
      %dma_wait3A_134 = arith.constant 0 : i32
      %dma_wait3A_135 = tpu.memref_slice %arg8[%run_scoped3A_42, %dma_wait3A_133, %dma_wait3A_134] : memref<2x80x128xf32, #tpu.memory_space<vmem>> -> memref<1x80x128xf32, #tpu.memory_space<vmem>>
      %dma_wait3A_136 = tpu.memref_squeeze %dma_wait3A_135 : memref<1x80x128xf32, #tpu.memory_space<vmem>> -> memref<80x128xf32, #tpu.memory_space<vmem>>
      tpu.wait_dma2 semaphore(%run_scoped3A_112 : memref<!tpu.dma_semaphore, #tpu.memory_space<semaphore_mem>>) src(%dma_wait3A_136 : memref<80x128xf32, #tpu.memory_space<vmem>>) dst(%dma_wait3A_132 : memref<80x128xf32, #tpu.memory_space<vmem_shared>>)
      tpu.yield
    }) : () -> ()
    %mul3A_43 = arith.constant 632 : i32
    %mul3A_44 = arith.muli %arg1, %mul3A_43 : i32
    %add3A_45 = arith.constant 400 : i32
    %add3A_46 = arith.addi %mul3A_44, %add3A_45 : i32
    %run_scoped3A_47 = arith.constant 0 : i32
    "tpu.region"() ({
      %run_scoped3A_112 = tpu.sem_alloc : memref<!tpu.dma_semaphore, #tpu.memory_space<semaphore_mem>>
      %dma_start3A_113 = arith.constant 0 : i32
      %dma_start3A_114 = arith.constant 0 : i32
      %dma_start3A_115 = tpu.memref_slice %arg8[%run_scoped3A_47, %dma_start3A_113, %dma_start3A_114] : memref<2x80x128xf32, #tpu.memory_space<vmem>> -> memref<1x80x128xf32, #tpu.memory_space<vmem>>
      %dma_start3A_116 = tpu.memref_squeeze %dma_start3A_115 : memref<1x80x128xf32, #tpu.memory_space<vmem>> -> memref<80x128xf32, #tpu.memory_space<vmem>>
      %dma_start3A_117 = arith.constant 0 : i32
      %dma_start3A_118 = tpu.memref_slice %arg9[%add3A_46, %dma_start3A_117] : memref<10112x128xf32, #tpu.memory_space<vmem_shared>> -> memref<80x128xf32, #tpu.memory_space<vmem_shared>>
      %dma_start3A_119 = arith.constant 0 : i32
      %dma_start3A_120 = tpu.memref_slice %arg9[%add3A_46, %dma_start3A_119] : memref<10112x128xf32, #tpu.memory_space<vmem_shared>> -> memref<80x128xf32, #tpu.memory_space<vmem_shared>>
      %dma_start3A_121 = arith.constant 0 : i32
      %dma_start3A_122 = arith.constant 0 : i32
      %dma_start3A_123 = tpu.memref_slice %arg8[%run_scoped3A_47, %dma_start3A_121, %dma_start3A_122] : memref<2x80x128xf32, #tpu.memory_space<vmem>> -> memref<1x80x128xf32, #tpu.memory_space<vmem>>
      %dma_start3A_124 = tpu.memref_squeeze %dma_start3A_123 : memref<1x80x128xf32, #tpu.memory_space<vmem>> -> memref<80x128xf32, #tpu.memory_space<vmem>>
      tpu.enqueue_dma source(%dma_start3A_124 : memref<80x128xf32, #tpu.memory_space<vmem>>) target(%dma_start3A_120 : memref<80x128xf32, #tpu.memory_space<vmem_shared>>) target_semaphore(%run_scoped3A_112 : memref<!tpu.dma_semaphore, #tpu.memory_space<semaphore_mem>>)
      %dma_wait3A_125 = arith.constant 0 : i32
      %dma_wait3A_126 = arith.constant 0 : i32
      %dma_wait3A_127 = tpu.memref_slice %arg8[%run_scoped3A_47, %dma_wait3A_125, %dma_wait3A_126] : memref<2x80x128xf32, #tpu.memory_space<vmem>> -> memref<1x80x128xf32, #tpu.memory_space<vmem>>
      %dma_wait3A_128 = tpu.memref_squeeze %dma_wait3A_127 : memref<1x80x128xf32, #tpu.memory_space<vmem>> -> memref<80x128xf32, #tpu.memory_space<vmem>>
      %dma_wait3A_129 = arith.constant 0 : i32
      %dma_wait3A_130 = tpu.memref_slice %arg9[%add3A_46, %dma_wait3A_129] : memref<10112x128xf32, #tpu.memory_space<vmem_shared>> -> memref<80x128xf32, #tpu.memory_space<vmem_shared>>
      %dma_wait3A_131 = arith.constant 0 : i32
      %dma_wait3A_132 = tpu.memref_slice %arg9[%add3A_46, %dma_wait3A_131] : memref<10112x128xf32, #tpu.memory_space<vmem_shared>> -> memref<80x128xf32, #tpu.memory_space<vmem_shared>>
      %dma_wait3A_133 = arith.constant 0 : i32
      %dma_wait3A_134 = arith.constant 0 : i32
      %dma_wait3A_135 = tpu.memref_slice %arg8[%run_scoped3A_47, %dma_wait3A_133, %dma_wait3A_134] : memref<2x80x128xf32, #tpu.memory_space<vmem>> -> memref<1x80x128xf32, #tpu.memory_space<vmem>>
      %dma_wait3A_136 = tpu.memref_squeeze %dma_wait3A_135 : memref<1x80x128xf32, #tpu.memory_space<vmem>> -> memref<80x128xf32, #tpu.memory_space<vmem>>
      tpu.wait_dma2 semaphore(%run_scoped3A_112 : memref<!tpu.dma_semaphore, #tpu.memory_space<semaphore_mem>>) src(%dma_wait3A_136 : memref<80x128xf32, #tpu.memory_space<vmem>>) dst(%dma_wait3A_132 : memref<80x128xf32, #tpu.memory_space<vmem_shared>>)
      tpu.yield
    }) : () -> ()
    %mul3A_48 = arith.constant 632 : i32
    %mul3A_49 = arith.muli %arg1, %mul3A_48 : i32
    %add3A_50 = arith.constant 480 : i32
    %add3A_51 = arith.addi %mul3A_49, %add3A_50 : i32
    %run_scoped3A_52 = arith.constant 0 : i32
    "tpu.region"() ({
      %run_scoped3A_112 = tpu.sem_alloc : memref<!tpu.dma_semaphore, #tpu.memory_space<semaphore_mem>>
      %dma_start3A_113 = arith.constant 0 : i32
      %dma_start3A_114 = arith.constant 0 : i32
      %dma_start3A_115 = tpu.memref_slice %arg8[%run_scoped3A_52, %dma_start3A_113, %dma_start3A_114] : memref<2x80x128xf32, #tpu.memory_space<vmem>> -> memref<1x80x128xf32, #tpu.memory_space<vmem>>
      %dma_start3A_116 = tpu.memref_squeeze %dma_start3A_115 : memref<1x80x128xf32, #tpu.memory_space<vmem>> -> memref<80x128xf32, #tpu.memory_space<vmem>>
      %dma_start3A_117 = arith.constant 0 : i32
      %dma_start3A_118 = tpu.memref_slice %arg9[%add3A_51, %dma_start3A_117] : memref<10112x128xf32, #tpu.memory_space<vmem_shared>> -> memref<80x128xf32, #tpu.memory_space<vmem_shared>>
      %dma_start3A_119 = arith.constant 0 : i32
      %dma_start3A_120 = tpu.memref_slice %arg9[%add3A_51, %dma_start3A_119] : memref<10112x128xf32, #tpu.memory_space<vmem_shared>> -> memref<80x128xf32, #tpu.memory_space<vmem_shared>>
      %dma_start3A_121 = arith.constant 0 : i32
      %dma_start3A_122 = arith.constant 0 : i32
      %dma_start3A_123 = tpu.memref_slice %arg8[%run_scoped3A_52, %dma_start3A_121, %dma_start3A_122] : memref<2x80x128xf32, #tpu.memory_space<vmem>> -> memref<1x80x128xf32, #tpu.memory_space<vmem>>
      %dma_start3A_124 = tpu.memref_squeeze %dma_start3A_123 : memref<1x80x128xf32, #tpu.memory_space<vmem>> -> memref<80x128xf32, #tpu.memory_space<vmem>>
      tpu.enqueue_dma source(%dma_start3A_124 : memref<80x128xf32, #tpu.memory_space<vmem>>) target(%dma_start3A_120 : memref<80x128xf32, #tpu.memory_space<vmem_shared>>) target_semaphore(%run_scoped3A_112 : memref<!tpu.dma_semaphore, #tpu.memory_space<semaphore_mem>>)
      %dma_wait3A_125 = arith.constant 0 : i32
      %dma_wait3A_126 = arith.constant 0 : i32
      %dma_wait3A_127 = tpu.memref_slice %arg8[%run_scoped3A_52, %dma_wait3A_125, %dma_wait3A_126] : memref<2x80x128xf32, #tpu.memory_space<vmem>> -> memref<1x80x128xf32, #tpu.memory_space<vmem>>
      %dma_wait3A_128 = tpu.memref_squeeze %dma_wait3A_127 : memref<1x80x128xf32, #tpu.memory_space<vmem>> -> memref<80x128xf32, #tpu.memory_space<vmem>>
      %dma_wait3A_129 = arith.constant 0 : i32
      %dma_wait3A_130 = tpu.memref_slice %arg9[%add3A_51, %dma_wait3A_129] : memref<10112x128xf32, #tpu.memory_space<vmem_shared>> -> memref<80x128xf32, #tpu.memory_space<vmem_shared>>
      %dma_wait3A_131 = arith.constant 0 : i32
      %dma_wait3A_132 = tpu.memref_slice %arg9[%add3A_51, %dma_wait3A_131] : memref<10112x128xf32, #tpu.memory_space<vmem_shared>> -> memref<80x128xf32, #tpu.memory_space<vmem_shared>>
      %dma_wait3A_133 = arith.constant 0 : i32
      %dma_wait3A_134 = arith.constant 0 : i32
      %dma_wait3A_135 = tpu.memref_slice %arg8[%run_scoped3A_52, %dma_wait3A_133, %dma_wait3A_134] : memref<2x80x128xf32, #tpu.memory_space<vmem>> -> memref<1x80x128xf32, #tpu.memory_space<vmem>>
      %dma_wait3A_136 = tpu.memref_squeeze %dma_wait3A_135 : memref<1x80x128xf32, #tpu.memory_space<vmem>> -> memref<80x128xf32, #tpu.memory_space<vmem>>
      tpu.wait_dma2 semaphore(%run_scoped3A_112 : memref<!tpu.dma_semaphore, #tpu.memory_space<semaphore_mem>>) src(%dma_wait3A_136 : memref<80x128xf32, #tpu.memory_space<vmem>>) dst(%dma_wait3A_132 : memref<80x128xf32, #tpu.memory_space<vmem_shared>>)
      tpu.yield
    }) : () -> ()
    %mul3A_53 = arith.constant 632 : i32
    %mul3A_54 = arith.muli %arg1, %mul3A_53 : i32
    %add3A_55 = arith.constant 560 : i32
    %add3A_56 = arith.addi %mul3A_54, %add3A_55 : i32
    %run_scoped3A_57 = arith.constant 0 : i32
    "tpu.region"() ({
      %run_scoped3A_112 = tpu.sem_alloc : memref<!tpu.dma_semaphore, #tpu.memory_space<semaphore_mem>>
      %dma_start3A_113 = arith.constant 0 : i32
      %dma_start3A_114 = arith.constant 0 : i32
      %dma_start3A_115 = tpu.memref_slice %arg8[%run_scoped3A_57, %dma_start3A_113, %dma_start3A_114] : memref<2x80x128xf32, #tpu.memory_space<vmem>> -> memref<1x72x128xf32, #tpu.memory_space<vmem>>
      %dma_start3A_116 = tpu.memref_squeeze %dma_start3A_115 : memref<1x72x128xf32, #tpu.memory_space<vmem>> -> memref<72x128xf32, #tpu.memory_space<vmem>>
      %dma_start3A_117 = arith.constant 0 : i32
      %dma_start3A_118 = tpu.memref_slice %arg9[%add3A_56, %dma_start3A_117] : memref<10112x128xf32, #tpu.memory_space<vmem_shared>> -> memref<72x128xf32, #tpu.memory_space<vmem_shared>>
      %dma_start3A_119 = arith.constant 0 : i32
      %dma_start3A_120 = tpu.memref_slice %arg9[%add3A_56, %dma_start3A_119] : memref<10112x128xf32, #tpu.memory_space<vmem_shared>> -> memref<72x128xf32, #tpu.memory_space<vmem_shared>>
      %dma_start3A_121 = arith.constant 0 : i32
      %dma_start3A_122 = arith.constant 0 : i32
      %dma_start3A_123 = tpu.memref_slice %arg8[%run_scoped3A_57, %dma_start3A_121, %dma_start3A_122] : memref<2x80x128xf32, #tpu.memory_space<vmem>> -> memref<1x72x128xf32, #tpu.memory_space<vmem>>
      %dma_start3A_124 = tpu.memref_squeeze %dma_start3A_123 : memref<1x72x128xf32, #tpu.memory_space<vmem>> -> memref<72x128xf32, #tpu.memory_space<vmem>>
      tpu.enqueue_dma source(%dma_start3A_124 : memref<72x128xf32, #tpu.memory_space<vmem>>) target(%dma_start3A_120 : memref<72x128xf32, #tpu.memory_space<vmem_shared>>) target_semaphore(%run_scoped3A_112 : memref<!tpu.dma_semaphore, #tpu.memory_space<semaphore_mem>>)
      %dma_wait3A_125 = arith.constant 0 : i32
      %dma_wait3A_126 = arith.constant 0 : i32
      %dma_wait3A_127 = tpu.memref_slice %arg8[%run_scoped3A_57, %dma_wait3A_125, %dma_wait3A_126] : memref<2x80x128xf32, #tpu.memory_space<vmem>> -> memref<1x72x128xf32, #tpu.memory_space<vmem>>
      %dma_wait3A_128 = tpu.memref_squeeze %dma_wait3A_127 : memref<1x72x128xf32, #tpu.memory_space<vmem>> -> memref<72x128xf32, #tpu.memory_space<vmem>>
      %dma_wait3A_129 = arith.constant 0 : i32
      %dma_wait3A_130 = tpu.memref_slice %arg9[%add3A_56, %dma_wait3A_129] : memref<10112x128xf32, #tpu.memory_space<vmem_shared>> -> memref<72x128xf32, #tpu.memory_space<vmem_shared>>
      %dma_wait3A_131 = arith.constant 0 : i32
      %dma_wait3A_132 = tpu.memref_slice %arg9[%add3A_56, %dma_wait3A_131] : memref<10112x128xf32, #tpu.memory_space<vmem_shared>> -> memref<72x128xf32, #tpu.memory_space<vmem_shared>>
      %dma_wait3A_133 = arith.constant 0 : i32
      %dma_wait3A_134 = arith.constant 0 : i32
      %dma_wait3A_135 = tpu.memref_slice %arg8[%run_scoped3A_57, %dma_wait3A_133, %dma_wait3A_134] : memref<2x80x128xf32, #tpu.memory_space<vmem>> -> memref<1x72x128xf32, #tpu.memory_space<vmem>>
      %dma_wait3A_136 = tpu.memref_squeeze %dma_wait3A_135 : memref<1x72x128xf32, #tpu.memory_space<vmem>> -> memref<72x128xf32, #tpu.memory_space<vmem>>
      tpu.wait_dma2 semaphore(%run_scoped3A_112 : memref<!tpu.dma_semaphore, #tpu.memory_space<semaphore_mem>>) src(%dma_wait3A_136 : memref<72x128xf32, #tpu.memory_space<vmem>>) dst(%dma_wait3A_132 : memref<72x128xf32, #tpu.memory_space<vmem_shared>>)
      tpu.yield
    }) : () -> ()
    %dma_wait3A = arith.constant 0 : i32
    %dma_wait3A_58 = tpu.memref_slice %arg3[%add3A, %dma_wait3A] : memref<32x10000xi32, #tpu.memory_space<hbm>> -> memref<1x10000xi32, #tpu.memory_space<hbm>>
    %dma_wait3A_59 = tpu.memref_squeeze %dma_wait3A_58 : memref<1x10000xi32, #tpu.memory_space<hbm>> -> memref<10000xi32, #tpu.memory_space<hbm>>
    %dma_wait3A_60 = arith.constant 0 : i32
    %dma_wait3A_61 = tpu.memref_slice %arg3[%add3A, %dma_wait3A_60] : memref<32x10000xi32, #tpu.memory_space<hbm>> -> memref<1x10000xi32, #tpu.memory_space<hbm>>
    %dma_wait3A_62 = tpu.memref_squeeze %dma_wait3A_61 : memref<1x10000xi32, #tpu.memory_space<hbm>> -> memref<10000xi32, #tpu.memory_space<hbm>>
    tpu.wait_dma2 semaphore(%arg12 : memref<!tpu.dma_semaphore, #tpu.memory_space<semaphore_mem>>) src(%dma_wait3A_62 : memref<10000xi32, #tpu.memory_space<hbm>>) dst(%arg6 : memref<10000xi32, #tpu.memory_space<vmem>>)
    %dma_wait3A_63 = arith.constant 0 : i32
    %dma_wait3A_64 = arith.constant 0 : i32
    %dma_wait3A_65 = tpu.memref_slice %arg4[%add3A, %dma_wait3A_63, %dma_wait3A_64] : memref<32x125x80xi32, #tpu.memory_space<hbm>> -> memref<1x125x80xi32, #tpu.memory_space<hbm>>
    %dma_wait3A_66 = tpu.memref_squeeze %dma_wait3A_65 : memref<1x125x80xi32, #tpu.memory_space<hbm>> -> memref<125x80xi32, #tpu.memory_space<hbm>>
    %dma_wait3A_67 = arith.constant 0 : i32
    %dma_wait3A_68 = arith.constant 0 : i32
    %dma_wait3A_69 = tpu.memref_slice %arg4[%add3A, %dma_wait3A_67, %dma_wait3A_68] : memref<32x125x80xi32, #tpu.memory_space<hbm>> -> memref<1x125x80xi32, #tpu.memory_space<hbm>>
    %dma_wait3A_70 = tpu.memref_squeeze %dma_wait3A_69 : memref<1x125x80xi32, #tpu.memory_space<hbm>> -> memref<125x80xi32, #tpu.memory_space<hbm>>
    tpu.wait_dma2 semaphore(%arg13 : memref<!tpu.dma_semaphore, #tpu.memory_space<semaphore_mem>>) src(%dma_wait3A_70 : memref<125x80xi32, #tpu.memory_space<hbm>>) dst(%arg7 : memref<125x80xi32, #tpu.memory_space<vmem>>)
    %barrier3A = arith.constant 0 : index
    tpu.barrier barrier_id(%barrier3A)
    %dma_start3A_71 = arith.constant 0 : i32
    %dma_start3A_72 = arith.constant 0 : i32
    %dma_start3A_73 = arith.constant 0 : i32
    %dma_start3A_74 = tpu.memref_slice %arg8[%dma_start3A_71, %dma_start3A_72, %dma_start3A_73] : memref<2x80x128xf32, #tpu.memory_space<vmem>> -> memref<1x80x128xf32, #tpu.memory_space<vmem>>
    %dma_start3A_75 = tpu.memref_squeeze %dma_start3A_74 : memref<1x80x128xf32, #tpu.memory_space<vmem>> -> memref<80x128xf32, #tpu.memory_space<vmem>>
    %dma_start3A_76 = arith.constant 0 : i32
    %dma_start3A_77 = tpu.memref_slice %arg6[%dma_start3A_76] : memref<10000xi32, #tpu.memory_space<vmem>> -> memref<80xi32, #tpu.memory_space<vmem>>
    %dma_start3A_78 = arith.constant 0 : i32
    %dma_start3A_79 = arith.constant 0 : i32
    %dma_start3A_80 = tpu.memref_slice %arg2[%dma_start3A_78, %dma_start3A_79] : memref<10000x128xf32, #tpu.memory_space<hbm>> -> memref<10000x128xf32, #tpu.memory_space<hbm>>
    tpu.enqueue_indirect_dma source(%dma_start3A_80 : memref<10000x128xf32, #tpu.memory_space<hbm>>) target(%dma_start3A_75 : memref<80x128xf32, #tpu.memory_space<vmem>>) offsets(%dma_start3A_77 : memref<80xi32, #tpu.memory_space<vmem>>) semaphore(%arg10 : memref<!tpu.dma_semaphore, #tpu.memory_space<semaphore_mem>>)
    %dma_start3A_81 = arith.constant 1 : i32
    %dma_start3A_82 = arith.constant 0 : i32
    %dma_start3A_83 = arith.constant 0 : i32
    %dma_start3A_84 = tpu.memref_slice %arg8[%dma_start3A_81, %dma_start3A_82, %dma_start3A_83] : memref<2x80x128xf32, #tpu.memory_space<vmem>> -> memref<1x80x128xf32, #tpu.memory_space<vmem>>
    %dma_start3A_85 = tpu.memref_squeeze %dma_start3A_84 : memref<1x80x128xf32, #tpu.memory_space<vmem>> -> memref<80x128xf32, #tpu.memory_space<vmem>>
    %dma_start3A_86 = arith.constant 80 : i32
    %dma_start3A_87 = tpu.memref_slice %arg6[%dma_start3A_86] : memref<10000xi32, #tpu.memory_space<vmem>> -> memref<80xi32, #tpu.memory_space<vmem>>
    %dma_start3A_88 = arith.constant 0 : i32
    %dma_start3A_89 = arith.constant 0 : i32
    %dma_start3A_90 = tpu.memref_slice %arg2[%dma_start3A_88, %dma_start3A_89] : memref<10000x128xf32, #tpu.memory_space<hbm>> -> memref<10000x128xf32, #tpu.memory_space<hbm>>
    tpu.enqueue_indirect_dma source(%dma_start3A_90 : memref<10000x128xf32, #tpu.memory_space<hbm>>) target(%dma_start3A_85 : memref<80x128xf32, #tpu.memory_space<vmem>>) offsets(%dma_start3A_87 : memref<80xi32, #tpu.memory_space<vmem>>) semaphore(%arg11 : memref<!tpu.dma_semaphore, #tpu.memory_space<semaphore_mem>>)
    %scan3A_91 = arith.constant 0 : i32
    %scan3A_92 = arith.constant 0 : i32
    %scan3A_93 = arith.constant 62 : i32
    %scan3A_94 = arith.addi %scan3A_92, %scan3A_93 : i32
    %scan3A_95 = arith.constant 1 : i32
    scf.for %scan3A_112 = %scan3A_92 to %scan3A_94 step %scan3A_95  : i32 {
      %mul3A_113 = arith.constant 2 : i32
      %mul3A_114 = arith.muli %scan3A_112, %mul3A_113 : i32
      %mul3A_115 = arith.constant 80 : i32
      %mul3A_116 = arith.muli %mul3A_114, %mul3A_115 : i32
      %dma_wait3A_117 = arith.constant 0 : i32
      %dma_wait3A_118 = arith.constant 0 : i32
      %dma_wait3A_119 = arith.constant 0 : i32
      %dma_wait3A_120 = tpu.memref_slice %arg8[%dma_wait3A_117, %dma_wait3A_118, %dma_wait3A_119] : memref<2x80x128xf32, #tpu.memory_space<vmem>> -> memref<1x80x128xf32, #tpu.memory_space<vmem>>
      %dma_wait3A_121 = tpu.memref_squeeze %dma_wait3A_120 : memref<1x80x128xf32, #tpu.memory_space<vmem>> -> memref<80x128xf32, #tpu.memory_space<vmem>>
      %dma_wait3A_122 = tpu.memref_slice %arg6[%mul3A_116] : memref<10000xi32, #tpu.memory_space<vmem>> -> memref<80xi32, #tpu.memory_space<vmem>>
      %dma_wait3A_123 = arith.constant 0 : i32
      %dma_wait3A_124 = arith.constant 0 : i32
      %dma_wait3A_125 = tpu.memref_slice %arg2[%dma_wait3A_123, %dma_wait3A_124] : memref<10000x128xf32, #tpu.memory_space<hbm>> -> memref<10000x128xf32, #tpu.memory_space<hbm>>
      tpu.wait_indirect_dma semaphore(%arg10 : memref<!tpu.dma_semaphore, #tpu.memory_space<semaphore_mem>>) src(%dma_wait3A_125 : memref<10000x128xf32, #tpu.memory_space<hbm>>) dst(%dma_wait3A_121 : memref<80x128xf32, #tpu.memory_space<vmem>>)
      %run_scoped3A_126 = arith.constant 0 : i32
      "tpu.region"() ({
        %run_scoped3A_154 = tpu.sem_alloc : memref<!tpu.dma_semaphore, #tpu.memory_space<semaphore_mem>>
        %dma_start3A_155 = arith.constant 0 : i32
        %dma_start3A_156 = arith.constant 0 : i32
        %dma_start3A_157 = tpu.memref_slice %arg8[%run_scoped3A_126, %dma_start3A_155, %dma_start3A_156] : memref<2x80x128xf32, #tpu.memory_space<vmem>> -> memref<1x80x128xf32, #tpu.memory_space<vmem>>
        %dma_start3A_158 = tpu.memref_squeeze %dma_start3A_157 : memref<1x80x128xf32, #tpu.memory_space<vmem>> -> memref<80x128xf32, #tpu.memory_space<vmem>>
        %dma_start3A_159 = arith.constant 0 : i32
        %dma_start3A_160 = tpu.memref_slice %arg7[%mul3A_114, %dma_start3A_159] : memref<125x80xi32, #tpu.memory_space<vmem>> -> memref<1x80xi32, #tpu.memory_space<vmem>>
        %dma_start3A_161 = tpu.memref_squeeze %dma_start3A_160 : memref<1x80xi32, #tpu.memory_space<vmem>> -> memref<80xi32, #tpu.memory_space<vmem>>
        %dma_start3A_162 = arith.constant 0 : i32
        %dma_start3A_163 = arith.constant 0 : i32
        %dma_start3A_164 = tpu.memref_slice %arg9[%dma_start3A_162, %dma_start3A_163] : memref<10112x128xf32, #tpu.memory_space<vmem_shared>> -> memref<10112x128xf32, #tpu.memory_space<vmem_shared>>
        tpu.enqueue_indirect_dma source(%dma_start3A_158 : memref<80x128xf32, #tpu.memory_space<vmem>>) target(%dma_start3A_164 : memref<10112x128xf32, #tpu.memory_space<vmem_shared>>) offsets(%dma_start3A_161 : memref<80xi32, #tpu.memory_space<vmem>>) semaphore(%run_scoped3A_154 : memref<!tpu.dma_semaphore, #tpu.memory_space<semaphore_mem>>) {add = true}
        %dma_wait3A_165 = arith.constant 0 : i32
        %dma_wait3A_166 = arith.constant 0 : i32
        %dma_wait3A_167 = tpu.memref_slice %arg8[%run_scoped3A_126, %dma_wait3A_165, %dma_wait3A_166] : memref<2x80x128xf32, #tpu.memory_space<vmem>> -> memref<1x80x128xf32, #tpu.memory_space<vmem>>
        %dma_wait3A_168 = tpu.memref_squeeze %dma_wait3A_167 : memref<1x80x128xf32, #tpu.memory_space<vmem>> -> memref<80x128xf32, #tpu.memory_space<vmem>>
        %dma_wait3A_169 = arith.constant 0 : i32
        %dma_wait3A_170 = tpu.memref_slice %arg7[%mul3A_114, %dma_wait3A_169] : memref<125x80xi32, #tpu.memory_space<vmem>> -> memref<1x80xi32, #tpu.memory_space<vmem>>
        %dma_wait3A_171 = tpu.memref_squeeze %dma_wait3A_170 : memref<1x80xi32, #tpu.memory_space<vmem>> -> memref<80xi32, #tpu.memory_space<vmem>>
        %dma_wait3A_172 = arith.constant 0 : i32
        %dma_wait3A_173 = arith.constant 0 : i32
        %dma_wait3A_174 = tpu.memref_slice %arg9[%dma_wait3A_172, %dma_wait3A_173] : memref<10112x128xf32, #tpu.memory_space<vmem_shared>> -> memref<10112x128xf32, #tpu.memory_space<vmem_shared>>
        tpu.wait_indirect_dma semaphore(%run_scoped3A_154 : memref<!tpu.dma_semaphore, #tpu.memory_space<semaphore_mem>>) src(%dma_wait3A_168 : memref<80x128xf32, #tpu.memory_space<vmem>>) dst(%dma_wait3A_174 : memref<10112x128xf32, #tpu.memory_space<vmem_shared>>)
        tpu.yield
      }) : () -> ()
      %add3A_127 = arith.constant 2 : i32
      %add3A_128 = arith.addi %mul3A_114, %add3A_127 : i32
      %lt3A = arith.constant 125 : i32
      %lt3A_129 = arith.cmpi slt, %add3A_128, %lt3A : i32
      %convert_element_type3A = arith.extui %lt3A_129 : i1 to i32
      %cond3A = arith.constant 0 : i32
      %cond3A_130 = arith.cmpi ne, %convert_element_type3A, %cond3A : i32
      scf.if %cond3A_130 {
        %add3A_154 = arith.constant 2 : i32
        %add3A_155 = arith.addi %mul3A_114, %add3A_154 : i32
        %mul3A_156 = arith.constant 80 : i32
        %mul3A_157 = arith.muli %add3A_155, %mul3A_156 : i32
        %dma_start3A_158 = arith.constant 0 : i32
        %dma_start3A_159 = arith.constant 0 : i32
        %dma_start3A_160 = arith.constant 0 : i32
        %dma_start3A_161 = tpu.memref_slice %arg8[%dma_start3A_158, %dma_start3A_159, %dma_start3A_160] : memref<2x80x128xf32, #tpu.memory_space<vmem>> -> memref<1x80x128xf32, #tpu.memory_space<vmem>>
        %dma_start3A_162 = tpu.memref_squeeze %dma_start3A_161 : memref<1x80x128xf32, #tpu.memory_space<vmem>> -> memref<80x128xf32, #tpu.memory_space<vmem>>
        %dma_start3A_163 = tpu.memref_slice %arg6[%mul3A_157] : memref<10000xi32, #tpu.memory_space<vmem>> -> memref<80xi32, #tpu.memory_space<vmem>>
        %dma_start3A_164 = arith.constant 0 : i32
        %dma_start3A_165 = arith.constant 0 : i32
        %dma_start3A_166 = tpu.memref_slice %arg2[%dma_start3A_164, %dma_start3A_165] : memref<10000x128xf32, #tpu.memory_space<hbm>> -> memref<10000x128xf32, #tpu.memory_space<hbm>>
        tpu.enqueue_indirect_dma source(%dma_start3A_166 : memref<10000x128xf32, #tpu.memory_space<hbm>>) target(%dma_start3A_162 : memref<80x128xf32, #tpu.memory_space<vmem>>) offsets(%dma_start3A_163 : memref<80xi32, #tpu.memory_space<vmem>>) semaphore(%arg10 : memref<!tpu.dma_semaphore, #tpu.memory_space<semaphore_mem>>)
      } else {
      }
      %add3A_131 = arith.constant 1 : i32
      %add3A_132 = arith.addi %mul3A_114, %add3A_131 : i32
      %mul3A_133 = arith.constant 80 : i32
      %mul3A_134 = arith.muli %add3A_132, %mul3A_133 : i32
      %dma_wait3A_135 = arith.constant 1 : i32
      %dma_wait3A_136 = arith.constant 0 : i32
      %dma_wait3A_137 = arith.constant 0 : i32
      %dma_wait3A_138 = tpu.memref_slice %arg8[%dma_wait3A_135, %dma_wait3A_136, %dma_wait3A_137] : memref<2x80x128xf32, #tpu.memory_space<vmem>> -> memref<1x80x128xf32, #tpu.memory_space<vmem>>
      %dma_wait3A_139 = tpu.memref_squeeze %dma_wait3A_138 : memref<1x80x128xf32, #tpu.memory_space<vmem>> -> memref<80x128xf32, #tpu.memory_space<vmem>>
      %dma_wait3A_140 = tpu.memref_slice %arg6[%mul3A_134] : memref<10000xi32, #tpu.memory_space<vmem>> -> memref<80xi32, #tpu.memory_space<vmem>>
      %dma_wait3A_141 = arith.constant 0 : i32
      %dma_wait3A_142 = arith.constant 0 : i32
      %dma_wait3A_143 = tpu.memref_slice %arg2[%dma_wait3A_141, %dma_wait3A_142] : memref<10000x128xf32, #tpu.memory_space<hbm>> -> memref<10000x128xf32, #tpu.memory_space<hbm>>
      tpu.wait_indirect_dma semaphore(%arg11 : memref<!tpu.dma_semaphore, #tpu.memory_space<semaphore_mem>>) src(%dma_wait3A_143 : memref<10000x128xf32, #tpu.memory_space<hbm>>) dst(%dma_wait3A_139 : memref<80x128xf32, #tpu.memory_space<vmem>>)
      %add3A_144 = arith.constant 1 : i32
      %add3A_145 = arith.addi %mul3A_114, %add3A_144 : i32
      %run_scoped3A_146 = arith.constant 1 : i32
      "tpu.region"() ({
        %run_scoped3A_154 = tpu.sem_alloc : memref<!tpu.dma_semaphore, #tpu.memory_space<semaphore_mem>>
        %dma_start3A_155 = arith.constant 0 : i32
        %dma_start3A_156 = arith.constant 0 : i32
        %dma_start3A_157 = tpu.memref_slice %arg8[%run_scoped3A_146, %dma_start3A_155, %dma_start3A_156] : memref<2x80x128xf32, #tpu.memory_space<vmem>> -> memref<1x80x128xf32, #tpu.memory_space<vmem>>
        %dma_start3A_158 = tpu.memref_squeeze %dma_start3A_157 : memref<1x80x128xf32, #tpu.memory_space<vmem>> -> memref<80x128xf32, #tpu.memory_space<vmem>>
        %dma_start3A_159 = arith.constant 0 : i32
        %dma_start3A_160 = tpu.memref_slice %arg7[%add3A_145, %dma_start3A_159] : memref<125x80xi32, #tpu.memory_space<vmem>> -> memref<1x80xi32, #tpu.memory_space<vmem>>
        %dma_start3A_161 = tpu.memref_squeeze %dma_start3A_160 : memref<1x80xi32, #tpu.memory_space<vmem>> -> memref<80xi32, #tpu.memory_space<vmem>>
        %dma_start3A_162 = arith.constant 0 : i32
        %dma_start3A_163 = arith.constant 0 : i32
        %dma_start3A_164 = tpu.memref_slice %arg9[%dma_start3A_162, %dma_start3A_163] : memref<10112x128xf32, #tpu.memory_space<vmem_shared>> -> memref<10112x128xf32, #tpu.memory_space<vmem_shared>>
        tpu.enqueue_indirect_dma source(%dma_start3A_158 : memref<80x128xf32, #tpu.memory_space<vmem>>) target(%dma_start3A_164 : memref<10112x128xf32, #tpu.memory_space<vmem_shared>>) offsets(%dma_start3A_161 : memref<80xi32, #tpu.memory_space<vmem>>) semaphore(%run_scoped3A_154 : memref<!tpu.dma_semaphore, #tpu.memory_space<semaphore_mem>>) {add = true}
        %dma_wait3A_165 = arith.constant 0 : i32
        %dma_wait3A_166 = arith.constant 0 : i32
        %dma_wait3A_167 = tpu.memref_slice %arg8[%run_scoped3A_146, %dma_wait3A_165, %dma_wait3A_166] : memref<2x80x128xf32, #tpu.memory_space<vmem>> -> memref<1x80x128xf32, #tpu.memory_space<vmem>>
        %dma_wait3A_168 = tpu.memref_squeeze %dma_wait3A_167 : memref<1x80x128xf32, #tpu.memory_space<vmem>> -> memref<80x128xf32, #tpu.memory_space<vmem>>
        %dma_wait3A_169 = arith.constant 0 : i32
        %dma_wait3A_170 = tpu.memref_slice %arg7[%add3A_145, %dma_wait3A_169] : memref<125x80xi32, #tpu.memory_space<vmem>> -> memref<1x80xi32, #tpu.memory_space<vmem>>
        %dma_wait3A_171 = tpu.memref_squeeze %dma_wait3A_170 : memref<1x80xi32, #tpu.memory_space<vmem>> -> memref<80xi32, #tpu.memory_space<vmem>>
        %dma_wait3A_172 = arith.constant 0 : i32
        %dma_wait3A_173 = arith.constant 0 : i32
        %dma_wait3A_174 = tpu.memref_slice %arg9[%dma_wait3A_172, %dma_wait3A_173] : memref<10112x128xf32, #tpu.memory_space<vmem_shared>> -> memref<10112x128xf32, #tpu.memory_space<vmem_shared>>
        tpu.wait_indirect_dma semaphore(%run_scoped3A_154 : memref<!tpu.dma_semaphore, #tpu.memory_space<semaphore_mem>>) src(%dma_wait3A_168 : memref<80x128xf32, #tpu.memory_space<vmem>>) dst(%dma_wait3A_174 : memref<10112x128xf32, #tpu.memory_space<vmem_shared>>)
        tpu.yield
      }) : () -> ()
      %add3A_147 = arith.constant 3 : i32
      %add3A_148 = arith.addi %mul3A_114, %add3A_147 : i32
      %lt3A_149 = arith.constant 125 : i32
      %lt3A_150 = arith.cmpi slt, %add3A_148, %lt3A_149 : i32
      %convert_element_type3A_151 = arith.extui %lt3A_150 : i1 to i32
      %cond3A_152 = arith.constant 0 : i32
      %cond3A_153 = arith.cmpi ne, %convert_element_type3A_151, %cond3A_152 : i32
      scf.if %cond3A_153 {
        %add3A_154 = arith.constant 3 : i32
        %add3A_155 = arith.addi %mul3A_114, %add3A_154 : i32
        %mul3A_156 = arith.constant 80 : i32
        %mul3A_157 = arith.muli %add3A_155, %mul3A_156 : i32
        %dma_start3A_158 = arith.constant 1 : i32
        %dma_start3A_159 = arith.constant 0 : i32
        %dma_start3A_160 = arith.constant 0 : i32
        %dma_start3A_161 = tpu.memref_slice %arg8[%dma_start3A_158, %dma_start3A_159, %dma_start3A_160] : memref<2x80x128xf32, #tpu.memory_space<vmem>> -> memref<1x80x128xf32, #tpu.memory_space<vmem>>
        %dma_start3A_162 = tpu.memref_squeeze %dma_start3A_161 : memref<1x80x128xf32, #tpu.memory_space<vmem>> -> memref<80x128xf32, #tpu.memory_space<vmem>>
        %dma_start3A_163 = tpu.memref_slice %arg6[%mul3A_157] : memref<10000xi32, #tpu.memory_space<vmem>> -> memref<80xi32, #tpu.memory_space<vmem>>
        %dma_start3A_164 = arith.constant 0 : i32
        %dma_start3A_165 = arith.constant 0 : i32
        %dma_start3A_166 = tpu.memref_slice %arg2[%dma_start3A_164, %dma_start3A_165] : memref<10000x128xf32, #tpu.memory_space<hbm>> -> memref<10000x128xf32, #tpu.memory_space<hbm>>
        tpu.enqueue_indirect_dma source(%dma_start3A_166 : memref<10000x128xf32, #tpu.memory_space<hbm>>) target(%dma_start3A_162 : memref<80x128xf32, #tpu.memory_space<vmem>>) offsets(%dma_start3A_163 : memref<80xi32, #tpu.memory_space<vmem>>) semaphore(%arg11 : memref<!tpu.dma_semaphore, #tpu.memory_space<semaphore_mem>>)
      } else {
      }
    }
    %scan3A_96 = arith.constant 62 : i32
    %dma_wait3A_97 = arith.constant 0 : i32
    %dma_wait3A_98 = arith.constant 0 : i32
    %dma_wait3A_99 = arith.constant 0 : i32
    %dma_wait3A_100 = tpu.memref_slice %arg8[%dma_wait3A_97, %dma_wait3A_98, %dma_wait3A_99] : memref<2x80x128xf32, #tpu.memory_space<vmem>> -> memref<1x80x128xf32, #tpu.memory_space<vmem>>
    %dma_wait3A_101 = tpu.memref_squeeze %dma_wait3A_100 : memref<1x80x128xf32, #tpu.memory_space<vmem>> -> memref<80x128xf32, #tpu.memory_space<vmem>>
    %dma_wait3A_102 = arith.constant 9920 : i32
    %dma_wait3A_103 = tpu.memref_slice %arg6[%dma_wait3A_102] : memref<10000xi32, #tpu.memory_space<vmem>> -> memref<80xi32, #tpu.memory_space<vmem>>
    %dma_wait3A_104 = arith.constant 0 : i32
    %dma_wait3A_105 = arith.constant 0 : i32
    %dma_wait3A_106 = tpu.memref_slice %arg2[%dma_wait3A_104, %dma_wait3A_105] : memref<10000x128xf32, #tpu.memory_space<hbm>> -> memref<10000x128xf32, #tpu.memory_space<hbm>>
    tpu.wait_indirect_dma semaphore(%arg10 : memref<!tpu.dma_semaphore, #tpu.memory_space<semaphore_mem>>) src(%dma_wait3A_106 : memref<10000x128xf32, #tpu.memory_space<hbm>>) dst(%dma_wait3A_101 : memref<80x128xf32, #tpu.memory_space<vmem>>)
    %run_scoped3A_107 = arith.constant 0 : i32
    %run_scoped3A_108 = arith.constant 124 : i32
    "tpu.region"() ({
      %run_scoped3A_112 = tpu.sem_alloc : memref<!tpu.dma_semaphore, #tpu.memory_space<semaphore_mem>>
      %dma_start3A_113 = arith.constant 0 : i32
      %dma_start3A_114 = arith.constant 0 : i32
      %dma_start3A_115 = tpu.memref_slice %arg8[%run_scoped3A_107, %dma_start3A_113, %dma_start3A_114] : memref<2x80x128xf32, #tpu.memory_space<vmem>> -> memref<1x80x128xf32, #tpu.memory_space<vmem>>
      %dma_start3A_116 = tpu.memref_squeeze %dma_start3A_115 : memref<1x80x128xf32, #tpu.memory_space<vmem>> -> memref<80x128xf32, #tpu.memory_space<vmem>>
      %dma_start3A_117 = arith.constant 0 : i32
      %dma_start3A_118 = tpu.memref_slice %arg7[%run_scoped3A_108, %dma_start3A_117] : memref<125x80xi32, #tpu.memory_space<vmem>> -> memref<1x80xi32, #tpu.memory_space<vmem>>
      %dma_start3A_119 = tpu.memref_squeeze %dma_start3A_118 : memref<1x80xi32, #tpu.memory_space<vmem>> -> memref<80xi32, #tpu.memory_space<vmem>>
      %dma_start3A_120 = arith.constant 0 : i32
      %dma_start3A_121 = arith.constant 0 : i32
      %dma_start3A_122 = tpu.memref_slice %arg9[%dma_start3A_120, %dma_start3A_121] : memref<10112x128xf32, #tpu.memory_space<vmem_shared>> -> memref<10112x128xf32, #tpu.memory_space<vmem_shared>>
      tpu.enqueue_indirect_dma source(%dma_start3A_116 : memref<80x128xf32, #tpu.memory_space<vmem>>) target(%dma_start3A_122 : memref<10112x128xf32, #tpu.memory_space<vmem_shared>>) offsets(%dma_start3A_119 : memref<80xi32, #tpu.memory_space<vmem>>) semaphore(%run_scoped3A_112 : memref<!tpu.dma_semaphore, #tpu.memory_space<semaphore_mem>>) {add = true}
      %dma_wait3A_123 = arith.constant 0 : i32
      %dma_wait3A_124 = arith.constant 0 : i32
      %dma_wait3A_125 = tpu.memref_slice %arg8[%run_scoped3A_107, %dma_wait3A_123, %dma_wait3A_124] : memref<2x80x128xf32, #tpu.memory_space<vmem>> -> memref<1x80x128xf32, #tpu.memory_space<vmem>>
      %dma_wait3A_126 = tpu.memref_squeeze %dma_wait3A_125 : memref<1x80x128xf32, #tpu.memory_space<vmem>> -> memref<80x128xf32, #tpu.memory_space<vmem>>
      %dma_wait3A_127 = arith.constant 0 : i32
      %dma_wait3A_128 = tpu.memref_slice %arg7[%run_scoped3A_108, %dma_wait3A_127] : memref<125x80xi32, #tpu.memory_space<vmem>> -> memref<1x80xi32, #tpu.memory_space<vmem>>
      %dma_wait3A_129 = tpu.memref_squeeze %dma_wait3A_128 : memref<1x80xi32, #tpu.memory_space<vmem>> -> memref<80xi32, #tpu.memory_space<vmem>>
      %dma_wait3A_130 = arith.constant 0 : i32
      %dma_wait3A_131 = arith.constant 0 : i32
      %dma_wait3A_132 = tpu.memref_slice %arg9[%dma_wait3A_130, %dma_wait3A_131] : memref<10112x128xf32, #tpu.memory_space<vmem_shared>> -> memref<10112x128xf32, #tpu.memory_space<vmem_shared>>
      tpu.wait_indirect_dma semaphore(%run_scoped3A_112 : memref<!tpu.dma_semaphore, #tpu.memory_space<semaphore_mem>>) src(%dma_wait3A_126 : memref<80x128xf32, #tpu.memory_space<vmem>>) dst(%dma_wait3A_132 : memref<10112x128xf32, #tpu.memory_space<vmem_shared>>)
      tpu.yield
    }) : () -> ()
    %barrier3A_109 = arith.constant 0 : index
    tpu.barrier barrier_id(%barrier3A_109)
    %mul3A_110 = arith.constant 632 : i32
    %mul3A_111 = arith.muli %arg1, %mul3A_110 : i32
    "tpu.region"() ({
      %run_scoped3A_112 = tpu.sem_alloc : memref<!tpu.dma_semaphore, #tpu.memory_space<semaphore_mem>>
      %dma_start3A_113 = arith.constant 0 : i32
      %dma_start3A_114 = tpu.memref_slice %arg5[%arg0, %mul3A_111, %dma_start3A_113] : memref<2x10112x128xf32, #tpu.memory_space<hbm>> -> memref<1x632x128xf32, #tpu.memory_space<hbm>>
      %dma_start3A_115 = tpu.memref_squeeze %dma_start3A_114 : memref<1x632x128xf32, #tpu.memory_space<hbm>> -> memref<632x128xf32, #tpu.memory_space<hbm>>
      %dma_start3A_116 = arith.constant 0 : i32
      %dma_start3A_117 = tpu.memref_slice %arg9[%mul3A_111, %dma_start3A_116] : memref<10112x128xf32, #tpu.memory_space<vmem_shared>> -> memref<632x128xf32, #tpu.memory_space<vmem_shared>>
      tpu.enqueue_dma source(%dma_start3A_117 : memref<632x128xf32, #tpu.memory_space<vmem_shared>>) target(%dma_start3A_115 : memref<632x128xf32, #tpu.memory_space<hbm>>) target_semaphore(%run_scoped3A_112 : memref<!tpu.dma_semaphore, #tpu.memory_space<semaphore_mem>>)
      %dma_wait3A_118 = arith.constant 0 : i32
      %dma_wait3A_119 = tpu.memref_slice %arg5[%arg0, %mul3A_111, %dma_wait3A_118] : memref<2x10112x128xf32, #tpu.memory_space<hbm>> -> memref<1x632x128xf32, #tpu.memory_space<hbm>>
      %dma_wait3A_120 = tpu.memref_squeeze %dma_wait3A_119 : memref<1x632x128xf32, #tpu.memory_space<hbm>> -> memref<632x128xf32, #tpu.memory_space<hbm>>
      %dma_wait3A_121 = arith.constant 0 : i32
      %dma_wait3A_122 = tpu.memref_slice %arg9[%mul3A_111, %dma_wait3A_121] : memref<10112x128xf32, #tpu.memory_space<vmem_shared>> -> memref<632x128xf32, #tpu.memory_space<vmem_shared>>
      tpu.wait_dma2 semaphore(%run_scoped3A_112 : memref<!tpu.dma_semaphore, #tpu.memory_space<semaphore_mem>>) src(%dma_wait3A_122 : memref<632x128xf32, #tpu.memory_space<vmem_shared>>) dst(%dma_wait3A_120 : memref<632x128xf32, #tpu.memory_space<hbm>>)
      tpu.yield
    }) : () -> ()
    return
  }
}

#map = affine_map<(d0, d1) -> (0, 0, 0, 0)>
#map1 = affine_map<(d0, d1) -> (0)>
module attributes {stable_mosaic.version = 14 : i64} {
  func.func @_deg_kernel(%arg0: i32, %arg1: i32, %arg2: memref<2x16x160x125xi32, #tpu.memory_space<hbm>>, %arg3: memref<20224xf32, #tpu.memory_space<hbm>>, %arg4: memref<160x125xi32, #tpu.memory_space<vmem>>, %arg5: memref<128xf32, #tpu.memory_space<vmem>>, %arg6: memref<640xf32, #tpu.memory_space<vmem>>, %arg7: memref<10112xf32, #tpu.memory_space<vmem_shared>>, %arg8: memref<!tpu.dma_semaphore, #tpu.memory_space<semaphore_mem>>) attributes {dimension_semantics = [#tpu.dimension_semantics<core_parallel>, #tpu.dimension_semantics<subcore_parallel>], iteration_bounds = array<i64: 2, 16>, scalar_prefetch = 0 : i64, scratch_operands = 5 : i64, tpu.core_type = #tpu.core_type<sc_vector_subcore>, window_params = [{transform_indices = #map}, {transform_indices = #map1}]} {
    %dma_start3A = arith.constant 0 : i32
    %dma_start3A_0 = arith.constant 0 : i32
    %dma_start3A_1 = tpu.memref_slice %arg2[%arg0, %arg1, %dma_start3A, %dma_start3A_0] : memref<2x16x160x125xi32, #tpu.memory_space<hbm>> -> memref<1x1x160x125xi32, #tpu.memory_space<hbm>>
    %dma_start3A_2 = tpu.memref_squeeze %dma_start3A_1 : memref<1x1x160x125xi32, #tpu.memory_space<hbm>> -> memref<160x125xi32, #tpu.memory_space<hbm>>
    %dma_start3A_3 = arith.constant 0 : i32
    %dma_start3A_4 = arith.constant 0 : i32
    %dma_start3A_5 = tpu.memref_slice %arg2[%arg0, %arg1, %dma_start3A_3, %dma_start3A_4] : memref<2x16x160x125xi32, #tpu.memory_space<hbm>> -> memref<1x1x160x125xi32, #tpu.memory_space<hbm>>
    %dma_start3A_6 = tpu.memref_squeeze %dma_start3A_5 : memref<1x1x160x125xi32, #tpu.memory_space<hbm>> -> memref<160x125xi32, #tpu.memory_space<hbm>>
    tpu.enqueue_dma source(%dma_start3A_6 : memref<160x125xi32, #tpu.memory_space<hbm>>) target(%arg4 : memref<160x125xi32, #tpu.memory_space<vmem>>) target_semaphore(%arg8 : memref<!tpu.dma_semaphore, #tpu.memory_space<semaphore_mem>>)
    %scan3A = arith.constant 0 : i32
    %scan3A_7 = arith.constant 0 : i32
    %scan3A_8 = arith.constant 8 : i32
    %scan3A_9 = arith.addi %scan3A_7, %scan3A_8 : i32
    %scan3A_10 = arith.constant 1 : i32
    scf.for %scan3A_37 = %scan3A_7 to %scan3A_9 step %scan3A_10  : i32 {
      %broadcast_in_dim3A = arith.constant 1.000000e+00 : f32
      %broadcast_in_dim3A_38 = vector.broadcast %broadcast_in_dim3A : f32 to vector<16xf32>
      %mul3A_39 = arith.constant 16 : i32
      %mul3A_40 = arith.muli %scan3A_37, %mul3A_39 : i32
      %swap3A = arith.index_cast %mul3A_40 : i32 to index
      %swap3A_41 = tpu.vector_load %arg5[%swap3A] {strides = array<i32>} : memref<128xf32, #tpu.memory_space<vmem>>, vector<16xf32>,
      %swap3A_42 = vector.shape_cast %swap3A_41 : vector<16xf32> to vector<16xf32>
      %swap3A_43 = vector.shape_cast %broadcast_in_dim3A_38 : vector<16xf32> to vector<16xf32>
      tpu.vector_store %arg5[%swap3A], %swap3A_43 {strides = array<i32>} : memref<128xf32, #tpu.memory_space<vmem>>, vector<16xf32>,
    }
    %scan3A_11 = arith.constant 8 : i32
    %scan3A_12 = arith.constant 0 : i32
    %scan3A_13 = arith.constant 0 : i32
    %scan3A_14 = arith.constant 40 : i32
    %scan3A_15 = arith.addi %scan3A_13, %scan3A_14 : i32
    %scan3A_16 = arith.constant 1 : i32
    scf.for %scan3A_37 = %scan3A_13 to %scan3A_15 step %scan3A_16  : i32 {
      %broadcast_in_dim3A = arith.constant 0.000000e+00 : f32
      %broadcast_in_dim3A_38 = vector.broadcast %broadcast_in_dim3A : f32 to vector<16xf32>
      %mul3A_39 = arith.constant 16 : i32
      %mul3A_40 = arith.muli %scan3A_37, %mul3A_39 : i32
      %swap3A = arith.index_cast %mul3A_40 : i32 to index
      %swap3A_41 = tpu.vector_load %arg6[%swap3A] {strides = array<i32>} : memref<640xf32, #tpu.memory_space<vmem>>, vector<16xf32>,
      %swap3A_42 = vector.shape_cast %swap3A_41 : vector<16xf32> to vector<16xf32>
      %swap3A_43 = vector.shape_cast %broadcast_in_dim3A_38 : vector<16xf32> to vector<16xf32>
      tpu.vector_store %arg6[%swap3A], %swap3A_43 {strides = array<i32>} : memref<640xf32, #tpu.memory_space<vmem>>, vector<16xf32>,
    }
    %scan3A_17 = arith.constant 40 : i32
    %mul3A = arith.constant 632 : i32
    %mul3A_18 = arith.muli %arg1, %mul3A : i32
    "tpu.region"() ({
      %run_scoped3A = tpu.sem_alloc : memref<!tpu.dma_semaphore, #tpu.memory_space<semaphore_mem>>
      %dma_start3A_37 = arith.constant 0 : i32
      %dma_start3A_38 = tpu.memref_slice %arg6[%dma_start3A_37] : memref<640xf32, #tpu.memory_space<vmem>> -> memref<632xf32, #tpu.memory_space<vmem>>
      %dma_start3A_39 = tpu.memref_slice %arg7[%mul3A_18] : memref<10112xf32, #tpu.memory_space<vmem_shared>> -> memref<632xf32, #tpu.memory_space<vmem_shared>>
      %dma_start3A_40 = tpu.memref_slice %arg7[%mul3A_18] : memref<10112xf32, #tpu.memory_space<vmem_shared>> -> memref<632xf32, #tpu.memory_space<vmem_shared>>
      %dma_start3A_41 = arith.constant 0 : i32
      %dma_start3A_42 = tpu.memref_slice %arg6[%dma_start3A_41] : memref<640xf32, #tpu.memory_space<vmem>> -> memref<632xf32, #tpu.memory_space<vmem>>
      tpu.enqueue_dma source(%dma_start3A_42 : memref<632xf32, #tpu.memory_space<vmem>>) target(%dma_start3A_40 : memref<632xf32, #tpu.memory_space<vmem_shared>>) target_semaphore(%run_scoped3A : memref<!tpu.dma_semaphore, #tpu.memory_space<semaphore_mem>>)
      %dma_wait3A_43 = arith.constant 0 : i32
      %dma_wait3A_44 = tpu.memref_slice %arg6[%dma_wait3A_43] : memref<640xf32, #tpu.memory_space<vmem>> -> memref<632xf32, #tpu.memory_space<vmem>>
      %dma_wait3A_45 = tpu.memref_slice %arg7[%mul3A_18] : memref<10112xf32, #tpu.memory_space<vmem_shared>> -> memref<632xf32, #tpu.memory_space<vmem_shared>>
      %dma_wait3A_46 = tpu.memref_slice %arg7[%mul3A_18] : memref<10112xf32, #tpu.memory_space<vmem_shared>> -> memref<632xf32, #tpu.memory_space<vmem_shared>>
      %dma_wait3A_47 = arith.constant 0 : i32
      %dma_wait3A_48 = tpu.memref_slice %arg6[%dma_wait3A_47] : memref<640xf32, #tpu.memory_space<vmem>> -> memref<632xf32, #tpu.memory_space<vmem>>
      tpu.wait_dma2 semaphore(%run_scoped3A : memref<!tpu.dma_semaphore, #tpu.memory_space<semaphore_mem>>) src(%dma_wait3A_48 : memref<632xf32, #tpu.memory_space<vmem>>) dst(%dma_wait3A_46 : memref<632xf32, #tpu.memory_space<vmem_shared>>)
      tpu.yield
    }) : () -> ()
    %dma_wait3A = arith.constant 0 : i32
    %dma_wait3A_19 = arith.constant 0 : i32
    %dma_wait3A_20 = tpu.memref_slice %arg2[%arg0, %arg1, %dma_wait3A, %dma_wait3A_19] : memref<2x16x160x125xi32, #tpu.memory_space<hbm>> -> memref<1x1x160x125xi32, #tpu.memory_space<hbm>>
    %dma_wait3A_21 = tpu.memref_squeeze %dma_wait3A_20 : memref<1x1x160x125xi32, #tpu.memory_space<hbm>> -> memref<160x125xi32, #tpu.memory_space<hbm>>
    %dma_wait3A_22 = arith.constant 0 : i32
    %dma_wait3A_23 = arith.constant 0 : i32
    %dma_wait3A_24 = tpu.memref_slice %arg2[%arg0, %arg1, %dma_wait3A_22, %dma_wait3A_23] : memref<2x16x160x125xi32, #tpu.memory_space<hbm>> -> memref<1x1x160x125xi32, #tpu.memory_space<hbm>>
    %dma_wait3A_25 = tpu.memref_squeeze %dma_wait3A_24 : memref<1x1x160x125xi32, #tpu.memory_space<hbm>> -> memref<160x125xi32, #tpu.memory_space<hbm>>
    tpu.wait_dma2 semaphore(%arg8 : memref<!tpu.dma_semaphore, #tpu.memory_space<semaphore_mem>>) src(%dma_wait3A_25 : memref<160x125xi32, #tpu.memory_space<hbm>>) dst(%arg4 : memref<160x125xi32, #tpu.memory_space<vmem>>)
    %barrier3A = arith.constant 0 : index
    tpu.barrier barrier_id(%barrier3A)
    %scan3A_26 = arith.constant 0 : i32
    %scan3A_27 = arith.constant 0 : i32
    %scan3A_28 = arith.constant 160 : i32
    %scan3A_29 = arith.addi %scan3A_27, %scan3A_28 : i32
    %scan3A_30 = arith.constant 1 : i32
    scf.for %scan3A_37 = %scan3A_27 to %scan3A_29 step %scan3A_30  : i32 {
      "tpu.region"() ({
        %run_scoped3A = tpu.sem_alloc : memref<!tpu.dma_semaphore, #tpu.memory_space<semaphore_mem>>
        %dma_start3A_38 = arith.constant 0 : i32
        %dma_start3A_39 = tpu.memref_slice %arg5[%dma_start3A_38] : memref<128xf32, #tpu.memory_space<vmem>> -> memref<125xf32, #tpu.memory_space<vmem>>
        %dma_start3A_40 = arith.constant 0 : i32
        %dma_start3A_41 = tpu.memref_slice %arg4[%scan3A_37, %dma_start3A_40] : memref<160x125xi32, #tpu.memory_space<vmem>> -> memref<1x125xi32, #tpu.memory_space<vmem>>
        %dma_start3A_42 = tpu.memref_squeeze %dma_start3A_41 : memref<1x125xi32, #tpu.memory_space<vmem>> -> memref<125xi32, #tpu.memory_space<vmem>>
        %dma_start3A_43 = arith.constant 0 : i32
        %dma_start3A_44 = tpu.memref_slice %arg7[%dma_start3A_43] : memref<10112xf32, #tpu.memory_space<vmem_shared>> -> memref<10112xf32, #tpu.memory_space<vmem_shared>>
        tpu.enqueue_indirect_dma source(%dma_start3A_39 : memref<125xf32, #tpu.memory_space<vmem>>) target(%dma_start3A_44 : memref<10112xf32, #tpu.memory_space<vmem_shared>>) offsets(%dma_start3A_42 : memref<125xi32, #tpu.memory_space<vmem>>) semaphore(%run_scoped3A : memref<!tpu.dma_semaphore, #tpu.memory_space<semaphore_mem>>) {add = true}
        %dma_wait3A_45 = arith.constant 0 : i32
        %dma_wait3A_46 = tpu.memref_slice %arg5[%dma_wait3A_45] : memref<128xf32, #tpu.memory_space<vmem>> -> memref<125xf32, #tpu.memory_space<vmem>>
        %dma_wait3A_47 = arith.constant 0 : i32
        %dma_wait3A_48 = tpu.memref_slice %arg4[%scan3A_37, %dma_wait3A_47] : memref<160x125xi32, #tpu.memory_space<vmem>> -> memref<1x125xi32, #tpu.memory_space<vmem>>
        %dma_wait3A_49 = tpu.memref_squeeze %dma_wait3A_48 : memref<1x125xi32, #tpu.memory_space<vmem>> -> memref<125xi32, #tpu.memory_space<vmem>>
        %dma_wait3A_50 = arith.constant 0 : i32
        %dma_wait3A_51 = tpu.memref_slice %arg7[%dma_wait3A_50] : memref<10112xf32, #tpu.memory_space<vmem_shared>> -> memref<10112xf32, #tpu.memory_space<vmem_shared>>
        tpu.wait_indirect_dma semaphore(%run_scoped3A : memref<!tpu.dma_semaphore, #tpu.memory_space<semaphore_mem>>) src(%dma_wait3A_46 : memref<125xf32, #tpu.memory_space<vmem>>) dst(%dma_wait3A_51 : memref<10112xf32, #tpu.memory_space<vmem_shared>>)
        tpu.yield
      }) : () -> ()
    }
    %scan3A_31 = arith.constant 160 : i32
    %barrier3A_32 = arith.constant 0 : index
    tpu.barrier barrier_id(%barrier3A_32)
    "tpu.region"() ({
      %run_scoped3A = tpu.sem_alloc : memref<!tpu.dma_semaphore, #tpu.memory_space<semaphore_mem>>
      %dma_start3A_37 = arith.constant 0 : i32
      %dma_start3A_38 = tpu.memref_slice %arg6[%dma_start3A_37] : memref<640xf32, #tpu.memory_space<vmem>> -> memref<632xf32, #tpu.memory_space<vmem>>
      %dma_start3A_39 = tpu.memref_slice %arg7[%mul3A_18] : memref<10112xf32, #tpu.memory_space<vmem_shared>> -> memref<632xf32, #tpu.memory_space<vmem_shared>>
      %dma_start3A_40 = arith.constant 0 : i32
      %dma_start3A_41 = tpu.memref_slice %arg6[%dma_start3A_40] : memref<640xf32, #tpu.memory_space<vmem>> -> memref<632xf32, #tpu.memory_space<vmem>>
      %dma_start3A_42 = tpu.memref_slice %arg7[%mul3A_18] : memref<10112xf32, #tpu.memory_space<vmem_shared>> -> memref<632xf32, #tpu.memory_space<vmem_shared>>
      tpu.enqueue_dma source(%dma_start3A_42 : memref<632xf32, #tpu.memory_space<vmem_shared>>) target(%dma_start3A_41 : memref<632xf32, #tpu.memory_space<vmem>>) target_semaphore(%run_scoped3A : memref<!tpu.dma_semaphore, #tpu.memory_space<semaphore_mem>>)
      %dma_wait3A_43 = arith.constant 0 : i32
      %dma_wait3A_44 = tpu.memref_slice %arg6[%dma_wait3A_43] : memref<640xf32, #tpu.memory_space<vmem>> -> memref<632xf32, #tpu.memory_space<vmem>>
      %dma_wait3A_45 = tpu.memref_slice %arg7[%mul3A_18] : memref<10112xf32, #tpu.memory_space<vmem_shared>> -> memref<632xf32, #tpu.memory_space<vmem_shared>>
      %dma_wait3A_46 = arith.constant 0 : i32
      %dma_wait3A_47 = tpu.memref_slice %arg6[%dma_wait3A_46] : memref<640xf32, #tpu.memory_space<vmem>> -> memref<632xf32, #tpu.memory_space<vmem>>
      %dma_wait3A_48 = tpu.memref_slice %arg7[%mul3A_18] : memref<10112xf32, #tpu.memory_space<vmem_shared>> -> memref<632xf32, #tpu.memory_space<vmem_shared>>
      tpu.wait_dma2 semaphore(%run_scoped3A : memref<!tpu.dma_semaphore, #tpu.memory_space<semaphore_mem>>) src(%dma_wait3A_48 : memref<632xf32, #tpu.memory_space<vmem_shared>>) dst(%dma_wait3A_47 : memref<632xf32, #tpu.memory_space<vmem>>)
      tpu.yield
    }) : () -> ()
    %mul3A_33 = arith.constant 10112 : i32
    %mul3A_34 = arith.muli %arg0, %mul3A_33 : i32
    %mul3A_35 = arith.constant 632 : i32
    %mul3A_36 = arith.muli %arg1, %mul3A_35 : i32
    %add3A = arith.addi %mul3A_34, %mul3A_36 : i32
    "tpu.region"() ({
      %run_scoped3A = tpu.sem_alloc : memref<!tpu.dma_semaphore, #tpu.memory_space<semaphore_mem>>
      %dma_start3A_37 = arith.constant 0 : i32
      %dma_start3A_38 = tpu.memref_slice %arg6[%dma_start3A_37] : memref<640xf32, #tpu.memory_space<vmem>> -> memref<632xf32, #tpu.memory_space<vmem>>
      %dma_start3A_39 = tpu.memref_slice %arg3[%add3A] : memref<20224xf32, #tpu.memory_space<hbm>> -> memref<632xf32, #tpu.memory_space<hbm>>
      %dma_start3A_40 = tpu.memref_slice %arg3[%add3A] : memref<20224xf32, #tpu.memory_space<hbm>> -> memref<632xf32, #tpu.memory_space<hbm>>
      %dma_start3A_41 = arith.constant 0 : i32
      %dma_start3A_42 = tpu.memref_slice %arg6[%dma_start3A_41] : memref<640xf32, #tpu.memory_space<vmem>> -> memref<632xf32, #tpu.memory_space<vmem>>
      tpu.enqueue_dma source(%dma_start3A_42 : memref<632xf32, #tpu.memory_space<vmem>>) target(%dma_start3A_40 : memref<632xf32, #tpu.memory_space<hbm>>) target_semaphore(%run_scoped3A : memref<!tpu.dma_semaphore, #tpu.memory_space<semaphore_mem>>)
      %dma_wait3A_43 = arith.constant 0 : i32
      %dma_wait3A_44 = tpu.memref_slice %arg6[%dma_wait3A_43] : memref<640xf32, #tpu.memory_space<vmem>> -> memref<632xf32, #tpu.memory_space<vmem>>
      %dma_wait3A_45 = tpu.memref_slice %arg3[%add3A] : memref<20224xf32, #tpu.memory_space<hbm>> -> memref<632xf32, #tpu.memory_space<hbm>>
      %dma_wait3A_46 = tpu.memref_slice %arg3[%add3A] : memref<20224xf32, #tpu.memory_space<hbm>> -> memref<632xf32, #tpu.memory_space<hbm>>
      %dma_wait3A_47 = arith.constant 0 : i32
      %dma_wait3A_48 = tpu.memref_slice %arg6[%dma_wait3A_47] : memref<640xf32, #tpu.memory_space<vmem>> -> memref<632xf32, #tpu.memory_space<vmem>>
      tpu.wait_dma2 semaphore(%run_scoped3A : memref<!tpu.dma_semaphore, #tpu.memory_space<semaphore_mem>>) src(%dma_wait3A_48 : memref<632xf32, #tpu.memory_space<vmem>>) dst(%dma_wait3A_46 : memref<632xf32, #tpu.memory_space<hbm>>)
      tpu.yield
    }) : () -> ()
    return
  }
}

#map = affine_map<(d0, d1) -> (0, 0)>
#map1 = affine_map<(d0, d1) -> (0, 0, 0)>
module attributes {stable_mosaic.version = 14 : i64} {
  func.func @_scat_kernel(%arg0: i32, %arg1: i32, %arg2: memref<10000x128xf32, #tpu.memory_space<hbm>>, %arg3: memref<32x10000xi32, #tpu.memory_space<hbm>>, %arg4: memref<32x125x80xi32, #tpu.memory_space<hbm>>, %arg5: memref<2x10112x128xf32, #tpu.memory_space<hbm>>, %arg6: memref<10000xi32, #tpu.memory_space<vmem>>, %arg7: memref<125x80xi32, #tpu.memory_space<vmem>>, %arg8: memref<2x80x128xf32, #tpu.memory_space<vmem>>, %arg9: memref<10112x128xf32, #tpu.memory_space<vmem_shared>>, %arg10: memref<!tpu.dma_semaphore, #tpu.memory_space<semaphore_mem>>, %arg11: memref<!tpu.dma_semaphore, #tpu.memory_space<semaphore_mem>>, %arg12: memref<!tpu.dma_semaphore, #tpu.memory_space<semaphore_mem>>, %arg13: memref<!tpu.dma_semaphore, #tpu.memory_space<semaphore_mem>>) attributes {dimension_semantics = [#tpu.dimension_semantics<core_parallel>, #tpu.dimension_semantics<subcore_parallel>], iteration_bounds = array<i64: 2, 16>, scalar_prefetch = 0 : i64, scratch_operands = 8 : i64, tpu.core_type = #tpu.core_type<sc_vector_subcore>, window_params = [{transform_indices = #map}, {transform_indices = #map}, {transform_indices = #map1}, {transform_indices = #map1}]} {
    %mul3A = arith.constant 16 : i32
    %mul3A_0 = arith.muli %arg0, %mul3A : i32
    %add3A = arith.addi %mul3A_0, %arg1 : i32
    %dma_start3A = arith.constant 0 : i32
    %dma_start3A_1 = tpu.memref_slice %arg3[%add3A, %dma_start3A] : memref<32x10000xi32, #tpu.memory_space<hbm>> -> memref<1x10000xi32, #tpu.memory_space<hbm>>
    %dma_start3A_2 = tpu.memref_squeeze %dma_start3A_1 : memref<1x10000xi32, #tpu.memory_space<hbm>> -> memref<10000xi32, #tpu.memory_space<hbm>>
    %dma_start3A_3 = arith.constant 0 : i32
    %dma_start3A_4 = tpu.memref_slice %arg3[%add3A, %dma_start3A_3] : memref<32x10000xi32, #tpu.memory_space<hbm>> -> memref<1x10000xi32, #tpu.memory_space<hbm>>
    %dma_start3A_5 = tpu.memref_squeeze %dma_start3A_4 : memref<1x10000xi32, #tpu.memory_space<hbm>> -> memref<10000xi32, #tpu.memory_space<hbm>>
    tpu.enqueue_dma source(%dma_start3A_5 : memref<10000xi32, #tpu.memory_space<hbm>>) target(%arg6 : memref<10000xi32, #tpu.memory_space<vmem>>) target_semaphore(%arg12 : memref<!tpu.dma_semaphore, #tpu.memory_space<semaphore_mem>>)
    %dma_start3A_6 = arith.constant 0 : i32
    %dma_start3A_7 = arith.constant 0 : i32
    %dma_start3A_8 = tpu.memref_slice %arg4[%add3A, %dma_start3A_6, %dma_start3A_7] : memref<32x125x80xi32, #tpu.memory_space<hbm>> -> memref<1x125x80xi32, #tpu.memory_space<hbm>>
    %dma_start3A_9 = tpu.memref_squeeze %dma_start3A_8 : memref<1x125x80xi32, #tpu.memory_space<hbm>> -> memref<125x80xi32, #tpu.memory_space<hbm>>
    %dma_start3A_10 = arith.constant 0 : i32
    %dma_start3A_11 = arith.constant 0 : i32
    %dma_start3A_12 = tpu.memref_slice %arg4[%add3A, %dma_start3A_10, %dma_start3A_11] : memref<32x125x80xi32, #tpu.memory_space<hbm>> -> memref<1x125x80xi32, #tpu.memory_space<hbm>>
    %dma_start3A_13 = tpu.memref_squeeze %dma_start3A_12 : memref<1x125x80xi32, #tpu.memory_space<hbm>> -> memref<125x80xi32, #tpu.memory_space<hbm>>
    tpu.enqueue_dma source(%dma_start3A_13 : memref<125x80xi32, #tpu.memory_space<hbm>>) target(%arg7 : memref<125x80xi32, #tpu.memory_space<vmem>>) target_semaphore(%arg13 : memref<!tpu.dma_semaphore, #tpu.memory_space<semaphore_mem>>)
    %scan3A = arith.constant 0 : i32
    %scan3A_14 = arith.constant 0 : i32
    %scan3A_15 = arith.constant 640 : i32
    %scan3A_16 = arith.addi %scan3A_14, %scan3A_15 : i32
    %scan3A_17 = arith.constant 1 : i32
    scf.for %scan3A_112 = %scan3A_14 to %scan3A_16 step %scan3A_17  : i32 {
      %broadcast_in_dim3A = arith.constant 0.000000e+00 : f32
      %broadcast_in_dim3A_113 = vector.broadcast %broadcast_in_dim3A : f32 to vector<16xf32>
      %jit3A = arith.constant 8 : i32
      %div3A = arith.divsi %scan3A_112, %jit3A : i32
      %sign3A = arith.constant 0 : i32
      %sign3A_114 = arith.cmpi sgt, %scan3A_112, %sign3A : i32
      %sign3A_115 = arith.extui %sign3A_114 : i1 to i32
      %sign3A_116 = arith.constant 0 : i32
      %sign3A_117 = arith.cmpi slt, %scan3A_112, %sign3A_116 : i32
      %sign3A_118 = arith.extui %sign3A_117 : i1 to i32
      %sign3A_119 = arith.subi %sign3A_115, %sign3A_118 : i32
      %sign3A_120 = arith.constant 0 : i32
      %sign3A_121 = arith.cmpi sgt, %jit3A, %sign3A_120 : i32
      %sign3A_122 = arith.extui %sign3A_121 : i1 to i32
      %sign3A_123 = arith.constant 0 : i32
      %sign3A_124 = arith.cmpi slt, %jit3A, %sign3A_123 : i32
      %sign3A_125 = arith.extui %sign3A_124 : i1 to i32
      %sign3A_126 = arith.subi %sign3A_122, %sign3A_125 : i32
      %ne3A = arith.cmpi ne, %sign3A_119, %sign3A_126 : i32
      %rem3A = arith.remsi %scan3A_112, %jit3A : i32
      %ne3A_127 = arith.constant 0 : i32
      %ne3A_128 = arith.cmpi ne, %rem3A, %ne3A_127 : i32
      %and3A = arith.andi %ne3A, %ne3A_128 : i1
      %sub3A = arith.constant 1 : i32
      %sub3A_129 = arith.subi %div3A, %sub3A : i32
      %select_n3A = arith.select %and3A, %sub3A_129, %div3A : i32
      %jit3A_130 = arith.constant 8 : i32
      %eq3A = arith.constant 0 : i32
      %eq3A_131 = arith.cmpi eq, %jit3A_130, %eq3A : i32
      %jit3A_132 = arith.constant 1 : i32
      %select_n3A_133 = arith.select %eq3A_131, %jit3A_132, %jit3A_130 : i32
      %rem3A_134 = arith.remsi %scan3A_112, %select_n3A_133 : i32
      %ne3A_135 = arith.constant 0 : i32
      %ne3A_136 = arith.cmpi ne, %rem3A_134, %ne3A_135 : i32
      %lt3A = arith.constant 0 : i32
      %lt3A_137 = arith.cmpi slt, %rem3A_134, %lt3A : i32
      %lt3A_138 = arith.constant 0 : i32
      %lt3A_139 = arith.cmpi slt, %select_n3A_133, %lt3A_138 : i32
      %ne3A_140 = arith.xori %lt3A_137, %lt3A_139 : i1
      %and3A_141 = arith.andi %ne3A_140, %ne3A_136 : i1
      %add3A_142 = arith.addi %rem3A_134, %select_n3A_133 : i32
      %select_n3A_143 = arith.select %and3A_141, %add3A_142, %rem3A_134 : i32
      %mul3A_144 = arith.constant 16 : i32
      %mul3A_145 = arith.muli %select_n3A_143, %mul3A_144 : i32
      %swap3A = arith.constant 0 : i32
      %swap3A_146 = arith.index_cast %swap3A : i32 to index
      %swap3A_147 = arith.index_cast %select_n3A : i32 to index
      %swap3A_148 = arith.index_cast %mul3A_145 : i32 to index
      %swap3A_149 = tpu.vector_load %arg8[%swap3A_146, %swap3A_147, %swap3A_148] {strides = array<i32>} : memref<2x80x128xf32, #tpu.memory_space<vmem>>, vector<1x1x16xf32>,
      %swap3A_150 = vector.shape_cast %swap3A_149 : vector<1x1x16xf32> to vector<16xf32>
      %swap3A_151 = vector.shape_cast %broadcast_in_dim3A_113 : vector<16xf32> to vector<1x1x16xf32>
      tpu.vector_store %arg8[%swap3A_146, %swap3A_147, %swap3A_148], %swap3A_151 {strides = array<i32>} : memref<2x80x128xf32, #tpu.memory_space<vmem>>, vector<1x1x16xf32>,
    }
    %scan3A_18 = arith.constant 640 : i32
    %mul3A_19 = arith.constant 632 : i32
    %mul3A_20 = arith.muli %arg1, %mul3A_19 : i32
    %add3A_21 = arith.constant 0 : i32
    %add3A_22 = arith.addi %mul3A_20, %add3A_21 : i32
    %run_scoped3A = arith.constant 0 : i32
    "tpu.region"() ({
      %run_scoped3A_112 = tpu.sem_alloc : memref<!tpu.dma_semaphore, #tpu.memory_space<semaphore_mem>>
      %dma_start3A_113 = arith.constant 0 : i32
      %dma_start3A_114 = arith.constant 0 : i32
      %dma_start3A_115 = tpu.memref_slice %arg8[%run_scoped3A, %dma_start3A_113, %dma_start3A_114] : memref<2x80x128xf32, #tpu.memory_space<vmem>> -> memref<1x80x128xf32, #tpu.memory_space<vmem>>
      %dma_start3A_116 = tpu.memref_squeeze %dma_start3A_115 : memref<1x80x128xf32, #tpu.memory_space<vmem>> -> memref<80x128xf32, #tpu.memory_space<vmem>>
      %dma_start3A_117 = arith.constant 0 : i32
      %dma_start3A_118 = tpu.memref_slice %arg9[%add3A_22, %dma_start3A_117] : memref<10112x128xf32, #tpu.memory_space<vmem_shared>> -> memref<80x128xf32, #tpu.memory_space<vmem_shared>>
      %dma_start3A_119 = arith.constant 0 : i32
      %dma_start3A_120 = tpu.memref_slice %arg9[%add3A_22, %dma_start3A_119] : memref<10112x128xf32, #tpu.memory_space<vmem_shared>> -> memref<80x128xf32, #tpu.memory_space<vmem_shared>>
      %dma_start3A_121 = arith.constant 0 : i32
      %dma_start3A_122 = arith.constant 0 : i32
      %dma_start3A_123 = tpu.memref_slice %arg8[%run_scoped3A, %dma_start3A_121, %dma_start3A_122] : memref<2x80x128xf32, #tpu.memory_space<vmem>> -> memref<1x80x128xf32, #tpu.memory_space<vmem>>
      %dma_start3A_124 = tpu.memref_squeeze %dma_start3A_123 : memref<1x80x128xf32, #tpu.memory_space<vmem>> -> memref<80x128xf32, #tpu.memory_space<vmem>>
      tpu.enqueue_dma source(%dma_start3A_124 : memref<80x128xf32, #tpu.memory_space<vmem>>) target(%dma_start3A_120 : memref<80x128xf32, #tpu.memory_space<vmem_shared>>) target_semaphore(%run_scoped3A_112 : memref<!tpu.dma_semaphore, #tpu.memory_space<semaphore_mem>>)
      %dma_wait3A_125 = arith.constant 0 : i32
      %dma_wait3A_126 = arith.constant 0 : i32
      %dma_wait3A_127 = tpu.memref_slice %arg8[%run_scoped3A, %dma_wait3A_125, %dma_wait3A_126] : memref<2x80x128xf32, #tpu.memory_space<vmem>> -> memref<1x80x128xf32, #tpu.memory_space<vmem>>
      %dma_wait3A_128 = tpu.memref_squeeze %dma_wait3A_127 : memref<1x80x128xf32, #tpu.memory_space<vmem>> -> memref<80x128xf32, #tpu.memory_space<vmem>>
      %dma_wait3A_129 = arith.constant 0 : i32
      %dma_wait3A_130 = tpu.memref_slice %arg9[%add3A_22, %dma_wait3A_129] : memref<10112x128xf32, #tpu.memory_space<vmem_shared>> -> memref<80x128xf32, #tpu.memory_space<vmem_shared>>
      %dma_wait3A_131 = arith.constant 0 : i32
      %dma_wait3A_132 = tpu.memref_slice %arg9[%add3A_22, %dma_wait3A_131] : memref<10112x128xf32, #tpu.memory_space<vmem_shared>> -> memref<80x128xf32, #tpu.memory_space<vmem_shared>>
      %dma_wait3A_133 = arith.constant 0 : i32
      %dma_wait3A_134 = arith.constant 0 : i32
      %dma_wait3A_135 = tpu.memref_slice %arg8[%run_scoped3A, %dma_wait3A_133, %dma_wait3A_134] : memref<2x80x128xf32, #tpu.memory_space<vmem>> -> memref<1x80x128xf32, #tpu.memory_space<vmem>>
      %dma_wait3A_136 = tpu.memref_squeeze %dma_wait3A_135 : memref<1x80x128xf32, #tpu.memory_space<vmem>> -> memref<80x128xf32, #tpu.memory_space<vmem>>
      tpu.wait_dma2 semaphore(%run_scoped3A_112 : memref<!tpu.dma_semaphore, #tpu.memory_space<semaphore_mem>>) src(%dma_wait3A_136 : memref<80x128xf32, #tpu.memory_space<vmem>>) dst(%dma_wait3A_132 : memref<80x128xf32, #tpu.memory_space<vmem_shared>>)
      tpu.yield
    }) : () -> ()
    %mul3A_23 = arith.constant 632 : i32
    %mul3A_24 = arith.muli %arg1, %mul3A_23 : i32
    %add3A_25 = arith.constant 80 : i32
    %add3A_26 = arith.addi %mul3A_24, %add3A_25 : i32
    %run_scoped3A_27 = arith.constant 0 : i32
    "tpu.region"() ({
      %run_scoped3A_112 = tpu.sem_alloc : memref<!tpu.dma_semaphore, #tpu.memory_space<semaphore_mem>>
      %dma_start3A_113 = arith.constant 0 : i32
      %dma_start3A_114 = arith.constant 0 : i32
      %dma_start3A_115 = tpu.memref_slice %arg8[%run_scoped3A_27, %dma_start3A_113, %dma_start3A_114] : memref<2x80x128xf32, #tpu.memory_space<vmem>> -> memref<1x80x128xf32, #tpu.memory_space<vmem>>
      %dma_start3A_116 = tpu.memref_squeeze %dma_start3A_115 : memref<1x80x128xf32, #tpu.memory_space<vmem>> -> memref<80x128xf32, #tpu.memory_space<vmem>>
      %dma_start3A_117 = arith.constant 0 : i32
      %dma_start3A_118 = tpu.memref_slice %arg9[%add3A_26, %dma_start3A_117] : memref<10112x128xf32, #tpu.memory_space<vmem_shared>> -> memref<80x128xf32, #tpu.memory_space<vmem_shared>>
      %dma_start3A_119 = arith.constant 0 : i32
      %dma_start3A_120 = tpu.memref_slice %arg9[%add3A_26, %dma_start3A_119] : memref<10112x128xf32, #tpu.memory_space<vmem_shared>> -> memref<80x128xf32, #tpu.memory_space<vmem_shared>>
      %dma_start3A_121 = arith.constant 0 : i32
      %dma_start3A_122 = arith.constant 0 : i32
      %dma_start3A_123 = tpu.memref_slice %arg8[%run_scoped3A_27, %dma_start3A_121, %dma_start3A_122] : memref<2x80x128xf32, #tpu.memory_space<vmem>> -> memref<1x80x128xf32, #tpu.memory_space<vmem>>
      %dma_start3A_124 = tpu.memref_squeeze %dma_start3A_123 : memref<1x80x128xf32, #tpu.memory_space<vmem>> -> memref<80x128xf32, #tpu.memory_space<vmem>>
      tpu.enqueue_dma source(%dma_start3A_124 : memref<80x128xf32, #tpu.memory_space<vmem>>) target(%dma_start3A_120 : memref<80x128xf32, #tpu.memory_space<vmem_shared>>) target_semaphore(%run_scoped3A_112 : memref<!tpu.dma_semaphore, #tpu.memory_space<semaphore_mem>>)
      %dma_wait3A_125 = arith.constant 0 : i32
      %dma_wait3A_126 = arith.constant 0 : i32
      %dma_wait3A_127 = tpu.memref_slice %arg8[%run_scoped3A_27, %dma_wait3A_125, %dma_wait3A_126] : memref<2x80x128xf32, #tpu.memory_space<vmem>> -> memref<1x80x128xf32, #tpu.memory_space<vmem>>
      %dma_wait3A_128 = tpu.memref_squeeze %dma_wait3A_127 : memref<1x80x128xf32, #tpu.memory_space<vmem>> -> memref<80x128xf32, #tpu.memory_space<vmem>>
      %dma_wait3A_129 = arith.constant 0 : i32
      %dma_wait3A_130 = tpu.memref_slice %arg9[%add3A_26, %dma_wait3A_129] : memref<10112x128xf32, #tpu.memory_space<vmem_shared>> -> memref<80x128xf32, #tpu.memory_space<vmem_shared>>
      %dma_wait3A_131 = arith.constant 0 : i32
      %dma_wait3A_132 = tpu.memref_slice %arg9[%add3A_26, %dma_wait3A_131] : memref<10112x128xf32, #tpu.memory_space<vmem_shared>> -> memref<80x128xf32, #tpu.memory_space<vmem_shared>>
      %dma_wait3A_133 = arith.constant 0 : i32
      %dma_wait3A_134 = arith.constant 0 : i32
      %dma_wait3A_135 = tpu.memref_slice %arg8[%run_scoped3A_27, %dma_wait3A_133, %dma_wait3A_134] : memref<2x80x128xf32, #tpu.memory_space<vmem>> -> memref<1x80x128xf32, #tpu.memory_space<vmem>>
      %dma_wait3A_136 = tpu.memref_squeeze %dma_wait3A_135 : memref<1x80x128xf32, #tpu.memory_space<vmem>> -> memref<80x128xf32, #tpu.memory_space<vmem>>
      tpu.wait_dma2 semaphore(%run_scoped3A_112 : memref<!tpu.dma_semaphore, #tpu.memory_space<semaphore_mem>>) src(%dma_wait3A_136 : memref<80x128xf32, #tpu.memory_space<vmem>>) dst(%dma_wait3A_132 : memref<80x128xf32, #tpu.memory_space<vmem_shared>>)
      tpu.yield
    }) : () -> ()
    %mul3A_28 = arith.constant 632 : i32
    %mul3A_29 = arith.muli %arg1, %mul3A_28 : i32
    %add3A_30 = arith.constant 160 : i32
    %add3A_31 = arith.addi %mul3A_29, %add3A_30 : i32
    %run_scoped3A_32 = arith.constant 0 : i32
    "tpu.region"() ({
      %run_scoped3A_112 = tpu.sem_alloc : memref<!tpu.dma_semaphore, #tpu.memory_space<semaphore_mem>>
      %dma_start3A_113 = arith.constant 0 : i32
      %dma_start3A_114 = arith.constant 0 : i32
      %dma_start3A_115 = tpu.memref_slice %arg8[%run_scoped3A_32, %dma_start3A_113, %dma_start3A_114] : memref<2x80x128xf32, #tpu.memory_space<vmem>> -> memref<1x80x128xf32, #tpu.memory_space<vmem>>
      %dma_start3A_116 = tpu.memref_squeeze %dma_start3A_115 : memref<1x80x128xf32, #tpu.memory_space<vmem>> -> memref<80x128xf32, #tpu.memory_space<vmem>>
      %dma_start3A_117 = arith.constant 0 : i32
      %dma_start3A_118 = tpu.memref_slice %arg9[%add3A_31, %dma_start3A_117] : memref<10112x128xf32, #tpu.memory_space<vmem_shared>> -> memref<80x128xf32, #tpu.memory_space<vmem_shared>>
      %dma_start3A_119 = arith.constant 0 : i32
      %dma_start3A_120 = tpu.memref_slice %arg9[%add3A_31, %dma_start3A_119] : memref<10112x128xf32, #tpu.memory_space<vmem_shared>> -> memref<80x128xf32, #tpu.memory_space<vmem_shared>>
      %dma_start3A_121 = arith.constant 0 : i32
      %dma_start3A_122 = arith.constant 0 : i32
      %dma_start3A_123 = tpu.memref_slice %arg8[%run_scoped3A_32, %dma_start3A_121, %dma_start3A_122] : memref<2x80x128xf32, #tpu.memory_space<vmem>> -> memref<1x80x128xf32, #tpu.memory_space<vmem>>
      %dma_start3A_124 = tpu.memref_squeeze %dma_start3A_123 : memref<1x80x128xf32, #tpu.memory_space<vmem>> -> memref<80x128xf32, #tpu.memory_space<vmem>>
      tpu.enqueue_dma source(%dma_start3A_124 : memref<80x128xf32, #tpu.memory_space<vmem>>) target(%dma_start3A_120 : memref<80x128xf32, #tpu.memory_space<vmem_shared>>) target_semaphore(%run_scoped3A_112 : memref<!tpu.dma_semaphore, #tpu.memory_space<semaphore_mem>>)
      %dma_wait3A_125 = arith.constant 0 : i32
      %dma_wait3A_126 = arith.constant 0 : i32
      %dma_wait3A_127 = tpu.memref_slice %arg8[%run_scoped3A_32, %dma_wait3A_125, %dma_wait3A_126] : memref<2x80x128xf32, #tpu.memory_space<vmem>> -> memref<1x80x128xf32, #tpu.memory_space<vmem>>
      %dma_wait3A_128 = tpu.memref_squeeze %dma_wait3A_127 : memref<1x80x128xf32, #tpu.memory_space<vmem>> -> memref<80x128xf32, #tpu.memory_space<vmem>>
      %dma_wait3A_129 = arith.constant 0 : i32
      %dma_wait3A_130 = tpu.memref_slice %arg9[%add3A_31, %dma_wait3A_129] : memref<10112x128xf32, #tpu.memory_space<vmem_shared>> -> memref<80x128xf32, #tpu.memory_space<vmem_shared>>
      %dma_wait3A_131 = arith.constant 0 : i32
      %dma_wait3A_132 = tpu.memref_slice %arg9[%add3A_31, %dma_wait3A_131] : memref<10112x128xf32, #tpu.memory_space<vmem_shared>> -> memref<80x128xf32, #tpu.memory_space<vmem_shared>>
      %dma_wait3A_133 = arith.constant 0 : i32
      %dma_wait3A_134 = arith.constant 0 : i32
      %dma_wait3A_135 = tpu.memref_slice %arg8[%run_scoped3A_32, %dma_wait3A_133, %dma_wait3A_134] : memref<2x80x128xf32, #tpu.memory_space<vmem>> -> memref<1x80x128xf32, #tpu.memory_space<vmem>>
      %dma_wait3A_136 = tpu.memref_squeeze %dma_wait3A_135 : memref<1x80x128xf32, #tpu.memory_space<vmem>> -> memref<80x128xf32, #tpu.memory_space<vmem>>
      tpu.wait_dma2 semaphore(%run_scoped3A_112 : memref<!tpu.dma_semaphore, #tpu.memory_space<semaphore_mem>>) src(%dma_wait3A_136 : memref<80x128xf32, #tpu.memory_space<vmem>>) dst(%dma_wait3A_132 : memref<80x128xf32, #tpu.memory_space<vmem_shared>>)
      tpu.yield
    }) : () -> ()
    %mul3A_33 = arith.constant 632 : i32
    %mul3A_34 = arith.muli %arg1, %mul3A_33 : i32
    %add3A_35 = arith.constant 240 : i32
    %add3A_36 = arith.addi %mul3A_34, %add3A_35 : i32
    %run_scoped3A_37 = arith.constant 0 : i32
    "tpu.region"() ({
      %run_scoped3A_112 = tpu.sem_alloc : memref<!tpu.dma_semaphore, #tpu.memory_space<semaphore_mem>>
      %dma_start3A_113 = arith.constant 0 : i32
      %dma_start3A_114 = arith.constant 0 : i32
      %dma_start3A_115 = tpu.memref_slice %arg8[%run_scoped3A_37, %dma_start3A_113, %dma_start3A_114] : memref<2x80x128xf32, #tpu.memory_space<vmem>> -> memref<1x80x128xf32, #tpu.memory_space<vmem>>
      %dma_start3A_116 = tpu.memref_squeeze %dma_start3A_115 : memref<1x80x128xf32, #tpu.memory_space<vmem>> -> memref<80x128xf32, #tpu.memory_space<vmem>>
      %dma_start3A_117 = arith.constant 0 : i32
      %dma_start3A_118 = tpu.memref_slice %arg9[%add3A_36, %dma_start3A_117] : memref<10112x128xf32, #tpu.memory_space<vmem_shared>> -> memref<80x128xf32, #tpu.memory_space<vmem_shared>>
      %dma_start3A_119 = arith.constant 0 : i32
      %dma_start3A_120 = tpu.memref_slice %arg9[%add3A_36, %dma_start3A_119] : memref<10112x128xf32, #tpu.memory_space<vmem_shared>> -> memref<80x128xf32, #tpu.memory_space<vmem_shared>>
      %dma_start3A_121 = arith.constant 0 : i32
      %dma_start3A_122 = arith.constant 0 : i32
      %dma_start3A_123 = tpu.memref_slice %arg8[%run_scoped3A_37, %dma_start3A_121, %dma_start3A_122] : memref<2x80x128xf32, #tpu.memory_space<vmem>> -> memref<1x80x128xf32, #tpu.memory_space<vmem>>
      %dma_start3A_124 = tpu.memref_squeeze %dma_start3A_123 : memref<1x80x128xf32, #tpu.memory_space<vmem>> -> memref<80x128xf32, #tpu.memory_space<vmem>>
      tpu.enqueue_dma source(%dma_start3A_124 : memref<80x128xf32, #tpu.memory_space<vmem>>) target(%dma_start3A_120 : memref<80x128xf32, #tpu.memory_space<vmem_shared>>) target_semaphore(%run_scoped3A_112 : memref<!tpu.dma_semaphore, #tpu.memory_space<semaphore_mem>>)
      %dma_wait3A_125 = arith.constant 0 : i32
      %dma_wait3A_126 = arith.constant 0 : i32
      %dma_wait3A_127 = tpu.memref_slice %arg8[%run_scoped3A_37, %dma_wait3A_125, %dma_wait3A_126] : memref<2x80x128xf32, #tpu.memory_space<vmem>> -> memref<1x80x128xf32, #tpu.memory_space<vmem>>
      %dma_wait3A_128 = tpu.memref_squeeze %dma_wait3A_127 : memref<1x80x128xf32, #tpu.memory_space<vmem>> -> memref<80x128xf32, #tpu.memory_space<vmem>>
      %dma_wait3A_129 = arith.constant 0 : i32
      %dma_wait3A_130 = tpu.memref_slice %arg9[%add3A_36, %dma_wait3A_129] : memref<10112x128xf32, #tpu.memory_space<vmem_shared>> -> memref<80x128xf32, #tpu.memory_space<vmem_shared>>
      %dma_wait3A_131 = arith.constant 0 : i32
      %dma_wait3A_132 = tpu.memref_slice %arg9[%add3A_36, %dma_wait3A_131] : memref<10112x128xf32, #tpu.memory_space<vmem_shared>> -> memref<80x128xf32, #tpu.memory_space<vmem_shared>>
      %dma_wait3A_133 = arith.constant 0 : i32
      %dma_wait3A_134 = arith.constant 0 : i32
      %dma_wait3A_135 = tpu.memref_slice %arg8[%run_scoped3A_37, %dma_wait3A_133, %dma_wait3A_134] : memref<2x80x128xf32, #tpu.memory_space<vmem>> -> memref<1x80x128xf32, #tpu.memory_space<vmem>>
      %dma_wait3A_136 = tpu.memref_squeeze %dma_wait3A_135 : memref<1x80x128xf32, #tpu.memory_space<vmem>> -> memref<80x128xf32, #tpu.memory_space<vmem>>
      tpu.wait_dma2 semaphore(%run_scoped3A_112 : memref<!tpu.dma_semaphore, #tpu.memory_space<semaphore_mem>>) src(%dma_wait3A_136 : memref<80x128xf32, #tpu.memory_space<vmem>>) dst(%dma_wait3A_132 : memref<80x128xf32, #tpu.memory_space<vmem_shared>>)
      tpu.yield
    }) : () -> ()
    %mul3A_38 = arith.constant 632 : i32
    %mul3A_39 = arith.muli %arg1, %mul3A_38 : i32
    %add3A_40 = arith.constant 320 : i32
    %add3A_41 = arith.addi %mul3A_39, %add3A_40 : i32
    %run_scoped3A_42 = arith.constant 0 : i32
    "tpu.region"() ({
      %run_scoped3A_112 = tpu.sem_alloc : memref<!tpu.dma_semaphore, #tpu.memory_space<semaphore_mem>>
      %dma_start3A_113 = arith.constant 0 : i32
      %dma_start3A_114 = arith.constant 0 : i32
      %dma_start3A_115 = tpu.memref_slice %arg8[%run_scoped3A_42, %dma_start3A_113, %dma_start3A_114] : memref<2x80x128xf32, #tpu.memory_space<vmem>> -> memref<1x80x128xf32, #tpu.memory_space<vmem>>
      %dma_start3A_116 = tpu.memref_squeeze %dma_start3A_115 : memref<1x80x128xf32, #tpu.memory_space<vmem>> -> memref<80x128xf32, #tpu.memory_space<vmem>>
      %dma_start3A_117 = arith.constant 0 : i32
      %dma_start3A_118 = tpu.memref_slice %arg9[%add3A_41, %dma_start3A_117] : memref<10112x128xf32, #tpu.memory_space<vmem_shared>> -> memref<80x128xf32, #tpu.memory_space<vmem_shared>>
      %dma_start3A_119 = arith.constant 0 : i32
      %dma_start3A_120 = tpu.memref_slice %arg9[%add3A_41, %dma_start3A_119] : memref<10112x128xf32, #tpu.memory_space<vmem_shared>> -> memref<80x128xf32, #tpu.memory_space<vmem_shared>>
      %dma_start3A_121 = arith.constant 0 : i32
      %dma_start3A_122 = arith.constant 0 : i32
      %dma_start3A_123 = tpu.memref_slice %arg8[%run_scoped3A_42, %dma_start3A_121, %dma_start3A_122] : memref<2x80x128xf32, #tpu.memory_space<vmem>> -> memref<1x80x128xf32, #tpu.memory_space<vmem>>
      %dma_start3A_124 = tpu.memref_squeeze %dma_start3A_123 : memref<1x80x128xf32, #tpu.memory_space<vmem>> -> memref<80x128xf32, #tpu.memory_space<vmem>>
      tpu.enqueue_dma source(%dma_start3A_124 : memref<80x128xf32, #tpu.memory_space<vmem>>) target(%dma_start3A_120 : memref<80x128xf32, #tpu.memory_space<vmem_shared>>) target_semaphore(%run_scoped3A_112 : memref<!tpu.dma_semaphore, #tpu.memory_space<semaphore_mem>>)
      %dma_wait3A_125 = arith.constant 0 : i32
      %dma_wait3A_126 = arith.constant 0 : i32
      %dma_wait3A_127 = tpu.memref_slice %arg8[%run_scoped3A_42, %dma_wait3A_125, %dma_wait3A_126] : memref<2x80x128xf32, #tpu.memory_space<vmem>> -> memref<1x80x128xf32, #tpu.memory_space<vmem>>
      %dma_wait3A_128 = tpu.memref_squeeze %dma_wait3A_127 : memref<1x80x128xf32, #tpu.memory_space<vmem>> -> memref<80x128xf32, #tpu.memory_space<vmem>>
      %dma_wait3A_129 = arith.constant 0 : i32
      %dma_wait3A_130 = tpu.memref_slice %arg9[%add3A_41, %dma_wait3A_129] : memref<10112x128xf32, #tpu.memory_space<vmem_shared>> -> memref<80x128xf32, #tpu.memory_space<vmem_shared>>
      %dma_wait3A_131 = arith.constant 0 : i32
      %dma_wait3A_132 = tpu.memref_slice %arg9[%add3A_41, %dma_wait3A_131] : memref<10112x128xf32, #tpu.memory_space<vmem_shared>> -> memref<80x128xf32, #tpu.memory_space<vmem_shared>>
      %dma_wait3A_133 = arith.constant 0 : i32
      %dma_wait3A_134 = arith.constant 0 : i32
      %dma_wait3A_135 = tpu.memref_slice %arg8[%run_scoped3A_42, %dma_wait3A_133, %dma_wait3A_134] : memref<2x80x128xf32, #tpu.memory_space<vmem>> -> memref<1x80x128xf32, #tpu.memory_space<vmem>>
      %dma_wait3A_136 = tpu.memref_squeeze %dma_wait3A_135 : memref<1x80x128xf32, #tpu.memory_space<vmem>> -> memref<80x128xf32, #tpu.memory_space<vmem>>
      tpu.wait_dma2 semaphore(%run_scoped3A_112 : memref<!tpu.dma_semaphore, #tpu.memory_space<semaphore_mem>>) src(%dma_wait3A_136 : memref<80x128xf32, #tpu.memory_space<vmem>>) dst(%dma_wait3A_132 : memref<80x128xf32, #tpu.memory_space<vmem_shared>>)
      tpu.yield
    }) : () -> ()
    %mul3A_43 = arith.constant 632 : i32
    %mul3A_44 = arith.muli %arg1, %mul3A_43 : i32
    %add3A_45 = arith.constant 400 : i32
    %add3A_46 = arith.addi %mul3A_44, %add3A_45 : i32
    %run_scoped3A_47 = arith.constant 0 : i32
    "tpu.region"() ({
      %run_scoped3A_112 = tpu.sem_alloc : memref<!tpu.dma_semaphore, #tpu.memory_space<semaphore_mem>>
      %dma_start3A_113 = arith.constant 0 : i32
      %dma_start3A_114 = arith.constant 0 : i32
      %dma_start3A_115 = tpu.memref_slice %arg8[%run_scoped3A_47, %dma_start3A_113, %dma_start3A_114] : memref<2x80x128xf32, #tpu.memory_space<vmem>> -> memref<1x80x128xf32, #tpu.memory_space<vmem>>
      %dma_start3A_116 = tpu.memref_squeeze %dma_start3A_115 : memref<1x80x128xf32, #tpu.memory_space<vmem>> -> memref<80x128xf32, #tpu.memory_space<vmem>>
      %dma_start3A_117 = arith.constant 0 : i32
      %dma_start3A_118 = tpu.memref_slice %arg9[%add3A_46, %dma_start3A_117] : memref<10112x128xf32, #tpu.memory_space<vmem_shared>> -> memref<80x128xf32, #tpu.memory_space<vmem_shared>>
      %dma_start3A_119 = arith.constant 0 : i32
      %dma_start3A_120 = tpu.memref_slice %arg9[%add3A_46, %dma_start3A_119] : memref<10112x128xf32, #tpu.memory_space<vmem_shared>> -> memref<80x128xf32, #tpu.memory_space<vmem_shared>>
      %dma_start3A_121 = arith.constant 0 : i32
      %dma_start3A_122 = arith.constant 0 : i32
      %dma_start3A_123 = tpu.memref_slice %arg8[%run_scoped3A_47, %dma_start3A_121, %dma_start3A_122] : memref<2x80x128xf32, #tpu.memory_space<vmem>> -> memref<1x80x128xf32, #tpu.memory_space<vmem>>
      %dma_start3A_124 = tpu.memref_squeeze %dma_start3A_123 : memref<1x80x128xf32, #tpu.memory_space<vmem>> -> memref<80x128xf32, #tpu.memory_space<vmem>>
      tpu.enqueue_dma source(%dma_start3A_124 : memref<80x128xf32, #tpu.memory_space<vmem>>) target(%dma_start3A_120 : memref<80x128xf32, #tpu.memory_space<vmem_shared>>) target_semaphore(%run_scoped3A_112 : memref<!tpu.dma_semaphore, #tpu.memory_space<semaphore_mem>>)
      %dma_wait3A_125 = arith.constant 0 : i32
      %dma_wait3A_126 = arith.constant 0 : i32
      %dma_wait3A_127 = tpu.memref_slice %arg8[%run_scoped3A_47, %dma_wait3A_125, %dma_wait3A_126] : memref<2x80x128xf32, #tpu.memory_space<vmem>> -> memref<1x80x128xf32, #tpu.memory_space<vmem>>
      %dma_wait3A_128 = tpu.memref_squeeze %dma_wait3A_127 : memref<1x80x128xf32, #tpu.memory_space<vmem>> -> memref<80x128xf32, #tpu.memory_space<vmem>>
      %dma_wait3A_129 = arith.constant 0 : i32
      %dma_wait3A_130 = tpu.memref_slice %arg9[%add3A_46, %dma_wait3A_129] : memref<10112x128xf32, #tpu.memory_space<vmem_shared>> -> memref<80x128xf32, #tpu.memory_space<vmem_shared>>
      %dma_wait3A_131 = arith.constant 0 : i32
      %dma_wait3A_132 = tpu.memref_slice %arg9[%add3A_46, %dma_wait3A_131] : memref<10112x128xf32, #tpu.memory_space<vmem_shared>> -> memref<80x128xf32, #tpu.memory_space<vmem_shared>>
      %dma_wait3A_133 = arith.constant 0 : i32
      %dma_wait3A_134 = arith.constant 0 : i32
      %dma_wait3A_135 = tpu.memref_slice %arg8[%run_scoped3A_47, %dma_wait3A_133, %dma_wait3A_134] : memref<2x80x128xf32, #tpu.memory_space<vmem>> -> memref<1x80x128xf32, #tpu.memory_space<vmem>>
      %dma_wait3A_136 = tpu.memref_squeeze %dma_wait3A_135 : memref<1x80x128xf32, #tpu.memory_space<vmem>> -> memref<80x128xf32, #tpu.memory_space<vmem>>
      tpu.wait_dma2 semaphore(%run_scoped3A_112 : memref<!tpu.dma_semaphore, #tpu.memory_space<semaphore_mem>>) src(%dma_wait3A_136 : memref<80x128xf32, #tpu.memory_space<vmem>>) dst(%dma_wait3A_132 : memref<80x128xf32, #tpu.memory_space<vmem_shared>>)
      tpu.yield
    }) : () -> ()
    %mul3A_48 = arith.constant 632 : i32
    %mul3A_49 = arith.muli %arg1, %mul3A_48 : i32
    %add3A_50 = arith.constant 480 : i32
    %add3A_51 = arith.addi %mul3A_49, %add3A_50 : i32
    %run_scoped3A_52 = arith.constant 0 : i32
    "tpu.region"() ({
      %run_scoped3A_112 = tpu.sem_alloc : memref<!tpu.dma_semaphore, #tpu.memory_space<semaphore_mem>>
      %dma_start3A_113 = arith.constant 0 : i32
      %dma_start3A_114 = arith.constant 0 : i32
      %dma_start3A_115 = tpu.memref_slice %arg8[%run_scoped3A_52, %dma_start3A_113, %dma_start3A_114] : memref<2x80x128xf32, #tpu.memory_space<vmem>> -> memref<1x80x128xf32, #tpu.memory_space<vmem>>
      %dma_start3A_116 = tpu.memref_squeeze %dma_start3A_115 : memref<1x80x128xf32, #tpu.memory_space<vmem>> -> memref<80x128xf32, #tpu.memory_space<vmem>>
      %dma_start3A_117 = arith.constant 0 : i32
      %dma_start3A_118 = tpu.memref_slice %arg9[%add3A_51, %dma_start3A_117] : memref<10112x128xf32, #tpu.memory_space<vmem_shared>> -> memref<80x128xf32, #tpu.memory_space<vmem_shared>>
      %dma_start3A_119 = arith.constant 0 : i32
      %dma_start3A_120 = tpu.memref_slice %arg9[%add3A_51, %dma_start3A_119] : memref<10112x128xf32, #tpu.memory_space<vmem_shared>> -> memref<80x128xf32, #tpu.memory_space<vmem_shared>>
      %dma_start3A_121 = arith.constant 0 : i32
      %dma_start3A_122 = arith.constant 0 : i32
      %dma_start3A_123 = tpu.memref_slice %arg8[%run_scoped3A_52, %dma_start3A_121, %dma_start3A_122] : memref<2x80x128xf32, #tpu.memory_space<vmem>> -> memref<1x80x128xf32, #tpu.memory_space<vmem>>
      %dma_start3A_124 = tpu.memref_squeeze %dma_start3A_123 : memref<1x80x128xf32, #tpu.memory_space<vmem>> -> memref<80x128xf32, #tpu.memory_space<vmem>>
      tpu.enqueue_dma source(%dma_start3A_124 : memref<80x128xf32, #tpu.memory_space<vmem>>) target(%dma_start3A_120 : memref<80x128xf32, #tpu.memory_space<vmem_shared>>) target_semaphore(%run_scoped3A_112 : memref<!tpu.dma_semaphore, #tpu.memory_space<semaphore_mem>>)
      %dma_wait3A_125 = arith.constant 0 : i32
      %dma_wait3A_126 = arith.constant 0 : i32
      %dma_wait3A_127 = tpu.memref_slice %arg8[%run_scoped3A_52, %dma_wait3A_125, %dma_wait3A_126] : memref<2x80x128xf32, #tpu.memory_space<vmem>> -> memref<1x80x128xf32, #tpu.memory_space<vmem>>
      %dma_wait3A_128 = tpu.memref_squeeze %dma_wait3A_127 : memref<1x80x128xf32, #tpu.memory_space<vmem>> -> memref<80x128xf32, #tpu.memory_space<vmem>>
      %dma_wait3A_129 = arith.constant 0 : i32
      %dma_wait3A_130 = tpu.memref_slice %arg9[%add3A_51, %dma_wait3A_129] : memref<10112x128xf32, #tpu.memory_space<vmem_shared>> -> memref<80x128xf32, #tpu.memory_space<vmem_shared>>
      %dma_wait3A_131 = arith.constant 0 : i32
      %dma_wait3A_132 = tpu.memref_slice %arg9[%add3A_51, %dma_wait3A_131] : memref<10112x128xf32, #tpu.memory_space<vmem_shared>> -> memref<80x128xf32, #tpu.memory_space<vmem_shared>>
      %dma_wait3A_133 = arith.constant 0 : i32
      %dma_wait3A_134 = arith.constant 0 : i32
      %dma_wait3A_135 = tpu.memref_slice %arg8[%run_scoped3A_52, %dma_wait3A_133, %dma_wait3A_134] : memref<2x80x128xf32, #tpu.memory_space<vmem>> -> memref<1x80x128xf32, #tpu.memory_space<vmem>>
      %dma_wait3A_136 = tpu.memref_squeeze %dma_wait3A_135 : memref<1x80x128xf32, #tpu.memory_space<vmem>> -> memref<80x128xf32, #tpu.memory_space<vmem>>
      tpu.wait_dma2 semaphore(%run_scoped3A_112 : memref<!tpu.dma_semaphore, #tpu.memory_space<semaphore_mem>>) src(%dma_wait3A_136 : memref<80x128xf32, #tpu.memory_space<vmem>>) dst(%dma_wait3A_132 : memref<80x128xf32, #tpu.memory_space<vmem_shared>>)
      tpu.yield
    }) : () -> ()
    %mul3A_53 = arith.constant 632 : i32
    %mul3A_54 = arith.muli %arg1, %mul3A_53 : i32
    %add3A_55 = arith.constant 560 : i32
    %add3A_56 = arith.addi %mul3A_54, %add3A_55 : i32
    %run_scoped3A_57 = arith.constant 0 : i32
    "tpu.region"() ({
      %run_scoped3A_112 = tpu.sem_alloc : memref<!tpu.dma_semaphore, #tpu.memory_space<semaphore_mem>>
      %dma_start3A_113 = arith.constant 0 : i32
      %dma_start3A_114 = arith.constant 0 : i32
      %dma_start3A_115 = tpu.memref_slice %arg8[%run_scoped3A_57, %dma_start3A_113, %dma_start3A_114] : memref<2x80x128xf32, #tpu.memory_space<vmem>> -> memref<1x72x128xf32, #tpu.memory_space<vmem>>
      %dma_start3A_116 = tpu.memref_squeeze %dma_start3A_115 : memref<1x72x128xf32, #tpu.memory_space<vmem>> -> memref<72x128xf32, #tpu.memory_space<vmem>>
      %dma_start3A_117 = arith.constant 0 : i32
      %dma_start3A_118 = tpu.memref_slice %arg9[%add3A_56, %dma_start3A_117] : memref<10112x128xf32, #tpu.memory_space<vmem_shared>> -> memref<72x128xf32, #tpu.memory_space<vmem_shared>>
      %dma_start3A_119 = arith.constant 0 : i32
      %dma_start3A_120 = tpu.memref_slice %arg9[%add3A_56, %dma_start3A_119] : memref<10112x128xf32, #tpu.memory_space<vmem_shared>> -> memref<72x128xf32, #tpu.memory_space<vmem_shared>>
      %dma_start3A_121 = arith.constant 0 : i32
      %dma_start3A_122 = arith.constant 0 : i32
      %dma_start3A_123 = tpu.memref_slice %arg8[%run_scoped3A_57, %dma_start3A_121, %dma_start3A_122] : memref<2x80x128xf32, #tpu.memory_space<vmem>> -> memref<1x72x128xf32, #tpu.memory_space<vmem>>
      %dma_start3A_124 = tpu.memref_squeeze %dma_start3A_123 : memref<1x72x128xf32, #tpu.memory_space<vmem>> -> memref<72x128xf32, #tpu.memory_space<vmem>>
      tpu.enqueue_dma source(%dma_start3A_124 : memref<72x128xf32, #tpu.memory_space<vmem>>) target(%dma_start3A_120 : memref<72x128xf32, #tpu.memory_space<vmem_shared>>) target_semaphore(%run_scoped3A_112 : memref<!tpu.dma_semaphore, #tpu.memory_space<semaphore_mem>>)
      %dma_wait3A_125 = arith.constant 0 : i32
      %dma_wait3A_126 = arith.constant 0 : i32
      %dma_wait3A_127 = tpu.memref_slice %arg8[%run_scoped3A_57, %dma_wait3A_125, %dma_wait3A_126] : memref<2x80x128xf32, #tpu.memory_space<vmem>> -> memref<1x72x128xf32, #tpu.memory_space<vmem>>
      %dma_wait3A_128 = tpu.memref_squeeze %dma_wait3A_127 : memref<1x72x128xf32, #tpu.memory_space<vmem>> -> memref<72x128xf32, #tpu.memory_space<vmem>>
      %dma_wait3A_129 = arith.constant 0 : i32
      %dma_wait3A_130 = tpu.memref_slice %arg9[%add3A_56, %dma_wait3A_129] : memref<10112x128xf32, #tpu.memory_space<vmem_shared>> -> memref<72x128xf32, #tpu.memory_space<vmem_shared>>
      %dma_wait3A_131 = arith.constant 0 : i32
      %dma_wait3A_132 = tpu.memref_slice %arg9[%add3A_56, %dma_wait3A_131] : memref<10112x128xf32, #tpu.memory_space<vmem_shared>> -> memref<72x128xf32, #tpu.memory_space<vmem_shared>>
      %dma_wait3A_133 = arith.constant 0 : i32
      %dma_wait3A_134 = arith.constant 0 : i32
      %dma_wait3A_135 = tpu.memref_slice %arg8[%run_scoped3A_57, %dma_wait3A_133, %dma_wait3A_134] : memref<2x80x128xf32, #tpu.memory_space<vmem>> -> memref<1x72x128xf32, #tpu.memory_space<vmem>>
      %dma_wait3A_136 = tpu.memref_squeeze %dma_wait3A_135 : memref<1x72x128xf32, #tpu.memory_space<vmem>> -> memref<72x128xf32, #tpu.memory_space<vmem>>
      tpu.wait_dma2 semaphore(%run_scoped3A_112 : memref<!tpu.dma_semaphore, #tpu.memory_space<semaphore_mem>>) src(%dma_wait3A_136 : memref<72x128xf32, #tpu.memory_space<vmem>>) dst(%dma_wait3A_132 : memref<72x128xf32, #tpu.memory_space<vmem_shared>>)
      tpu.yield
    }) : () -> ()
    %dma_wait3A = arith.constant 0 : i32
    %dma_wait3A_58 = tpu.memref_slice %arg3[%add3A, %dma_wait3A] : memref<32x10000xi32, #tpu.memory_space<hbm>> -> memref<1x10000xi32, #tpu.memory_space<hbm>>
    %dma_wait3A_59 = tpu.memref_squeeze %dma_wait3A_58 : memref<1x10000xi32, #tpu.memory_space<hbm>> -> memref<10000xi32, #tpu.memory_space<hbm>>
    %dma_wait3A_60 = arith.constant 0 : i32
    %dma_wait3A_61 = tpu.memref_slice %arg3[%add3A, %dma_wait3A_60] : memref<32x10000xi32, #tpu.memory_space<hbm>> -> memref<1x10000xi32, #tpu.memory_space<hbm>>
    %dma_wait3A_62 = tpu.memref_squeeze %dma_wait3A_61 : memref<1x10000xi32, #tpu.memory_space<hbm>> -> memref<10000xi32, #tpu.memory_space<hbm>>
    tpu.wait_dma2 semaphore(%arg12 : memref<!tpu.dma_semaphore, #tpu.memory_space<semaphore_mem>>) src(%dma_wait3A_62 : memref<10000xi32, #tpu.memory_space<hbm>>) dst(%arg6 : memref<10000xi32, #tpu.memory_space<vmem>>)
    %dma_wait3A_63 = arith.constant 0 : i32
    %dma_wait3A_64 = arith.constant 0 : i32
    %dma_wait3A_65 = tpu.memref_slice %arg4[%add3A, %dma_wait3A_63, %dma_wait3A_64] : memref<32x125x80xi32, #tpu.memory_space<hbm>> -> memref<1x125x80xi32, #tpu.memory_space<hbm>>
    %dma_wait3A_66 = tpu.memref_squeeze %dma_wait3A_65 : memref<1x125x80xi32, #tpu.memory_space<hbm>> -> memref<125x80xi32, #tpu.memory_space<hbm>>
    %dma_wait3A_67 = arith.constant 0 : i32
    %dma_wait3A_68 = arith.constant 0 : i32
    %dma_wait3A_69 = tpu.memref_slice %arg4[%add3A, %dma_wait3A_67, %dma_wait3A_68] : memref<32x125x80xi32, #tpu.memory_space<hbm>> -> memref<1x125x80xi32, #tpu.memory_space<hbm>>
    %dma_wait3A_70 = tpu.memref_squeeze %dma_wait3A_69 : memref<1x125x80xi32, #tpu.memory_space<hbm>> -> memref<125x80xi32, #tpu.memory_space<hbm>>
    tpu.wait_dma2 semaphore(%arg13 : memref<!tpu.dma_semaphore, #tpu.memory_space<semaphore_mem>>) src(%dma_wait3A_70 : memref<125x80xi32, #tpu.memory_space<hbm>>) dst(%arg7 : memref<125x80xi32, #tpu.memory_space<vmem>>)
    %barrier3A = arith.constant 0 : index
    tpu.barrier barrier_id(%barrier3A)
    %dma_start3A_71 = arith.constant 0 : i32
    %dma_start3A_72 = arith.constant 0 : i32
    %dma_start3A_73 = arith.constant 0 : i32
    %dma_start3A_74 = tpu.memref_slice %arg8[%dma_start3A_71, %dma_start3A_72, %dma_start3A_73] : memref<2x80x128xf32, #tpu.memory_space<vmem>> -> memref<1x80x128xf32, #tpu.memory_space<vmem>>
    %dma_start3A_75 = tpu.memref_squeeze %dma_start3A_74 : memref<1x80x128xf32, #tpu.memory_space<vmem>> -> memref<80x128xf32, #tpu.memory_space<vmem>>
    %dma_start3A_76 = arith.constant 0 : i32
    %dma_start3A_77 = tpu.memref_slice %arg6[%dma_start3A_76] : memref<10000xi32, #tpu.memory_space<vmem>> -> memref<80xi32, #tpu.memory_space<vmem>>
    %dma_start3A_78 = arith.constant 0 : i32
    %dma_start3A_79 = arith.constant 0 : i32
    %dma_start3A_80 = tpu.memref_slice %arg2[%dma_start3A_78, %dma_start3A_79] : memref<10000x128xf32, #tpu.memory_space<hbm>> -> memref<10000x128xf32, #tpu.memory_space<hbm>>
    tpu.enqueue_indirect_dma source(%dma_start3A_80 : memref<10000x128xf32, #tpu.memory_space<hbm>>) target(%dma_start3A_75 : memref<80x128xf32, #tpu.memory_space<vmem>>) offsets(%dma_start3A_77 : memref<80xi32, #tpu.memory_space<vmem>>) semaphore(%arg10 : memref<!tpu.dma_semaphore, #tpu.memory_space<semaphore_mem>>)
    %dma_start3A_81 = arith.constant 1 : i32
    %dma_start3A_82 = arith.constant 0 : i32
    %dma_start3A_83 = arith.constant 0 : i32
    %dma_start3A_84 = tpu.memref_slice %arg8[%dma_start3A_81, %dma_start3A_82, %dma_start3A_83] : memref<2x80x128xf32, #tpu.memory_space<vmem>> -> memref<1x80x128xf32, #tpu.memory_space<vmem>>
    %dma_start3A_85 = tpu.memref_squeeze %dma_start3A_84 : memref<1x80x128xf32, #tpu.memory_space<vmem>> -> memref<80x128xf32, #tpu.memory_space<vmem>>
    %dma_start3A_86 = arith.constant 80 : i32
    %dma_start3A_87 = tpu.memref_slice %arg6[%dma_start3A_86] : memref<10000xi32, #tpu.memory_space<vmem>> -> memref<80xi32, #tpu.memory_space<vmem>>
    %dma_start3A_88 = arith.constant 0 : i32
    %dma_start3A_89 = arith.constant 0 : i32
    %dma_start3A_90 = tpu.memref_slice %arg2[%dma_start3A_88, %dma_start3A_89] : memref<10000x128xf32, #tpu.memory_space<hbm>> -> memref<10000x128xf32, #tpu.memory_space<hbm>>
    tpu.enqueue_indirect_dma source(%dma_start3A_90 : memref<10000x128xf32, #tpu.memory_space<hbm>>) target(%dma_start3A_85 : memref<80x128xf32, #tpu.memory_space<vmem>>) offsets(%dma_start3A_87 : memref<80xi32, #tpu.memory_space<vmem>>) semaphore(%arg11 : memref<!tpu.dma_semaphore, #tpu.memory_space<semaphore_mem>>)
    %scan3A_91 = arith.constant 0 : i32
    %scan3A_92 = arith.constant 0 : i32
    %scan3A_93 = arith.constant 62 : i32
    %scan3A_94 = arith.addi %scan3A_92, %scan3A_93 : i32
    %scan3A_95 = arith.constant 1 : i32
    scf.for %scan3A_112 = %scan3A_92 to %scan3A_94 step %scan3A_95  : i32 {
      %mul3A_113 = arith.constant 2 : i32
      %mul3A_114 = arith.muli %scan3A_112, %mul3A_113 : i32
      %mul3A_115 = arith.constant 80 : i32
      %mul3A_116 = arith.muli %mul3A_114, %mul3A_115 : i32
      %dma_wait3A_117 = arith.constant 0 : i32
      %dma_wait3A_118 = arith.constant 0 : i32
      %dma_wait3A_119 = arith.constant 0 : i32
      %dma_wait3A_120 = tpu.memref_slice %arg8[%dma_wait3A_117, %dma_wait3A_118, %dma_wait3A_119] : memref<2x80x128xf32, #tpu.memory_space<vmem>> -> memref<1x80x128xf32, #tpu.memory_space<vmem>>
      %dma_wait3A_121 = tpu.memref_squeeze %dma_wait3A_120 : memref<1x80x128xf32, #tpu.memory_space<vmem>> -> memref<80x128xf32, #tpu.memory_space<vmem>>
      %dma_wait3A_122 = tpu.memref_slice %arg6[%mul3A_116] : memref<10000xi32, #tpu.memory_space<vmem>> -> memref<80xi32, #tpu.memory_space<vmem>>
      %dma_wait3A_123 = arith.constant 0 : i32
      %dma_wait3A_124 = arith.constant 0 : i32
      %dma_wait3A_125 = tpu.memref_slice %arg2[%dma_wait3A_123, %dma_wait3A_124] : memref<10000x128xf32, #tpu.memory_space<hbm>> -> memref<10000x128xf32, #tpu.memory_space<hbm>>
      tpu.wait_indirect_dma semaphore(%arg10 : memref<!tpu.dma_semaphore, #tpu.memory_space<semaphore_mem>>) src(%dma_wait3A_125 : memref<10000x128xf32, #tpu.memory_space<hbm>>) dst(%dma_wait3A_121 : memref<80x128xf32, #tpu.memory_space<vmem>>)
      %run_scoped3A_126 = arith.constant 0 : i32
      "tpu.region"() ({
        %run_scoped3A_154 = tpu.sem_alloc : memref<!tpu.dma_semaphore, #tpu.memory_space<semaphore_mem>>
        %dma_start3A_155 = arith.constant 0 : i32
        %dma_start3A_156 = arith.constant 0 : i32
        %dma_start3A_157 = tpu.memref_slice %arg8[%run_scoped3A_126, %dma_start3A_155, %dma_start3A_156] : memref<2x80x128xf32, #tpu.memory_space<vmem>> -> memref<1x80x128xf32, #tpu.memory_space<vmem>>
        %dma_start3A_158 = tpu.memref_squeeze %dma_start3A_157 : memref<1x80x128xf32, #tpu.memory_space<vmem>> -> memref<80x128xf32, #tpu.memory_space<vmem>>
        %dma_start3A_159 = arith.constant 0 : i32
        %dma_start3A_160 = tpu.memref_slice %arg7[%mul3A_114, %dma_start3A_159] : memref<125x80xi32, #tpu.memory_space<vmem>> -> memref<1x80xi32, #tpu.memory_space<vmem>>
        %dma_start3A_161 = tpu.memref_squeeze %dma_start3A_160 : memref<1x80xi32, #tpu.memory_space<vmem>> -> memref<80xi32, #tpu.memory_space<vmem>>
        %dma_start3A_162 = arith.constant 0 : i32
        %dma_start3A_163 = arith.constant 0 : i32
        %dma_start3A_164 = tpu.memref_slice %arg9[%dma_start3A_162, %dma_start3A_163] : memref<10112x128xf32, #tpu.memory_space<vmem_shared>> -> memref<10112x128xf32, #tpu.memory_space<vmem_shared>>
        tpu.enqueue_indirect_dma source(%dma_start3A_158 : memref<80x128xf32, #tpu.memory_space<vmem>>) target(%dma_start3A_164 : memref<10112x128xf32, #tpu.memory_space<vmem_shared>>) offsets(%dma_start3A_161 : memref<80xi32, #tpu.memory_space<vmem>>) semaphore(%run_scoped3A_154 : memref<!tpu.dma_semaphore, #tpu.memory_space<semaphore_mem>>) {add = true}
        %dma_wait3A_165 = arith.constant 0 : i32
        %dma_wait3A_166 = arith.constant 0 : i32
        %dma_wait3A_167 = tpu.memref_slice %arg8[%run_scoped3A_126, %dma_wait3A_165, %dma_wait3A_166] : memref<2x80x128xf32, #tpu.memory_space<vmem>> -> memref<1x80x128xf32, #tpu.memory_space<vmem>>
        %dma_wait3A_168 = tpu.memref_squeeze %dma_wait3A_167 : memref<1x80x128xf32, #tpu.memory_space<vmem>> -> memref<80x128xf32, #tpu.memory_space<vmem>>
        %dma_wait3A_169 = arith.constant 0 : i32
        %dma_wait3A_170 = tpu.memref_slice %arg7[%mul3A_114, %dma_wait3A_169] : memref<125x80xi32, #tpu.memory_space<vmem>> -> memref<1x80xi32, #tpu.memory_space<vmem>>
        %dma_wait3A_171 = tpu.memref_squeeze %dma_wait3A_170 : memref<1x80xi32, #tpu.memory_space<vmem>> -> memref<80xi32, #tpu.memory_space<vmem>>
        %dma_wait3A_172 = arith.constant 0 : i32
        %dma_wait3A_173 = arith.constant 0 : i32
        %dma_wait3A_174 = tpu.memref_slice %arg9[%dma_wait3A_172, %dma_wait3A_173] : memref<10112x128xf32, #tpu.memory_space<vmem_shared>> -> memref<10112x128xf32, #tpu.memory_space<vmem_shared>>
        tpu.wait_indirect_dma semaphore(%run_scoped3A_154 : memref<!tpu.dma_semaphore, #tpu.memory_space<semaphore_mem>>) src(%dma_wait3A_168 : memref<80x128xf32, #tpu.memory_space<vmem>>) dst(%dma_wait3A_174 : memref<10112x128xf32, #tpu.memory_space<vmem_shared>>)
        tpu.yield
      }) : () -> ()
      %add3A_127 = arith.constant 2 : i32
      %add3A_128 = arith.addi %mul3A_114, %add3A_127 : i32
      %lt3A = arith.constant 125 : i32
      %lt3A_129 = arith.cmpi slt, %add3A_128, %lt3A : i32
      %convert_element_type3A = arith.extui %lt3A_129 : i1 to i32
      %cond3A = arith.constant 0 : i32
      %cond3A_130 = arith.cmpi ne, %convert_element_type3A, %cond3A : i32
      scf.if %cond3A_130 {
        %add3A_154 = arith.constant 2 : i32
        %add3A_155 = arith.addi %mul3A_114, %add3A_154 : i32
        %mul3A_156 = arith.constant 80 : i32
        %mul3A_157 = arith.muli %add3A_155, %mul3A_156 : i32
        %dma_start3A_158 = arith.constant 0 : i32
        %dma_start3A_159 = arith.constant 0 : i32
        %dma_start3A_160 = arith.constant 0 : i32
        %dma_start3A_161 = tpu.memref_slice %arg8[%dma_start3A_158, %dma_start3A_159, %dma_start3A_160] : memref<2x80x128xf32, #tpu.memory_space<vmem>> -> memref<1x80x128xf32, #tpu.memory_space<vmem>>
        %dma_start3A_162 = tpu.memref_squeeze %dma_start3A_161 : memref<1x80x128xf32, #tpu.memory_space<vmem>> -> memref<80x128xf32, #tpu.memory_space<vmem>>
        %dma_start3A_163 = tpu.memref_slice %arg6[%mul3A_157] : memref<10000xi32, #tpu.memory_space<vmem>> -> memref<80xi32, #tpu.memory_space<vmem>>
        %dma_start3A_164 = arith.constant 0 : i32
        %dma_start3A_165 = arith.constant 0 : i32
        %dma_start3A_166 = tpu.memref_slice %arg2[%dma_start3A_164, %dma_start3A_165] : memref<10000x128xf32, #tpu.memory_space<hbm>> -> memref<10000x128xf32, #tpu.memory_space<hbm>>
        tpu.enqueue_indirect_dma source(%dma_start3A_166 : memref<10000x128xf32, #tpu.memory_space<hbm>>) target(%dma_start3A_162 : memref<80x128xf32, #tpu.memory_space<vmem>>) offsets(%dma_start3A_163 : memref<80xi32, #tpu.memory_space<vmem>>) semaphore(%arg10 : memref<!tpu.dma_semaphore, #tpu.memory_space<semaphore_mem>>)
      } else {
      }
      %add3A_131 = arith.constant 1 : i32
      %add3A_132 = arith.addi %mul3A_114, %add3A_131 : i32
      %mul3A_133 = arith.constant 80 : i32
      %mul3A_134 = arith.muli %add3A_132, %mul3A_133 : i32
      %dma_wait3A_135 = arith.constant 1 : i32
      %dma_wait3A_136 = arith.constant 0 : i32
      %dma_wait3A_137 = arith.constant 0 : i32
      %dma_wait3A_138 = tpu.memref_slice %arg8[%dma_wait3A_135, %dma_wait3A_136, %dma_wait3A_137] : memref<2x80x128xf32, #tpu.memory_space<vmem>> -> memref<1x80x128xf32, #tpu.memory_space<vmem>>
      %dma_wait3A_139 = tpu.memref_squeeze %dma_wait3A_138 : memref<1x80x128xf32, #tpu.memory_space<vmem>> -> memref<80x128xf32, #tpu.memory_space<vmem>>
      %dma_wait3A_140 = tpu.memref_slice %arg6[%mul3A_134] : memref<10000xi32, #tpu.memory_space<vmem>> -> memref<80xi32, #tpu.memory_space<vmem>>
      %dma_wait3A_141 = arith.constant 0 : i32
      %dma_wait3A_142 = arith.constant 0 : i32
      %dma_wait3A_143 = tpu.memref_slice %arg2[%dma_wait3A_141, %dma_wait3A_142] : memref<10000x128xf32, #tpu.memory_space<hbm>> -> memref<10000x128xf32, #tpu.memory_space<hbm>>
      tpu.wait_indirect_dma semaphore(%arg11 : memref<!tpu.dma_semaphore, #tpu.memory_space<semaphore_mem>>) src(%dma_wait3A_143 : memref<10000x128xf32, #tpu.memory_space<hbm>>) dst(%dma_wait3A_139 : memref<80x128xf32, #tpu.memory_space<vmem>>)
      %add3A_144 = arith.constant 1 : i32
      %add3A_145 = arith.addi %mul3A_114, %add3A_144 : i32
      %run_scoped3A_146 = arith.constant 1 : i32
      "tpu.region"() ({
        %run_scoped3A_154 = tpu.sem_alloc : memref<!tpu.dma_semaphore, #tpu.memory_space<semaphore_mem>>
        %dma_start3A_155 = arith.constant 0 : i32
        %dma_start3A_156 = arith.constant 0 : i32
        %dma_start3A_157 = tpu.memref_slice %arg8[%run_scoped3A_146, %dma_start3A_155, %dma_start3A_156] : memref<2x80x128xf32, #tpu.memory_space<vmem>> -> memref<1x80x128xf32, #tpu.memory_space<vmem>>
        %dma_start3A_158 = tpu.memref_squeeze %dma_start3A_157 : memref<1x80x128xf32, #tpu.memory_space<vmem>> -> memref<80x128xf32, #tpu.memory_space<vmem>>
        %dma_start3A_159 = arith.constant 0 : i32
        %dma_start3A_160 = tpu.memref_slice %arg7[%add3A_145, %dma_start3A_159] : memref<125x80xi32, #tpu.memory_space<vmem>> -> memref<1x80xi32, #tpu.memory_space<vmem>>
        %dma_start3A_161 = tpu.memref_squeeze %dma_start3A_160 : memref<1x80xi32, #tpu.memory_space<vmem>> -> memref<80xi32, #tpu.memory_space<vmem>>
        %dma_start3A_162 = arith.constant 0 : i32
        %dma_start3A_163 = arith.constant 0 : i32
        %dma_start3A_164 = tpu.memref_slice %arg9[%dma_start3A_162, %dma_start3A_163] : memref<10112x128xf32, #tpu.memory_space<vmem_shared>> -> memref<10112x128xf32, #tpu.memory_space<vmem_shared>>
        tpu.enqueue_indirect_dma source(%dma_start3A_158 : memref<80x128xf32, #tpu.memory_space<vmem>>) target(%dma_start3A_164 : memref<10112x128xf32, #tpu.memory_space<vmem_shared>>) offsets(%dma_start3A_161 : memref<80xi32, #tpu.memory_space<vmem>>) semaphore(%run_scoped3A_154 : memref<!tpu.dma_semaphore, #tpu.memory_space<semaphore_mem>>) {add = true}
        %dma_wait3A_165 = arith.constant 0 : i32
        %dma_wait3A_166 = arith.constant 0 : i32
        %dma_wait3A_167 = tpu.memref_slice %arg8[%run_scoped3A_146, %dma_wait3A_165, %dma_wait3A_166] : memref<2x80x128xf32, #tpu.memory_space<vmem>> -> memref<1x80x128xf32, #tpu.memory_space<vmem>>
        %dma_wait3A_168 = tpu.memref_squeeze %dma_wait3A_167 : memref<1x80x128xf32, #tpu.memory_space<vmem>> -> memref<80x128xf32, #tpu.memory_space<vmem>>
        %dma_wait3A_169 = arith.constant 0 : i32
        %dma_wait3A_170 = tpu.memref_slice %arg7[%add3A_145, %dma_wait3A_169] : memref<125x80xi32, #tpu.memory_space<vmem>> -> memref<1x80xi32, #tpu.memory_space<vmem>>
        %dma_wait3A_171 = tpu.memref_squeeze %dma_wait3A_170 : memref<1x80xi32, #tpu.memory_space<vmem>> -> memref<80xi32, #tpu.memory_space<vmem>>
        %dma_wait3A_172 = arith.constant 0 : i32
        %dma_wait3A_173 = arith.constant 0 : i32
        %dma_wait3A_174 = tpu.memref_slice %arg9[%dma_wait3A_172, %dma_wait3A_173] : memref<10112x128xf32, #tpu.memory_space<vmem_shared>> -> memref<10112x128xf32, #tpu.memory_space<vmem_shared>>
        tpu.wait_indirect_dma semaphore(%run_scoped3A_154 : memref<!tpu.dma_semaphore, #tpu.memory_space<semaphore_mem>>) src(%dma_wait3A_168 : memref<80x128xf32, #tpu.memory_space<vmem>>) dst(%dma_wait3A_174 : memref<10112x128xf32, #tpu.memory_space<vmem_shared>>)
        tpu.yield
      }) : () -> ()
      %add3A_147 = arith.constant 3 : i32
      %add3A_148 = arith.addi %mul3A_114, %add3A_147 : i32
      %lt3A_149 = arith.constant 125 : i32
      %lt3A_150 = arith.cmpi slt, %add3A_148, %lt3A_149 : i32
      %convert_element_type3A_151 = arith.extui %lt3A_150 : i1 to i32
      %cond3A_152 = arith.constant 0 : i32
      %cond3A_153 = arith.cmpi ne, %convert_element_type3A_151, %cond3A_152 : i32
      scf.if %cond3A_153 {
        %add3A_154 = arith.constant 3 : i32
        %add3A_155 = arith.addi %mul3A_114, %add3A_154 : i32
        %mul3A_156 = arith.constant 80 : i32
        %mul3A_157 = arith.muli %add3A_155, %mul3A_156 : i32
        %dma_start3A_158 = arith.constant 1 : i32
        %dma_start3A_159 = arith.constant 0 : i32
        %dma_start3A_160 = arith.constant 0 : i32
        %dma_start3A_161 = tpu.memref_slice %arg8[%dma_start3A_158, %dma_start3A_159, %dma_start3A_160] : memref<2x80x128xf32, #tpu.memory_space<vmem>> -> memref<1x80x128xf32, #tpu.memory_space<vmem>>
        %dma_start3A_162 = tpu.memref_squeeze %dma_start3A_161 : memref<1x80x128xf32, #tpu.memory_space<vmem>> -> memref<80x128xf32, #tpu.memory_space<vmem>>
        %dma_start3A_163 = tpu.memref_slice %arg6[%mul3A_157] : memref<10000xi32, #tpu.memory_space<vmem>> -> memref<80xi32, #tpu.memory_space<vmem>>
        %dma_start3A_164 = arith.constant 0 : i32
        %dma_start3A_165 = arith.constant 0 : i32
        %dma_start3A_166 = tpu.memref_slice %arg2[%dma_start3A_164, %dma_start3A_165] : memref<10000x128xf32, #tpu.memory_space<hbm>> -> memref<10000x128xf32, #tpu.memory_space<hbm>>
        tpu.enqueue_indirect_dma source(%dma_start3A_166 : memref<10000x128xf32, #tpu.memory_space<hbm>>) target(%dma_start3A_162 : memref<80x128xf32, #tpu.memory_space<vmem>>) offsets(%dma_start3A_163 : memref<80xi32, #tpu.memory_space<vmem>>) semaphore(%arg11 : memref<!tpu.dma_semaphore, #tpu.memory_space<semaphore_mem>>)
      } else {
      }
    }
    %scan3A_96 = arith.constant 62 : i32
    %dma_wait3A_97 = arith.constant 0 : i32
    %dma_wait3A_98 = arith.constant 0 : i32
    %dma_wait3A_99 = arith.constant 0 : i32
    %dma_wait3A_100 = tpu.memref_slice %arg8[%dma_wait3A_97, %dma_wait3A_98, %dma_wait3A_99] : memref<2x80x128xf32, #tpu.memory_space<vmem>> -> memref<1x80x128xf32, #tpu.memory_space<vmem>>
    %dma_wait3A_101 = tpu.memref_squeeze %dma_wait3A_100 : memref<1x80x128xf32, #tpu.memory_space<vmem>> -> memref<80x128xf32, #tpu.memory_space<vmem>>
    %dma_wait3A_102 = arith.constant 9920 : i32
    %dma_wait3A_103 = tpu.memref_slice %arg6[%dma_wait3A_102] : memref<10000xi32, #tpu.memory_space<vmem>> -> memref<80xi32, #tpu.memory_space<vmem>>
    %dma_wait3A_104 = arith.constant 0 : i32
    %dma_wait3A_105 = arith.constant 0 : i32
    %dma_wait3A_106 = tpu.memref_slice %arg2[%dma_wait3A_104, %dma_wait3A_105] : memref<10000x128xf32, #tpu.memory_space<hbm>> -> memref<10000x128xf32, #tpu.memory_space<hbm>>
    tpu.wait_indirect_dma semaphore(%arg10 : memref<!tpu.dma_semaphore, #tpu.memory_space<semaphore_mem>>) src(%dma_wait3A_106 : memref<10000x128xf32, #tpu.memory_space<hbm>>) dst(%dma_wait3A_101 : memref<80x128xf32, #tpu.memory_space<vmem>>)
    %run_scoped3A_107 = arith.constant 0 : i32
    %run_scoped3A_108 = arith.constant 124 : i32
    "tpu.region"() ({
      %run_scoped3A_112 = tpu.sem_alloc : memref<!tpu.dma_semaphore, #tpu.memory_space<semaphore_mem>>
      %dma_start3A_113 = arith.constant 0 : i32
      %dma_start3A_114 = arith.constant 0 : i32
      %dma_start3A_115 = tpu.memref_slice %arg8[%run_scoped3A_107, %dma_start3A_113, %dma_start3A_114] : memref<2x80x128xf32, #tpu.memory_space<vmem>> -> memref<1x80x128xf32, #tpu.memory_space<vmem>>
      %dma_start3A_116 = tpu.memref_squeeze %dma_start3A_115 : memref<1x80x128xf32, #tpu.memory_space<vmem>> -> memref<80x128xf32, #tpu.memory_space<vmem>>
      %dma_start3A_117 = arith.constant 0 : i32
      %dma_start3A_118 = tpu.memref_slice %arg7[%run_scoped3A_108, %dma_start3A_117] : memref<125x80xi32, #tpu.memory_space<vmem>> -> memref<1x80xi32, #tpu.memory_space<vmem>>
      %dma_start3A_119 = tpu.memref_squeeze %dma_start3A_118 : memref<1x80xi32, #tpu.memory_space<vmem>> -> memref<80xi32, #tpu.memory_space<vmem>>
      %dma_start3A_120 = arith.constant 0 : i32
      %dma_start3A_121 = arith.constant 0 : i32
      %dma_start3A_122 = tpu.memref_slice %arg9[%dma_start3A_120, %dma_start3A_121] : memref<10112x128xf32, #tpu.memory_space<vmem_shared>> -> memref<10112x128xf32, #tpu.memory_space<vmem_shared>>
      tpu.enqueue_indirect_dma source(%dma_start3A_116 : memref<80x128xf32, #tpu.memory_space<vmem>>) target(%dma_start3A_122 : memref<10112x128xf32, #tpu.memory_space<vmem_shared>>) offsets(%dma_start3A_119 : memref<80xi32, #tpu.memory_space<vmem>>) semaphore(%run_scoped3A_112 : memref<!tpu.dma_semaphore, #tpu.memory_space<semaphore_mem>>) {add = true}
      %dma_wait3A_123 = arith.constant 0 : i32
      %dma_wait3A_124 = arith.constant 0 : i32
      %dma_wait3A_125 = tpu.memref_slice %arg8[%run_scoped3A_107, %dma_wait3A_123, %dma_wait3A_124] : memref<2x80x128xf32, #tpu.memory_space<vmem>> -> memref<1x80x128xf32, #tpu.memory_space<vmem>>
      %dma_wait3A_126 = tpu.memref_squeeze %dma_wait3A_125 : memref<1x80x128xf32, #tpu.memory_space<vmem>> -> memref<80x128xf32, #tpu.memory_space<vmem>>
      %dma_wait3A_127 = arith.constant 0 : i32
      %dma_wait3A_128 = tpu.memref_slice %arg7[%run_scoped3A_108, %dma_wait3A_127] : memref<125x80xi32, #tpu.memory_space<vmem>> -> memref<1x80xi32, #tpu.memory_space<vmem>>
      %dma_wait3A_129 = tpu.memref_squeeze %dma_wait3A_128 : memref<1x80xi32, #tpu.memory_space<vmem>> -> memref<80xi32, #tpu.memory_space<vmem>>
      %dma_wait3A_130 = arith.constant 0 : i32
      %dma_wait3A_131 = arith.constant 0 : i32
      %dma_wait3A_132 = tpu.memref_slice %arg9[%dma_wait3A_130, %dma_wait3A_131] : memref<10112x128xf32, #tpu.memory_space<vmem_shared>> -> memref<10112x128xf32, #tpu.memory_space<vmem_shared>>
      tpu.wait_indirect_dma semaphore(%run_scoped3A_112 : memref<!tpu.dma_semaphore, #tpu.memory_space<semaphore_mem>>) src(%dma_wait3A_126 : memref<80x128xf32, #tpu.memory_space<vmem>>) dst(%dma_wait3A_132 : memref<10112x128xf32, #tpu.memory_space<vmem_shared>>)
      tpu.yield
    }) : () -> ()
    %barrier3A_109 = arith.constant 0 : index
    tpu.barrier barrier_id(%barrier3A_109)
    %mul3A_110 = arith.constant 632 : i32
    %mul3A_111 = arith.muli %arg1, %mul3A_110 : i32
    "tpu.region"() ({
      %run_scoped3A_112 = tpu.sem_alloc : memref<!tpu.dma_semaphore, #tpu.memory_space<semaphore_mem>>
      %dma_start3A_113 = arith.constant 0 : i32
      %dma_start3A_114 = tpu.memref_slice %arg5[%arg0, %mul3A_111, %dma_start3A_113] : memref<2x10112x128xf32, #tpu.memory_space<hbm>> -> memref<1x632x128xf32, #tpu.memory_space<hbm>>
      %dma_start3A_115 = tpu.memref_squeeze %dma_start3A_114 : memref<1x632x128xf32, #tpu.memory_space<hbm>> -> memref<632x128xf32, #tpu.memory_space<hbm>>
      %dma_start3A_116 = arith.constant 0 : i32
      %dma_start3A_117 = tpu.memref_slice %arg9[%mul3A_111, %dma_start3A_116] : memref<10112x128xf32, #tpu.memory_space<vmem_shared>> -> memref<632x128xf32, #tpu.memory_space<vmem_shared>>
      tpu.enqueue_dma source(%dma_start3A_117 : memref<632x128xf32, #tpu.memory_space<vmem_shared>>) target(%dma_start3A_115 : memref<632x128xf32, #tpu.memory_space<hbm>>) target_semaphore(%run_scoped3A_112 : memref<!tpu.dma_semaphore, #tpu.memory_space<semaphore_mem>>)
      %dma_wait3A_118 = arith.constant 0 : i32
      %dma_wait3A_119 = tpu.memref_slice %arg5[%arg0, %mul3A_111, %dma_wait3A_118] : memref<2x10112x128xf32, #tpu.memory_space<hbm>> -> memref<1x632x128xf32, #tpu.memory_space<hbm>>
      %dma_wait3A_120 = tpu.memref_squeeze %dma_wait3A_119 : memref<1x632x128xf32, #tpu.memory_space<hbm>> -> memref<632x128xf32, #tpu.memory_space<hbm>>
      %dma_wait3A_121 = arith.constant 0 : i32
      %dma_wait3A_122 = tpu.memref_slice %arg9[%mul3A_111, %dma_wait3A_121] : memref<10112x128xf32, #tpu.memory_space<vmem_shared>> -> memref<632x128xf32, #tpu.memory_space<vmem_shared>>
      tpu.wait_dma2 semaphore(%run_scoped3A_112 : memref<!tpu.dma_semaphore, #tpu.memory_space<semaphore_mem>>) src(%dma_wait3A_122 : memref<632x128xf32, #tpu.memory_space<vmem_shared>>) dst(%dma_wait3A_120 : memref<632x128xf32, #tpu.memory_space<hbm>>)
      tpu.yield
    }) : () -> ()
    return
  }
}

module attributes {stable_mosaic.version = 14 : i64} {
  func.func @_mm1_body(%arg0: i32, %arg1: memref<2000x128xf32, #tpu.memory_space<vmem>>, %arg2: memref<2000x1xf32, #tpu.memory_space<vmem>>, %arg3: memref<128x128xf32, #tpu.memory_space<vmem>>, %arg4: memref<2000x128xf32, #tpu.memory_space<vmem>>) attributes {dimension_semantics = [#tpu.dimension_semantics<arbitrary>], iteration_bounds = array<i64: 5>, scalar_prefetch = 0 : i64, scratch_operands = 0 : i64, tpu.core_type = #tpu.core_type<tc>, window_params = [{transform_indices = @transform_0, window_bounds = array<i64: 2000, 128>}, {transform_indices = @transform_1, window_bounds = array<i64: 2000, 1>}, {pipeline_mode = #tpu.pipeline_mode<synchronous>, transform_indices = @transform_2, window_bounds = array<i64: 128, 128>}, {transform_indices = @transform_3, window_bounds = array<i64: 2000, 128>}]} {
    %get3A = arith.constant 0 : index
    %get3A_0 = arith.constant 0 : index
    %get3A_1 = vector.load %arg2[%get3A, %get3A_0] : memref<2000x1xf32, #tpu.memory_space<vmem>>, vector<2000x1xf32>
    %max3A = arith.constant 1.000000e+00 : f32
    %max3A_2 = vector.broadcast %max3A : f32 to vector<2000x1xf32>
    %max3A_3 = arith.maximumf %get3A_1, %max3A_2 : vector<2000x1xf32>
    %rsqrt3A = math.rsqrt %max3A_3 : vector<2000x1xf32>
    %get3A_4 = arith.constant 0 : index
    %get3A_5 = arith.constant 0 : index
    %get3A_6 = vector.load %arg1[%get3A_4, %get3A_5] : memref<2000x128xf32, #tpu.memory_space<vmem>>, vector<2000x128xf32>
    %mul3A = vector.broadcast %rsqrt3A : vector<2000x1xf32> to vector<2000x128xf32>
    %mul3A_7 = arith.mulf %get3A_6, %mul3A : vector<2000x128xf32>
    %get3A_8 = arith.constant 0 : index
    %get3A_9 = arith.constant 0 : index
    %get3A_10 = vector.load %arg3[%get3A_8, %get3A_9] : memref<128x128xf32, #tpu.memory_space<vmem>>, vector<128x128xf32>
    %dot_general3A = arith.constant dense<0.000000e+00> : vector<2000x128xf32>
    %dot_general3A_11 = tpu.matmul %mul3A_7, %get3A_10, %dot_general3A {dimension_numbers = #tpu.dot_dimension_numbers<[1], [0], [0], [1], [0, 0, 1, 1], [], []>, precision = #tpu.contract_precision<fp32>, transpose_lhs_hint = false} : vector<2000x128xf32>, vector<128x128xf32>, vector<2000x128xf32> -> vector<2000x128xf32>
    %swap3A = arith.constant 0 : index
    %swap3A_12 = arith.constant 0 : index
    %swap3A_13 = vector.load %arg4[%swap3A, %swap3A_12] : memref<2000x128xf32, #tpu.memory_space<vmem>>, vector<2000x128xf32>
    tpu.vector_store %arg4[%swap3A, %swap3A_12], %dot_general3A_11 {strides = array<i32>} : memref<2000x128xf32, #tpu.memory_space<vmem>>, vector<2000x128xf32>,
    return
  }
  func.func @transform_0(%arg0: i32) -> (i32, i32) {
    %c0_i32 = arith.constant 0 : i32
    %c0_i32_0 = arith.constant 0 : i32
    return %arg0, %c0_i32 : i32, i32
  }
  func.func @transform_1(%arg0: i32) -> (i32, i32) {
    %c0_i32 = arith.constant 0 : i32
    %c0_i32_0 = arith.constant 0 : i32
    return %arg0, %c0_i32 : i32, i32
  }
  func.func @transform_2(%arg0: i32) -> (i32, i32) {
    %c0_i32 = arith.constant 0 : i32
    %c0_i32_0 = arith.constant 0 : i32
    %c0_i32_1 = arith.constant 0 : i32
    return %c0_i32, %c0_i32_0 : i32, i32
  }
  func.func @transform_3(%arg0: i32) -> (i32, i32) {
    %c0_i32 = arith.constant 0 : i32
    %c0_i32_0 = arith.constant 0 : i32
    return %arg0, %c0_i32 : i32, i32
  }
}

module attributes {stable_mosaic.version = 14 : i64} {
  func.func @_mm2_body(%arg0: i32, %arg1: memref<2x2000x128xf32, #tpu.memory_space<vmem>>, %arg2: memref<2000x1xf32, #tpu.memory_space<vmem>>, %arg3: memref<2000x1xf32, #tpu.memory_space<vmem>>, %arg4: memref<128x128xf32, #tpu.memory_space<vmem>>, %arg5: memref<1x128xf32, #tpu.memory_space<vmem>>, %arg6: memref<2000x128xf32, #tpu.memory_space<vmem>>) attributes {dimension_semantics = [#tpu.dimension_semantics<arbitrary>], iteration_bounds = array<i64: 5>, scalar_prefetch = 0 : i64, scratch_operands = 0 : i64, tpu.core_type = #tpu.core_type<tc>, window_params = [{transform_indices = @transform_0, window_bounds = array<i64: 2, 2000, 128>}, {transform_indices = @transform_1, window_bounds = array<i64: 2000, 1>}, {transform_indices = @transform_2, window_bounds = array<i64: 2000, 1>}, {pipeline_mode = #tpu.pipeline_mode<synchronous>, transform_indices = @transform_3, window_bounds = array<i64: 128, 128>}, {pipeline_mode = #tpu.pipeline_mode<synchronous>, transform_indices = @transform_4, window_bounds = array<i64: 1, 128>}, {transform_indices = @transform_5, window_bounds = array<i64: 2000, 128>}]} {
    %get3A = arith.constant 0 : index
    %get3A_0 = arith.constant 0 : index
    %get3A_1 = arith.constant 0 : index
    %get3A_2 = vector.load %arg1[%get3A, %get3A_0, %get3A_1] : memref<2x2000x128xf32, #tpu.memory_space<vmem>>, vector<1x2000x128xf32>
    %get3A_3 = vector.shape_cast %get3A_2 : vector<1x2000x128xf32> to vector<2000x128xf32>
    %get3A_4 = arith.constant 1 : index
    %get3A_5 = arith.constant 0 : index
    %get3A_6 = arith.constant 0 : index
    %get3A_7 = vector.load %arg1[%get3A_4, %get3A_5, %get3A_6] : memref<2x2000x128xf32, #tpu.memory_space<vmem>>, vector<1x2000x128xf32>
    %get3A_8 = vector.shape_cast %get3A_7 : vector<1x2000x128xf32> to vector<2000x128xf32>
    %add3A = arith.addf %get3A_3, %get3A_8 : vector<2000x128xf32>
    %get3A_9 = arith.constant 0 : index
    %get3A_10 = arith.constant 0 : index
    %get3A_11 = vector.load %arg3[%get3A_9, %get3A_10] : memref<2000x1xf32, #tpu.memory_space<vmem>>, vector<2000x1xf32>
    %max3A = arith.constant 1.000000e+00 : f32
    %max3A_12 = vector.broadcast %max3A : f32 to vector<2000x1xf32>
    %max3A_13 = arith.maximumf %get3A_11, %max3A_12 : vector<2000x1xf32>
    %rsqrt3A = math.rsqrt %max3A_13 : vector<2000x1xf32>
    %get3A_14 = arith.constant 0 : index
    %get3A_15 = arith.constant 0 : index
    %get3A_16 = vector.load %arg2[%get3A_14, %get3A_15] : memref<2000x1xf32, #tpu.memory_space<vmem>>, vector<2000x1xf32>
    %max3A_17 = arith.constant 1.000000e+00 : f32
    %max3A_18 = vector.broadcast %max3A_17 : f32 to vector<2000x1xf32>
    %max3A_19 = arith.maximumf %get3A_16, %max3A_18 : vector<2000x1xf32>
    %rsqrt3A_20 = math.rsqrt %max3A_19 : vector<2000x1xf32>
    %mul3A = vector.broadcast %rsqrt3A : vector<2000x1xf32> to vector<2000x128xf32>
    %mul3A_21 = arith.mulf %add3A, %mul3A : vector<2000x128xf32>
    %get3A_22 = arith.constant 0 : index
    %get3A_23 = arith.constant 0 : index
    %get3A_24 = vector.load %arg5[%get3A_22, %get3A_23] : memref<1x128xf32, #tpu.memory_space<vmem>>, vector<1x128xf32>
    %add3A_25 = vector.broadcast %get3A_24 : vector<1x128xf32> to vector<2000x128xf32>
    %add3A_26 = arith.addf %mul3A_21, %add3A_25 : vector<2000x128xf32>
    %mul3A_27 = vector.broadcast %rsqrt3A_20 : vector<2000x1xf32> to vector<2000x128xf32>
    %mul3A_28 = arith.mulf %add3A_26, %mul3A_27 : vector<2000x128xf32>
    %get3A_29 = arith.constant 0 : index
    %get3A_30 = arith.constant 0 : index
    %get3A_31 = vector.load %arg4[%get3A_29, %get3A_30] : memref<128x128xf32, #tpu.memory_space<vmem>>, vector<128x128xf32>
    %dot_general3A = arith.constant dense<0.000000e+00> : vector<2000x128xf32>
    %dot_general3A_32 = tpu.matmul %mul3A_28, %get3A_31, %dot_general3A {dimension_numbers = #tpu.dot_dimension_numbers<[1], [0], [0], [1], [0, 0, 1, 1], [], []>, precision = #tpu.contract_precision<fp32>, transpose_lhs_hint = false} : vector<2000x128xf32>, vector<128x128xf32>, vector<2000x128xf32> -> vector<2000x128xf32>
    %swap3A = arith.constant 0 : index
    %swap3A_33 = arith.constant 0 : index
    %swap3A_34 = vector.load %arg6[%swap3A, %swap3A_33] : memref<2000x128xf32, #tpu.memory_space<vmem>>, vector<2000x128xf32>
    tpu.vector_store %arg6[%swap3A, %swap3A_33], %dot_general3A_32 {strides = array<i32>} : memref<2000x128xf32, #tpu.memory_space<vmem>>, vector<2000x128xf32>,
    return
  }
  func.func @transform_0(%arg0: i32) -> (i32, i32, i32) {
    %c0_i32 = arith.constant 0 : i32
    %c0_i32_0 = arith.constant 0 : i32
    %c0_i32_1 = arith.constant 0 : i32
    return %c0_i32, %arg0, %c0_i32_0 : i32, i32, i32
  }
  func.func @transform_1(%arg0: i32) -> (i32, i32) {
    %c0_i32 = arith.constant 0 : i32
    %c0_i32_0 = arith.constant 0 : i32
    return %arg0, %c0_i32 : i32, i32
  }
  func.func @transform_2(%arg0: i32) -> (i32, i32) {
    %c0_i32 = arith.constant 0 : i32
    %c0_i32_0 = arith.constant 0 : i32
    return %arg0, %c0_i32 : i32, i32
  }
  func.func @transform_3(%arg0: i32) -> (i32, i32) {
    %c0_i32 = arith.constant 0 : i32
    %c0_i32_0 = arith.constant 0 : i32
    %c0_i32_1 = arith.constant 0 : i32
    return %c0_i32, %c0_i32_0 : i32, i32
  }
  func.func @transform_4(%arg0: i32) -> (i32, i32) {
    %c0_i32 = arith.constant 0 : i32
    %c0_i32_0 = arith.constant 0 : i32
    %c0_i32_1 = arith.constant 0 : i32
    return %c0_i32, %c0_i32_0 : i32, i32
  }
  func.func @transform_5(%arg0: i32) -> (i32, i32) {
    %c0_i32 = arith.constant 0 : i32
    %c0_i32_0 = arith.constant 0 : i32
    return %arg0, %c0_i32 : i32, i32
  }
}

module attributes {stable_mosaic.version = 14 : i64} {
  func.func @_fin_body(%arg0: i32, %arg1: memref<2x2000x128xf32, #tpu.memory_space<vmem>>, %arg2: memref<2000x1xf32, #tpu.memory_space<vmem>>, %arg3: memref<1x128xf32, #tpu.memory_space<vmem>>, %arg4: memref<2000x128xf32, #tpu.memory_space<vmem>>) attributes {dimension_semantics = [#tpu.dimension_semantics<arbitrary>], iteration_bounds = array<i64: 5>, scalar_prefetch = 0 : i64, scratch_operands = 0 : i64, tpu.core_type = #tpu.core_type<tc>, window_params = [{transform_indices = @transform_0, window_bounds = array<i64: 2, 2000, 128>}, {transform_indices = @transform_1, window_bounds = array<i64: 2000, 1>}, {pipeline_mode = #tpu.pipeline_mode<synchronous>, transform_indices = @transform_2, window_bounds = array<i64: 1, 128>}, {transform_indices = @transform_3, window_bounds = array<i64: 2000, 128>}]} {
    %get3A = arith.constant 0 : index
    %get3A_0 = arith.constant 0 : index
    %get3A_1 = arith.constant 0 : index
    %get3A_2 = vector.load %arg1[%get3A, %get3A_0, %get3A_1] : memref<2x2000x128xf32, #tpu.memory_space<vmem>>, vector<1x2000x128xf32>
    %get3A_3 = vector.shape_cast %get3A_2 : vector<1x2000x128xf32> to vector<2000x128xf32>
    %get3A_4 = arith.constant 1 : index
    %get3A_5 = arith.constant 0 : index
    %get3A_6 = arith.constant 0 : index
    %get3A_7 = vector.load %arg1[%get3A_4, %get3A_5, %get3A_6] : memref<2x2000x128xf32, #tpu.memory_space<vmem>>, vector<1x2000x128xf32>
    %get3A_8 = vector.shape_cast %get3A_7 : vector<1x2000x128xf32> to vector<2000x128xf32>
    %add3A = arith.addf %get3A_3, %get3A_8 : vector<2000x128xf32>
    %get3A_9 = arith.constant 0 : index
    %get3A_10 = arith.constant 0 : index
    %get3A_11 = vector.load %arg2[%get3A_9, %get3A_10] : memref<2000x1xf32, #tpu.memory_space<vmem>>, vector<2000x1xf32>
    %max3A = arith.constant 1.000000e+00 : f32
    %max3A_12 = vector.broadcast %max3A : f32 to vector<2000x1xf32>
    %max3A_13 = arith.maximumf %get3A_11, %max3A_12 : vector<2000x1xf32>
    %rsqrt3A = math.rsqrt %max3A_13 : vector<2000x1xf32>
    %mul3A = vector.broadcast %rsqrt3A : vector<2000x1xf32> to vector<2000x128xf32>
    %mul3A_14 = arith.mulf %add3A, %mul3A : vector<2000x128xf32>
    %get3A_15 = arith.constant 0 : index
    %get3A_16 = arith.constant 0 : index
    %get3A_17 = vector.load %arg3[%get3A_15, %get3A_16] : memref<1x128xf32, #tpu.memory_space<vmem>>, vector<1x128xf32>
    %add3A_18 = vector.broadcast %get3A_17 : vector<1x128xf32> to vector<2000x128xf32>
    %add3A_19 = arith.addf %mul3A_14, %add3A_18 : vector<2000x128xf32>
    %swap3A = arith.constant 0 : index
    %swap3A_20 = arith.constant 0 : index
    %swap3A_21 = vector.load %arg4[%swap3A, %swap3A_20] : memref<2000x128xf32, #tpu.memory_space<vmem>>, vector<2000x128xf32>
    tpu.vector_store %arg4[%swap3A, %swap3A_20], %add3A_19 {strides = array<i32>} : memref<2000x128xf32, #tpu.memory_space<vmem>>, vector<2000x128xf32>,
    return
  }
  func.func @transform_0(%arg0: i32) -> (i32, i32, i32) {
    %c0_i32 = arith.constant 0 : i32
    %c0_i32_0 = arith.constant 0 : i32
    %c0_i32_1 = arith.constant 0 : i32
    return %c0_i32, %arg0, %c0_i32_0 : i32, i32, i32
  }
  func.func @transform_1(%arg0: i32) -> (i32, i32) {
    %c0_i32 = arith.constant 0 : i32
    %c0_i32_0 = arith.constant 0 : i32
    return %arg0, %c0_i32 : i32, i32
  }
  func.func @transform_2(%arg0: i32) -> (i32, i32) {
    %c0_i32 = arith.constant 0 : i32
    %c0_i32_0 = arith.constant 0 : i32
    %c0_i32_1 = arith.constant 0 : i32
    return %c0_i32, %c0_i32_0 : i32, i32
  }
  func.func @transform_3(%arg0: i32) -> (i32, i32) {
    %c0_i32 = arith.constant 0 : i32
    %c0_i32_0 = arith.constant 0 : i32
    return %arg0, %c0_i32 : i32, i32
  }
}

</mosaic_0001>

<sc_bundles>
// kernel: kernel.11.cloned.1.call-start
scs
__scs_entry_jumppad:
0x0: {  	(pc) =	sbr.rel $0x88, $3  }
0x1: {  	(tag) =	ssettag $0x0;
	lr =	simm.s32 $0x1  }
0x2: {  	[smem:$0x3F9B] =	sst lr;
	_ =	strace $0xD0000000  }
0x3: {  	_ = 	snop  }
0x4: {  	_ = 	snop  }
0x5: {  	_ = 	snop  }
0x6: {  	_ = 	snop  }
0x7: {  	_ = 	snop  }
__scs_overlays_trampoline_lowered:
0x8: {  	[smem:$0x3FAA] =	sst s0  }
0x9: {  	[smem:$0x3FAB] =	sst s1  }
0xa: {  	[smem:$0x3FAC] =	sst s2  }
0xb: {  	[smem:$0x3FAD] =	sst s3  }
0xc: {  	[smem:$0x3FAE] =	sst s4  }
0xd: {  	[smem:$0x3FAF] =	sst s5  }
0xe: {  	[smem:$0x3FB0] =	sst s6  }
0xf: {  	[smem:$0x3FB1] =	sst s7  }
0x10: {  	[smem:$0x3FB2] =	sst s8  }
0x11: {  	[smem:$0x3FB3] =	sst s9;
	s0 =	simm.s32 @!p0 $0x0  }
0x12: {  	s1 =	sld [smem:$0x3F99];
	s0 =	simm.s32 @p0 $0x1  }
0x13: {  	[smem:$0x3FB4] =	sst s0;
	s0 =	simm.s32 @!p1 $0x0  }
0x14: {  	s2 =	sld [smem:$0x3F98];
	s0 =	simm.s32 @p1 $0x1  }
0x15: {  	[smem:$0x3FB5] =	sst s0;
	s0 =	simm.s32 @!p2 $0x0  }
0x16: {  	s3 =	sld [smem:$0x3FDB];
	s0 =	simm.s32 @p2 $0x1  }
0x17: {  	s4 =	simm.s32 $0x1BF5;
	[smem:$0x3FB7] =	sst s0  }
0x18: {  	s0 =	sld [smem:$0x3F9A];
	_ =	swait.ge [sflag:s4], $0x0  }
0x19: {  	s7 =	sld [smem:$0x3F9B]  }
0x1a: {  	s8 =	sadd.s32 $0xFFFFE003, lr  }
0x1b: {  	s9 =	sadd.s32 $0xFFFFFEF7, lr;
	s5 =	simm.s32 $0xFFFFFFFF;
	p2 =	slt.u32 s8, $0xFFFFF086  }
0x1c: {  	p1 =	slt.u32 s9, $0xF7A;
	s5 =	simm.s32 @!p2 $0x0  }
0x1d: {  	s5 =	simm.s32 @p1 $0x1;
	p0 =	seq.s32 s7, s2  }
0x1e: {  	s7 =	smul.u32 @!p0 $0xF7A, s2;
	p2 =	seq.s32 @!p0 s5, $0x0  }
0x1f: {  	s9 =	smul.u32 $0xF7A, s1;
	s8 =	simm.s32 @!p0 $0x1BF5;
	p2 =	por !p2, p0  }
0x20: {  	[sflag:s8] =	ssyncset.s32 @!p0 $0xFFFFF086;
	s6 =	sadd.s32 @!p0 s3, s7;
	s7 =	simm.s32 @!p0 $0x108  }
0x21: {  	s3 =	sadd.s32 s3, s9;
	s6 =	sadd.s32 @!p0 $0x88, s6;
	s7 =	simm.s32 @p2 $0x1082  }
0x22: {  	[simem:s7], [sflag:s8] =	dma.local @!p0 [hbm:s6], $0xF7A  }
0x23: {  	s9 =	sor.u32 $0xD0000000, s2;
	s6 =	simm.s32 $0x108;
	_ =	swait.ge @!p0 [sflag:s8], $0x0  }
0x24: {  	s3 =	sadd.s32 $0x88, s3;
	s6 =	simm.s32 @!p1 $0x1082;
	[sflag:s4] =	ssyncset.s32 $0xFFFFF086  }
0x25: {  	[simem:s6], [sflag:s4] =	dma.local [hbm:s3], $0xF7A  }
0x26: {  	[smem:$0x3F9B] =	sst s1;
	(tag) =	ssettag s2;
	_ =	strace s9  }
0x27: {  	s1 =	sld [smem:$0x3FAB]  }
0x28: {  	s2 =	sld [smem:$0x3FAC]  }
0x29: {  	s4 =	sld [smem:$0x3FAE]  }
0x2a: {  	p0 =	seq.s32 s5, $0x0;
	s5 =	sld [smem:$0x3FAF]  }
0x2b: {  	s6 =	sld [smem:$0x3FB0]  }
0x2c: {  	s7 =	sld [smem:$0x3FB1]  }
0x2d: {  	s3 =	simm.s32 $0x108;
	s8 =	sld [smem:$0x3FB2]  }
0x2e: {  	s3 =	simm.s32 @!p0 $0x1082;
	s9 =	sld [smem:$0x3FB3]  }
0x2f: {  	lr =	sadd.s32 s0, s3;
	s0 =	sld [smem:$0x3FAA]  }
0x30: {  	s3 =	sld [smem:$0x3FAD]  }
0x31: {  	[smem:$0x3FB6] =	sst s10  }
0x32: {  	s10 =	sld [smem:$0x3FB4];
	_ =	sdelay $0x3  }
0x33: {  	p0 =	seq.s32 s10, $0x1;
	s10 =	sld [smem:$0x3FB6];
	_ =	sdelay $0x3  }
0x34: {  	[smem:$0x3FB6] =	sst s10  }
0x35: {  	s10 =	sld [smem:$0x3FB5];
	_ =	sdelay $0x3  }
0x36: {  	p1 =	seq.s32 s10, $0x1;
	s10 =	sld [smem:$0x3FB6];
	_ =	sdelay $0x3  }
0x37: {  	[smem:$0x3FB6] =	sst s10  }
0x38: {  	s10 =	sld [smem:$0x3FB7]  }
0x39: {  	_ = 	snop;
	(pc) =	sbr.ind lr, $3  }
0x3a: {  	_ = 	snop  }
0x3b: {  	_ = 	snop  }
0x3c: {  	p2 =	seq.s32 s10, $0x1;
	s10 =	sld [smem:$0x3FB6]  }
0x3d: {  	_ =	shalt  }
0x3e: {  	_ =	shalt  }
0x3f: {  	_ =	shalt  }
0x40: {  	_ =	shalt  }
0x41: {  	_ =	shalt  }
0x42: {  	_ =	shalt  }
0x43: {  	_ =	shalt  }
0x44: {  	_ =	shalt  }
0x45: {  	_ =	shalt  }
0x46: {  	_ =	shalt  }
0x47: {  	_ =	shalt  }
0x48: {  	_ =	shalt  }
0x49: {  	_ =	shalt  }
0x4a: {  	_ =	shalt  }
0x4b: {  	_ =	shalt  }
0x4c: {  	_ =	shalt  }
0x4d: {  	_ =	shalt  }
0x4e: {  	_ =	shalt  }
0x4f: {  	_ =	shalt  }
0x50: {  	_ =	shalt  }
0x51: {  	_ =	shalt  }
0x52: {  	_ =	shalt  }
0x53: {  	_ =	shalt  }
0x54: {  	_ =	shalt  }
0x55: {  	_ =	shalt  }
0x56: {  	_ =	shalt  }
0x57: {  	_ =	shalt  }
0x58: {  	_ =	shalt  }
0x59: {  	_ =	shalt  }
0x5a: {  	_ =	shalt  }
0x5b: {  	_ =	shalt  }
0x5c: {  	_ =	shalt  }
0x5d: {  	_ =	shalt  }
0x5e: {  	_ =	shalt  }
0x5f: {  	_ =	shalt  }
0x60: {  	_ =	shalt  }
0x61: {  	_ =	shalt  }
0x62: {  	_ =	shalt  }
0x63: {  	_ =	shalt  }
0x64: {  	_ =	shalt  }
0x65: {  	_ =	shalt  }
0x66: {  	_ =	shalt  }
0x67: {  	_ =	shalt  }
0x68: {  	_ =	shalt  }
0x69: {  	_ =	shalt  }
0x6a: {  	_ =	shalt  }
0x6b: {  	_ =	shalt  }
0x6c: {  	_ =	shalt  }
0x6d: {  	_ =	shalt  }
0x6e: {  	_ =	shalt  }
0x6f: {  	_ =	shalt  }
0x70: {  	_ =	shalt  }
0x71: {  	_ =	shalt  }
0x72: {  	_ =	shalt  }
0x73: {  	_ =	shalt  }
0x74: {  	_ =	shalt  }
0x75: {  	_ =	shalt  }
0x76: {  	_ =	shalt  }
0x77: {  	_ =	shalt  }
0x78: {  	_ =	shalt  }
0x79: {  	_ =	shalt  }
0x7a: {  	_ =	shalt  }
0x7b: {  	_ =	shalt  }
0x7c: {  	_ =	shalt  }
0x7d: {  	_ =	shalt  }
0x7e: {  	_ =	shalt  }
0x7f: {  	_ =	shalt  }
0x80: {  	_ =	shalt  }
0x81: {  	_ =	shalt  }
0x82: {  	_ =	shalt  }
0x83: {  	_ =	shalt  }
0x84: {  	_ =	shalt  }
0x85: {  	_ =	shalt  }
0x86: {  	_ =	shalt  }
0x87: {  	_ =	shalt  }
.Lfunc_end0:
.L_simem_size_0:
called_computation.1_lowered:
.L_overlay_start_0:
0x88: {  	s2 =	sld [smem:$0x3FD9]  }
0x89: {  	s3 =	sld [smem:$0x3FFE];
	_ =	sdelay $0x1  }
0x8a: {  	s1 =	srdreg.scid  }
0x8b: {  	s0 =	sand.u32 $0x1, s1  }
0x8c: {  	s17 =	sshll.u32 s0, $0xA;
	s2 =	sadd.s32 s3, s2  }
0x8d: {  	s2 =	sadd.s32 s2, s17  }
0x8e: {  	[smem:$0x3FC2] =	sst s2  }
0x8f: {  	_ = 	snop  }
0x90: {  	s2 =	sld [smem:$0x3FD0];
	(tm) =	ssettm $0x1  }
0x91: {  	s18 =	sld [smem:$0x3FFB];
	_ =	sdelay $0x3  }
0x92: {  	_ =	strace s18  }
0x93: {  	s3 =	sld [smem:$0x3FFC];
	_ =	sdelay $0x3  }
0x94: {  	_ =	strace s3  }
0x95: {  	s3 =	sld [smem:$0x3FFD];
	_ =	sdelay $0x3  }
0x96: {  	_ =	strace s3  }
0x97: {  	_ =	strace $0x8FFFFFFF  }
0x98: {  	s19 =	sld [smem:$0x3FDB];
	_ =	sdelay $0x1  }
0x99: {  	s4 =	simm.s32 $_scs_section_size  }
0x9a: {  	s5 =	simm.s32 $_size__tile_overlayer_lowered;
	s6 =	simm.s32 $_tile_overlayer_lowered  }
0x9b: {  	s22 =	simm.s32 $0x1BFF;
	s21 =	sshll.u32 s6, $0x1;
	s3 =	sadd.s32 s4, s19  }
0x9c: {  	s7 =	simm.s32 $0x0;
	s20 =	sshll.u32 s5, $0x1;
	s5 =	sadd.s32 s21, s3  }
0x9d: {  	[timem:s7], [sflag:s22] =	dma.local [hbm:s5], s20  }
0x9e: {  	_ =	swait.ge [sflag:s22], s20  }
0x9f: {  	s4 =	ssub.s32 $0x0, s20;
	[sflag:s22] =	ssyncset.done $0x0  }
0xa0: {  	[sflag:s22] =	ssyncadd.s32 s4;
	_ =	sdelay $0x1  }
0xa1: {  	s23 =	simm.s32 $0x1B8B  }
0xa2: {  	_ =	swait.ge [sflag:s23], $0x1  }
0xa3: {  	[sflag:s23] =	ssyncset.done $0x0  }
0xa4: {  	s25 =	simm.s32 $0x1B8E;
	s24 =	sld [smem:$0x3FFE];
	[sflag:s23] =	ssyncadd.s32 $0xFFFFFFFF  }
0xa5: {  	s26 =	simm.s32 $execute0_lowered;
	[smem:$0x3FD2] =	sst s25  }
0xa6: {  	s5 =	sshll.u32 s26, $0x1;
	_ =	strace $0x80000049;
	[dreg:$0x1] =	wrdreg $0xFFFFFFFF  }
0xa7: {  	s28 =	simm.s32 $_size_execute0_lowered;
	s3 =	sadd.s32 s3, s5;
	[dreg:$0x0] =	wrdreg $0x0  }
0xa8: {  	s5 =	sshll.u32 s28, $0x1;
	[dreg:$0x2] =	wrdreg s3  }
0xa9: {  	[dreg:$0x3] =	wrdreg s5  }
0xaa: {  	[dreg:$0x4] =	wrdreg $0xC0  }
0xab: {  	_ =	task [dreg:s7], $0x5FFFF  }
0xac: {  	[dreg:$0x1] =	wrdreg $0xFFFFFFFF  }
0xad: {  	[dreg:$0x0] =	wrdreg $0x60  }
0xae: {  	[dreg:$0x2] =	wrdreg s2  }
0xaf: {  	[dreg:$0x3] =	wrdreg s24  }
0xb0: {  	[dreg:$0x4] =	wrdreg $0xB7800  }
0xb1: {  	[dreg:$0x5] =	wrdreg $0x9  }
0xb2: {  	_ =	task.clear_ibuf [dreg:s7], $0x6FFFF;
	_ =	strace $0x90000049  }
0xb3: {  	s29 =	simm.s32 $0x9;
	_ =	strace $0x8000004B  }
0xb4: {  	_ =	swait.ge [sflag:s29], $0x1  }
0xb5: {  	[sflag:s29] =	ssyncadd.s32 $0xFFFFFFFF  }
0xb6: {  	_ =	strace $0x9000004B  }
0xb7: {  	_ =	sfence  }
0xb8: {  	s30 =	sld [smem:$0x0];
	_ =	sdelay $0x2  }
0xb9: {  	s31 =	sshll.u32 s1, $0xD;
	s1 =	sshrl.u32 s1, $0x2  }
0xba: {  	s3 =	sand.u32 $0x4000, s31;
	s1 =	sadd.s32 s1, s30  }
0xbb: {  	s0 =	sor.u32 s3, s0;
	s1 =	sshll.u32 s1, $0x11  }
0xbc: {  	s0 =	sor.u32 s1, s0  }
0xbd: {  	s0 =	sadd.s32 $0x8F2B, s0  }
0xbe: {  	[sflag:s0] =	ssyncadd.remote.s32 $0x1  }
0xbf: {  	_ =	sfence.sel $0xFFFF  }
0xc0: {  	[dreg:$0x0] =	wrdreg $0xFFFFFFFF;
	(pc) =	sbr.abs _section_cstart, $3  }
0xc1: {  	[dreg:$0x1] =	wrdreg $0xFFFFFFFF  }
0xc2: {  	_ =	task.clear_ibuf [dreg:s7], $0x2FFFF;
	_ =	strace $0x9FFFFFFF  }
0xc3: {  	(tm) =	ssettm $0x7FFFFFFF  }
tec
execute0_lowered:
.L_overlay_start_1:
0x0: {  	(tag) =	ssettag $0x1  }
0x1: {  	s1 =	rddreg [dreg:$0x0]  }
0x2: {  	s0 =	srdreg.scid;
	s5 =	rddreg [dreg:$0x1]  }
0x3: {  	s9 =	stileid.u32;
	s3 =	rddreg [dreg:$0x2]  }
0x4: {  	s20 =	simm.s32 $0x6780;
	s21 =	simm.s32 $0x5;
	s22 =	simm.s32 $0x3  }
0x5: {  	s23 =	simm.s32 $0x4;
	s24 =	simm.s32 $0x50;
	s25 =	simm.s32 $0x8F80  }
0x6: {  	s26 =	simm.s32 $0x1;
	s28 =	simm.s32 $0x2;
	s31 =	simm.s32 $0x6500  }
0x7: {  	s0 =	sand.u32 $0x1, s0;
	s7 =	sshll.u32 s9, $0x7;
	s8 =	smul.u32 $0x13C00, s9  }
0x8: {  	s2 =	sshll.u32 s0, $0x4;
	s7 =	sand.u32 $0x380, s7;
	s29 =	smul.u32 $0x13C000, s0  }
0x9: {  	s0 =	ssub.s32 $0x2, s0;
	s2 =	sor.u32 s9, s2;
	s9 =	smul.u32 $0x4F000, s9  }
0xa: {  	s30 =	sshrl.u32 s0, $0x1;
	s4 =	sshrl.u32 s2, $0x3;
	s2 =	sshll.u32 s2, $0xB  }
0xb: {  	s0 =	ssub.s32 s0, s30;
	s6 =	smul.u32 $0x13C00, s4;
	s4 =	simm.s32 $0x0  }
0xc: {  	s2 =	sadd.s32 s2, s5;
	s9 =	sshrl.u32 s9, $0x2;
	s16 =	smax.u32 s0, $0x1  }
0xd: {  	s0 =	simm.s32 $0x0;
	s6 =	sor.u32 s7, s6;
	s7 =	sadd.s32 s8, s29  }
0xe: {  	[smem:$0x7FF] =	sst s4;
	s6 =	sshrl.u32 s6, $0x3;
	s7 =	sshrl.u32 s7, $0x3  }
0xf: {  	_ =	strace $0x8000004A;
	s6 =	sadd.s32 s6, s5;
	s15 =	sadd.s32 s7, s5  }
0x10: {  	s5 =	sadd.s32 s9, s3;
	s7 =	sadd.s32 $0x2800, s2;
	s2 =	simm.s32 $0x6580  }
0x11: {  	s6 =	sadd.s32 $0x12800, s6;
	s8 =	sadd.s32 $0x2800, s5;
	s9 =	sadd.s32 $0x5000, s5  }
0x12: {  	s10 =	sadd.s32 $0x7800, s5;
	s11 =	sadd.s32 $0xA000, s5;
	s12 =	sadd.s32 $0xC800, s5  }
0x13: {  	v0 =	vimm.f32 $0.0e+00;
	s13 =	sadd.s32 $0xF000, s5;
	s14 =	sadd.s32 $0x11800, s5;
	s15 =	sadd.s32 $0x1C600, s15  }
.LBB2_1:
0x14: {  	s17 =	simm.s32 $0x80;
	s18 =	simm.s32 $0x400  }
0x15: {  	[tilespmem:s4], [sflag:$0x3] =	stream.strided.gather [hbm4b:s6+s17], $0x2780, s18, s17, $0x38;
	[tilespmem:$0x1F380] =	vst v63  }
0x16: {  	s19 =	simm.s32 $0x2780;
	s29 =	sand.u32 $0xFE00, s4  }
0x17: {  	[tilespmem:s19], [sflag:$0x4] =	stream.linear.gather [hbm4b:s7+s4], $0x3E80, $0x38;
	[tilespmem:$0x1F380] =	vst v63  }
0x18: {  	s30 =	sand.u32 $0x70, s4;
	s19 =	sshrl.u32 s29, $0x2  }
0x19: {  	s17 =	simm.s32 $0x40;
	s18 =	simm.s32 $0x0;
	s19 =	sor.u32 s30, s19  }
.LBB2_2:
0x1a: {  	p0 =	sne.s32 s17, $0x9FC0  }
0x1b: {  	[tilespmem:s19+$0x6780] =	vst v0;
	s18 =	sadd.s32 $0x10, s18;
	s19 =	smov.u32 s17;
	s17 =	sadd.s32 $0x40, s17  }
.Ltmp0:
0x1c: {  	(pc) =	sbr.rel @p0 .LBB2_2-.Ltmp0, $4  }
0x1d: {  	_ = 	snop  }
0x1e: {  	s19 =	sand.u32 $0xFE00, s19  }
0x1f: {  	s29 =	sand.u32 $0x70, s18;
	s19 =	sshrl.u32 s19, $0x2  }
0x20: {  	s19 =	sor.u32 s29, s19  }
0x21: {  	[tilespmem:s19+$0x6780] =	vst v0  }
0x22: {  	[spmem:s5] =	stream.linear.scatter [tilespmem:s20], [sflag:$0x5], $0x2800, $0x38;
	[tilespmem:$0x1F380] =	vst v63  }
0x23: {  	_ =	swait.ge [sflag:s21], $0x2800  }
0x24: {  	[sflag:s21] =	ssyncset.done $0x0  }
0x25: {  	[sflag:s21] =	ssyncadd.s32 $0xFFFFD800  }
0x26: {  	[spmem:s8] =	stream.linear.scatter [tilespmem:s20], [sflag:$0x5], $0x2800, $0x38;
	[tilespmem:$0x1F380] =	vst v63  }
0x27: {  	_ =	swait.ge [sflag:s21], $0x2800  }
0x28: {  	[sflag:s21] =	ssyncset.done $0x0  }
0x29: {  	[sflag:s21] =	ssyncadd.s32 $0xFFFFD800  }
0x2a: {  	[spmem:s9] =	stream.linear.scatter [tilespmem:s20], [sflag:$0x5], $0x2800, $0x38;
	[tilespmem:$0x1F380] =	vst v63  }
0x2b: {  	_ =	swait.ge [sflag:s21], $0x2800  }
0x2c: {  	[sflag:s21] =	ssyncset.done $0x0  }
0x2d: {  	[sflag:s21] =	ssyncadd.s32 $0xFFFFD800  }
0x2e: {  	[spmem:s10] =	stream.linear.scatter [tilespmem:s20], [sflag:$0x5], $0x2800, $0x38;
	[tilespmem:$0x1F380] =	vst v63  }
0x2f: {  	_ =	swait.ge [sflag:s21], $0x2800  }
0x30: {  	[sflag:s21] =	ssyncset.done $0x0  }
0x31: {  	[sflag:s21] =	ssyncadd.s32 $0xFFFFD800  }
0x32: {  	[spmem:s11] =	stream.linear.scatter [tilespmem:s20], [sflag:$0x5], $0x2800, $0x38;
	[tilespmem:$0x1F380] =	vst v63  }
0x33: {  	_ =	swait.ge [sflag:s21], $0x2800  }
0x34: {  	[sflag:s21] =	ssyncset.done $0x0  }
0x35: {  	[sflag:s21] =	ssyncadd.s32 $0xFFFFD800  }
0x36: {  	[spmem:s12] =	stream.linear.scatter [tilespmem:s20], [sflag:$0x5], $0x2800, $0x38;
	[tilespmem:$0x1F380] =	vst v63  }
0x37: {  	_ =	swait.ge [sflag:s21], $0x2800  }
0x38: {  	[sflag:s21] =	ssyncset.done $0x0  }
0x39: {  	[sflag:s21] =	ssyncadd.s32 $0xFFFFD800  }
0x3a: {  	[spmem:s13] =	stream.linear.scatter [tilespmem:s20], [sflag:$0x5], $0x2800, $0x38;
	[tilespmem:$0x1F380] =	vst v63  }
0x3b: {  	_ =	swait.ge [sflag:s21], $0x2800  }
0x3c: {  	[sflag:s21] =	ssyncset.done $0x0  }
0x3d: {  	[sflag:s21] =	ssyncadd.s32 $0xFFFFD800  }
0x3e: {  	[spmem:s14] =	stream.linear.scatter [tilespmem:s20], [sflag:$0x5], $0x2400, $0x38;
	[tilespmem:$0x1F380] =	vst v63  }
0x3f: {  	_ =	swait.ge [sflag:s21], $0x2400  }
0x40: {  	[sflag:s21] =	ssyncset.done $0x0  }
0x41: {  	[sflag:s21] =	ssyncadd.s32 $0xFFFFDC00  }
0x42: {  	_ =	swait.ge [sflag:s22], $0x2780  }
0x43: {  	[sflag:s22] =	ssyncset.done $0x0  }
0x44: {  	[sflag:s22] =	ssyncadd.s32 $0xFFFFD880  }
0x45: {  	_ =	swait.ge [sflag:s23], $0x3E80  }
0x46: {  	[sflag:s23] =	ssyncset.done $0x0  }
0x47: {  	[sflag:s23] =	ssyncadd.s32 $0xFFFFC180  }
0x48: {  	s17 =	simm.s32 $0x0;
	[bflag:$0x0] =	sbarrier.arrive $0xFFFF  }
0x49: {  	[tilespmem:s20], [sflag:$0x1] =	stream.indirect.gather [hbm4b:s1+s24], $0x80, s17, s24, $0xb8;
	[tilespmem:$0x1F380] =	vst v63  }
0x4a: {  	_ = 	snop  }
0x4b: {  	[tilespmem:s25], [sflag:$0x2] =	stream.indirect.gather [hbm4b:s1+s24], $0x80, s24, s24, $0xb8;
	[tilespmem:$0x1F380] =	vst v63  }
0x4c: {  	_ =	swait.ge [sflag:s26], $0x2800  }
0x4d: {  	[sflag:s26] =	ssyncset.done $0x0  }
0x4e: {  	s19 =	simm.s32 $0x2780;
	[sflag:s26] =	ssyncadd.s32 $0xFFFFD800  }
0x4f: {  	[spmem:s3] =	stream.indirect.scatter.add.f32 [tilespmem:s20], [sflag:$0x5], $0x80, s19, s24, $0xb8;
	[tilespmem:$0x1F380] =	vst v63  }
0x50: {  	_ =	swait.ge [sflag:s21], $0x2800  }
0x51: {  	[sflag:s21] =	ssyncset.done $0x0  }
0x52: {  	s29 =	simm.s32 $0xA0;
	[sflag:s21] =	ssyncadd.s32 $0xFFFFD800  }
0x53: {  	[tilespmem:s20], [sflag:$0x1] =	stream.indirect.gather [hbm4b:s1+s24], $0x80, s29, s24, $0xb8;
	[tilespmem:$0x1F380] =	vst v63  }
0x54: {  	_ =	swait.ge [sflag:s28], $0x2800  }
0x55: {  	[sflag:s28] =	ssyncset.done $0x0  }
0x56: {  	s30 =	simm.s32 $0x2800;
	[sflag:s28] =	ssyncadd.s32 $0xFFFFD800  }
0x57: {  	[spmem:s3] =	stream.indirect.scatter.add.f32 [tilespmem:s25], [sflag:$0x5], $0x80, s30, s24, $0xb8;
	[tilespmem:$0x1F380] =	vst v63  }
0x58: {  	_ =	swait.ge [sflag:s21], $0x2800  }
0x59: {  	s18 =	simm.s32 $0x400;
	[sflag:s21] =	ssyncset.done $0x0  }
0x5a: {  	s17 =	simm.s32 $0xF0;
	s19 =	simm.s32 $0x190;
	[sflag:s21] =	ssyncadd.s32 $0xFFFFD800  }
.LBB2_4:
0x5b: {  	[tilespmem:s25], [sflag:$0x2] =	stream.indirect.gather [hbm4b:s1+s24], $0x80, s17, s24, $0xb8;
	[tilespmem:$0x1F380] =	vst v63  }
0x5c: {  	s29 =	smov.u32 s18;
	s17 =	smov.u32 s19  }
0x5d: {  	p0 =	sne.s32 s18, $0xF000;
	s18 =	sadd.s32 $0x400, s18;
	_ =	swait.ge [sflag:s26], $0x2800  }
0x5e: {  	s29 =	sshra.s32 s29, $0x2;
	[sflag:s26] =	ssyncset.done $0x0  }
0x5f: {  	s30 =	sadd.s32 $0x2780, s29;
	[sflag:s26] =	ssyncadd.s32 $0xFFFFD800  }
0x60: {  	[spmem:s3] =	stream.indirect.scatter.add.f32 [tilespmem:s20], [sflag:$0x5], $0x80, s30, s24, $0xb8;
	[tilespmem:$0x1F380] =	vst v63  }
0x61: {  	_ =	swait.ge [sflag:s21], $0x2800  }
0x62: {  	[sflag:s21] =	ssyncset.done $0x0  }
0x63: {  	s30 =	sadd.s32 $0xFFFFFFB0, s19;
	[sflag:s21] =	ssyncadd.s32 $0xFFFFD800  }
0x64: {  	[tilespmem:s20], [sflag:$0x1] =	stream.indirect.gather [hbm4b:s1+s24], $0x80, s30, s24, $0xb8;
	[tilespmem:$0x1F380] =	vst v63  }
0x65: {  	_ =	swait.ge [sflag:s28], $0x2800  }
0x66: {  	[sflag:s28] =	ssyncset.done $0x0  }
.Ltmp1:
0x67: {  	s29 =	sadd.s32 $0x2800, s29;
	[sflag:s28] =	ssyncadd.s32 $0xFFFFD800;
	(pc) =	sbr.rel @p0 .LBB2_4-.Ltmp1, $4  }
0x68: {  	[spmem:s3] =	stream.indirect.scatter.add.f32 [tilespmem:s25], [sflag:$0x5], $0x80, s29, s24, $0xb8;
	[tilespmem:$0x1F380] =	vst v63  }
0x69: {  	_ =	swait.ge [sflag:s21], $0x2800  }
0x6a: {  	[sflag:s21] =	ssyncset.done $0x0  }
0x6b: {  	s19 =	sadd.s32 $0xA0, s19;
	[sflag:s21] =	ssyncadd.s32 $0xFFFFD800  }
0x6c: {  	[tilespmem:s25], [sflag:$0x2] =	stream.indirect.gather [hbm4b:s1+s24], $0x80, s17, s24, $0xb8;
	[tilespmem:$0x1F380] =	vst v63  }
0x6d: {  	_ =	swait.ge [sflag:s26], $0x2800  }
0x6e: {  	[sflag:s26] =	ssyncset.done $0x0  }
0x6f: {  	s19 =	simm.s32 $0x6480;
	[sflag:s26] =	ssyncadd.s32 $0xFFFFD800  }
0x70: {  	[spmem:s3] =	stream.indirect.scatter.add.f32 [tilespmem:s20], [sflag:$0x5], $0x80, s19, s24, $0xb8;
	[tilespmem:$0x1F380] =	vst v63  }
0x71: {  	_ =	swait.ge [sflag:s21], $0x2800  }
0x72: {  	[sflag:s21] =	ssyncset.done $0x0  }
0x73: {  	s29 =	simm.s32 $0x26C0;
	[sflag:s21] =	ssyncadd.s32 $0xFFFFD800  }
0x74: {  	[tilespmem:s20], [sflag:$0x1] =	stream.indirect.gather [hbm4b:s1+s24], $0x80, s29, s24, $0xb8;
	[tilespmem:$0x1F380] =	vst v63  }
0x75: {  	_ =	swait.ge [sflag:s28], $0x2800  }
0x76: {  	[sflag:s28] =	ssyncset.done $0x0  }
0x77: {  	[sflag:s28] =	ssyncadd.s32 $0xFFFFD800  }
0x78: {  	[spmem:s3] =	stream.indirect.scatter.add.f32 [tilespmem:s25], [sflag:$0x5], $0x80, s31, s24, $0xb8;
	[tilespmem:$0x1F380] =	vst v63  }
0x79: {  	_ =	swait.ge [sflag:s21], $0x2800  }
0x7a: {  	[sflag:s21] =	ssyncset.done $0x0  }
0x7b: {  	[sflag:s21] =	ssyncadd.s32 $0xFFFFD800  }
0x7c: {  	_ =	swait.ge [sflag:s26], $0x2800  }
0x7d: {  	[sflag:s26] =	ssyncset.done $0x0  }
0x7e: {  	[sflag:s26] =	ssyncadd.s32 $0xFFFFD800  }
0x7f: {  	[spmem:s3] =	stream.indirect.scatter.add.f32 [tilespmem:s20], [sflag:$0x5], $0x80, s2, s24, $0xb8;
	[tilespmem:$0x1F380] =	vst v63  }
0x80: {  	s30 =	stileid.u32;
	_ =	swait.ge [sflag:s21], $0x2800  }
0x81: {  	s18 =	sshrl.u32 s5, $0x3;
	s0 =	sadd.s32 $0x1, s0;
	[sflag:s21] =	ssyncset.done $0x0  }
0x82: {  	s17 =	sshll.u32 s30, $0x6;
	p0 =	sne.s32 s0, s16;
	[sflag:s21] =	ssyncadd.s32 $0xFFFFD800  }
.Ltmp2:
0x83: {  	s17 =	sor.u32 $0x1C05, s17;
	[bflag:$0x0] =	sbarrier.arrive $0xFFFF;
	(pc) =	sbr.rel @p0 .LBB2_1-.Ltmp2, $4  }
0x84: {  	[hbm:s15], [sflag:s17] =	dma.local [spmem:s18], $0x2780  }
0x85: {  	_ =	swait.ge [sflag:s21], $0x2780  }
0x86: {  	[sflag:s21] =	ssyncset.done $0x0  }
0x87: {  	[sflag:s21] =	ssyncadd.s32 $0xFFFFD880  }
0x88: {  	_ =	sfence.sel $0x180000  }
0x89: {  	[bflag:$0x0] =	sbarrier.arrive $0xFFFF  }
0x8a: {  	_ =	strace $0x9000004A  }
0x8b: {  	s0 =	stileid.u32;
	[bflag:$0x2] =	sbarrier.arrive $0xFFFF  }
0x8c: {  	p0 =	sne.s32 s0, $0x0;
	s0 =	rddreg [dreg:$0x3]  }
0x8d: {  	s0 =	sadd.s32 @!p0 $0x100000, s0  }
0x8e: {  	[sflag:s0] =	ssyncadd.tile.s32 @!p0 $0x1;
	_ =	shalt  }
.Lfunc_end2:
_tile_overlayer_lowered:
.L_overlay_start_2:
0x8f: {  	(tag) =	ssettag $0x2  }
0x90: {  	s0 =	rddreg [dreg:$0x0];
	s2 =	stileid.u32  }
0x91: {  	s1 =	rddreg [dreg:$0x1];
	p0 =	sne.s32 s2, $0x0  }
0x92: {  	s3 =	rddreg [dreg:$0x2];
	[bflag:$0x3] =	sbarrier.arrive $0xFFFF;
	s2 =	simm.s32 @!p0 $0x1C05  }
0x93: {  	[timem:s3], [sflag:s2] =	dma.local @!p0 [hbm:s0], s1  }
0x94: {  	s0 =	simm.s32 @!p0 $0x5  }
0x95: {  	_ =	swait.ge @!p0 [sflag:s0], s1  }
0x96: {  	s1 =	ssub.s32 @!p0 $0x0, s1;
	[sflag:s0] =	ssyncset.done @!p0 $0x0  }
0x97: {  	[sflag:s0] =	ssyncadd.s32 @!p0 s1  }
0x98: {  	[bflag:$0x3] =	sbarrier.arrive $0xFFFF  }
0x99: {  	_ =	shalt  }

// kernel: kernel.14.cloned.1.call-start
scs
__scs_entry_jumppad:
0x0: {  	(pc) =	sbr.rel $0x88, $3  }
0x1: {  	(tag) =	ssettag $0x0;
	lr =	simm.s32 $0x1  }
0x2: {  	[smem:$0x3F9B] =	sst lr;
	_ =	strace $0xD0000000  }
0x3: {  	_ = 	snop  }
0x4: {  	_ = 	snop  }
0x5: {  	_ = 	snop  }
0x6: {  	_ = 	snop  }
0x7: {  	_ = 	snop  }
__scs_overlays_trampoline_lowered:
0x8: {  	[smem:$0x3FAA] =	sst s0  }
0x9: {  	[smem:$0x3FAB] =	sst s1  }
0xa: {  	[smem:$0x3FAC] =	sst s2  }
0xb: {  	[smem:$0x3FAD] =	sst s3  }
0xc: {  	[smem:$0x3FAE] =	sst s4  }
0xd: {  	[smem:$0x3FAF] =	sst s5  }
0xe: {  	[smem:$0x3FB0] =	sst s6  }
0xf: {  	[smem:$0x3FB1] =	sst s7  }
0x10: {  	[smem:$0x3FB2] =	sst s8  }
0x11: {  	[smem:$0x3FB3] =	sst s9;
	s0 =	simm.s32 @!p0 $0x0  }
0x12: {  	s1 =	sld [smem:$0x3F99];
	s0 =	simm.s32 @p0 $0x1  }
0x13: {  	[smem:$0x3FB4] =	sst s0;
	s0 =	simm.s32 @!p1 $0x0  }
0x14: {  	s2 =	sld [smem:$0x3F98];
	s0 =	simm.s32 @p1 $0x1  }
0x15: {  	[smem:$0x3FB5] =	sst s0;
	s0 =	simm.s32 @!p2 $0x0  }
0x16: {  	s3 =	sld [smem:$0x3FDB];
	s0 =	simm.s32 @p2 $0x1  }
0x17: {  	s4 =	simm.s32 $0x1BF5;
	[smem:$0x3FB7] =	sst s0  }
0x18: {  	s0 =	sld [smem:$0x3F9A];
	_ =	swait.ge [sflag:s4], $0x0  }
0x19: {  	s7 =	sld [smem:$0x3F9B]  }
0x1a: {  	s8 =	sadd.s32 $0xFFFFE003, lr  }
0x1b: {  	s9 =	sadd.s32 $0xFFFFFEF7, lr;
	s5 =	simm.s32 $0xFFFFFFFF;
	p2 =	slt.u32 s8, $0xFFFFF086  }
0x1c: {  	p1 =	slt.u32 s9, $0xF7A;
	s5 =	simm.s32 @!p2 $0x0  }
0x1d: {  	s5 =	simm.s32 @p1 $0x1;
	p0 =	seq.s32 s7, s2  }
0x1e: {  	s7 =	smul.u32 @!p0 $0xF7A, s2;
	p2 =	seq.s32 @!p0 s5, $0x0  }
0x1f: {  	s9 =	smul.u32 $0xF7A, s1;
	s8 =	simm.s32 @!p0 $0x1BF5;
	p2 =	por !p2, p0  }
0x20: {  	[sflag:s8] =	ssyncset.s32 @!p0 $0xFFFFF086;
	s6 =	sadd.s32 @!p0 s3, s7;
	s7 =	simm.s32 @!p0 $0x108  }
0x21: {  	s3 =	sadd.s32 s3, s9;
	s6 =	sadd.s32 @!p0 $0x88, s6;
	s7 =	simm.s32 @p2 $0x1082  }
0x22: {  	[simem:s7], [sflag:s8] =	dma.local @!p0 [hbm:s6], $0xF7A  }
0x23: {  	s9 =	sor.u32 $0xD0000000, s2;
	s6 =	simm.s32 $0x108;
	_ =	swait.ge @!p0 [sflag:s8], $0x0  }
0x24: {  	s3 =	sadd.s32 $0x88, s3;
	s6 =	simm.s32 @!p1 $0x1082;
	[sflag:s4] =	ssyncset.s32 $0xFFFFF086  }
0x25: {  	[simem:s6], [sflag:s4] =	dma.local [hbm:s3], $0xF7A  }
0x26: {  	[smem:$0x3F9B] =	sst s1;
	(tag) =	ssettag s2;
	_ =	strace s9  }
0x27: {  	s1 =	sld [smem:$0x3FAB]  }
0x28: {  	s2 =	sld [smem:$0x3FAC]  }
0x29: {  	s4 =	sld [smem:$0x3FAE]  }
0x2a: {  	p0 =	seq.s32 s5, $0x0;
	s5 =	sld [smem:$0x3FAF]  }
0x2b: {  	s6 =	sld [smem:$0x3FB0]  }
0x2c: {  	s7 =	sld [smem:$0x3FB1]  }
0x2d: {  	s3 =	simm.s32 $0x108;
	s8 =	sld [smem:$0x3FB2]  }
0x2e: {  	s3 =	simm.s32 @!p0 $0x1082;
	s9 =	sld [smem:$0x3FB3]  }
0x2f: {  	lr =	sadd.s32 s0, s3;
	s0 =	sld [smem:$0x3FAA]  }
0x30: {  	s3 =	sld [smem:$0x3FAD]  }
0x31: {  	[smem:$0x3FB6] =	sst s10  }
0x32: {  	s10 =	sld [smem:$0x3FB4];
	_ =	sdelay $0x3  }
0x33: {  	p0 =	seq.s32 s10, $0x1;
	s10 =	sld [smem:$0x3FB6];
	_ =	sdelay $0x3  }
0x34: {  	[smem:$0x3FB6] =	sst s10  }
0x35: {  	s10 =	sld [smem:$0x3FB5];
	_ =	sdelay $0x3  }
0x36: {  	p1 =	seq.s32 s10, $0x1;
	s10 =	sld [smem:$0x3FB6];
	_ =	sdelay $0x3  }
0x37: {  	[smem:$0x3FB6] =	sst s10  }
0x38: {  	s10 =	sld [smem:$0x3FB7]  }
0x39: {  	_ = 	snop;
	(pc) =	sbr.ind lr, $3  }
0x3a: {  	_ = 	snop  }
0x3b: {  	_ = 	snop  }
0x3c: {  	p2 =	seq.s32 s10, $0x1;
	s10 =	sld [smem:$0x3FB6]  }
0x3d: {  	_ =	shalt  }
0x3e: {  	_ =	shalt  }
0x3f: {  	_ =	shalt  }
0x40: {  	_ =	shalt  }
0x41: {  	_ =	shalt  }
0x42: {  	_ =	shalt  }
0x43: {  	_ =	shalt  }
0x44: {  	_ =	shalt  }
0x45: {  	_ =	shalt  }
0x46: {  	_ =	shalt  }
0x47: {  	_ =	shalt  }
0x48: {  	_ =	shalt  }
0x49: {  	_ =	shalt  }
0x4a: {  	_ =	shalt  }
0x4b: {  	_ =	shalt  }
0x4c: {  	_ =	shalt  }
0x4d: {  	_ =	shalt  }
0x4e: {  	_ =	shalt  }
0x4f: {  	_ =	shalt  }
0x50: {  	_ =	shalt  }
0x51: {  	_ =	shalt  }
0x52: {  	_ =	shalt  }
0x53: {  	_ =	shalt  }
0x54: {  	_ =	shalt  }
0x55: {  	_ =	shalt  }
0x56: {  	_ =	shalt  }
0x57: {  	_ =	shalt  }
0x58: {  	_ =	shalt  }
0x59: {  	_ =	shalt  }
0x5a: {  	_ =	shalt  }
0x5b: {  	_ =	shalt  }
0x5c: {  	_ =	shalt  }
0x5d: {  	_ =	shalt  }
0x5e: {  	_ =	shalt  }
0x5f: {  	_ =	shalt  }
0x60: {  	_ =	shalt  }
0x61: {  	_ =	shalt  }
0x62: {  	_ =	shalt  }
0x63: {  	_ =	shalt  }
0x64: {  	_ =	shalt  }
0x65: {  	_ =	shalt  }
0x66: {  	_ =	shalt  }
0x67: {  	_ =	shalt  }
0x68: {  	_ =	shalt  }
0x69: {  	_ =	shalt  }
0x6a: {  	_ =	shalt  }
0x6b: {  	_ =	shalt  }
0x6c: {  	_ =	shalt  }
0x6d: {  	_ =	shalt  }
0x6e: {  	_ =	shalt  }
0x6f: {  	_ =	shalt  }
0x70: {  	_ =	shalt  }
0x71: {  	_ =	shalt  }
0x72: {  	_ =	shalt  }
0x73: {  	_ =	shalt  }
0x74: {  	_ =	shalt  }
0x75: {  	_ =	shalt  }
0x76: {  	_ =	shalt  }
0x77: {  	_ =	shalt  }
0x78: {  	_ =	shalt  }
0x79: {  	_ =	shalt  }
0x7a: {  	_ =	shalt  }
0x7b: {  	_ =	shalt  }
0x7c: {  	_ =	shalt  }
0x7d: {  	_ =	shalt  }
0x7e: {  	_ =	shalt  }
0x7f: {  	_ =	shalt  }
0x80: {  	_ =	shalt  }
0x81: {  	_ =	shalt  }
0x82: {  	_ =	shalt  }
0x83: {  	_ =	shalt  }
0x84: {  	_ =	shalt  }
0x85: {  	_ =	shalt  }
0x86: {  	_ =	shalt  }
0x87: {  	_ =	shalt  }
.Lfunc_end0:
.L_simem_size_0:
called_computation.2_lowered:
.L_overlay_start_0:
0x88: {  	s2 =	sld [smem:$0x3FD9]  }
0x89: {  	s3 =	sld [smem:$0x3FFE];
	_ =	sdelay $0x1  }
0x8a: {  	s1 =	srdreg.scid  }
0x8b: {  	s0 =	sand.u32 $0x1, s1  }
0x8c: {  	s17 =	sshll.u32 s0, $0xA;
	s2 =	sadd.s32 s3, s2  }
0x8d: {  	s2 =	sadd.s32 s2, s17  }
0x8e: {  	[smem:$0x3FC2] =	sst s2  }
0x8f: {  	_ = 	snop  }
0x90: {  	s2 =	sld [smem:$0x3FD0];
	(tm) =	ssettm $0x1  }
0x91: {  	s18 =	sld [smem:$0x3FFB];
	_ =	sdelay $0x3  }
0x92: {  	_ =	strace s18  }
0x93: {  	s3 =	sld [smem:$0x3FFC];
	_ =	sdelay $0x3  }
0x94: {  	_ =	strace s3  }
0x95: {  	s3 =	sld [smem:$0x3FFD];
	_ =	sdelay $0x3  }
0x96: {  	_ =	strace s3  }
0x97: {  	_ =	strace $0x8FFFFFFF  }
0x98: {  	s19 =	sld [smem:$0x3FDB];
	_ =	sdelay $0x1  }
0x99: {  	s4 =	simm.s32 $_scs_section_size  }
0x9a: {  	s5 =	simm.s32 $_size__tile_overlayer_lowered;
	s6 =	simm.s32 $_tile_overlayer_lowered  }
0x9b: {  	s22 =	simm.s32 $0x1BFF;
	s21 =	sshll.u32 s6, $0x1;
	s3 =	sadd.s32 s4, s19  }
0x9c: {  	s7 =	simm.s32 $0x0;
	s20 =	sshll.u32 s5, $0x1;
	s5 =	sadd.s32 s21, s3  }
0x9d: {  	[timem:s7], [sflag:s22] =	dma.local [hbm:s5], s20  }
0x9e: {  	_ =	swait.ge [sflag:s22], s20  }
0x9f: {  	s4 =	ssub.s32 $0x0, s20;
	[sflag:s22] =	ssyncset.done $0x0  }
0xa0: {  	[sflag:s22] =	ssyncadd.s32 s4;
	_ =	sdelay $0x1  }
0xa1: {  	s23 =	simm.s32 $0x1B8B  }
0xa2: {  	_ =	swait.ge [sflag:s23], $0x1  }
0xa3: {  	[sflag:s23] =	ssyncset.done $0x0  }
0xa4: {  	s25 =	simm.s32 $0x1B8E;
	s24 =	sld [smem:$0x3FFE];
	[sflag:s23] =	ssyncadd.s32 $0xFFFFFFFF  }
0xa5: {  	s26 =	simm.s32 $execute0_lowered;
	[smem:$0x3FD2] =	sst s25  }
0xa6: {  	s5 =	sshll.u32 s26, $0x1;
	_ =	strace $0x8000004C;
	[dreg:$0x1] =	wrdreg $0xFFFFFFFF  }
0xa7: {  	s28 =	simm.s32 $_size_execute0_lowered;
	s3 =	sadd.s32 s3, s5;
	[dreg:$0x0] =	wrdreg $0x0  }
0xa8: {  	s5 =	sshll.u32 s28, $0x1;
	[dreg:$0x2] =	wrdreg s3  }
0xa9: {  	[dreg:$0x3] =	wrdreg s5  }
0xaa: {  	[dreg:$0x4] =	wrdreg $0xC0  }
0xab: {  	_ =	task [dreg:s7], $0x5FFFF  }
0xac: {  	[dreg:$0x1] =	wrdreg $0xFFFFFFFF  }
0xad: {  	[dreg:$0x0] =	wrdreg $0x60  }
0xae: {  	[dreg:$0x2] =	wrdreg s2  }
0xaf: {  	[dreg:$0x3] =	wrdreg s24  }
0xb0: {  	[dreg:$0x4] =	wrdreg $0xB7800  }
0xb1: {  	[dreg:$0x5] =	wrdreg $0x9  }
0xb2: {  	_ =	task.clear_ibuf [dreg:s7], $0x6FFFF;
	_ =	strace $0x9000004C  }
0xb3: {  	s29 =	simm.s32 $0x9;
	_ =	strace $0x8000004E  }
0xb4: {  	_ =	swait.ge [sflag:s29], $0x1  }
0xb5: {  	[sflag:s29] =	ssyncadd.s32 $0xFFFFFFFF  }
0xb6: {  	_ =	strace $0x9000004E  }
0xb7: {  	_ =	sfence  }
0xb8: {  	s30 =	sld [smem:$0x0];
	_ =	sdelay $0x2  }
0xb9: {  	s31 =	sshll.u32 s1, $0xD;
	s1 =	sshrl.u32 s1, $0x2  }
0xba: {  	s3 =	sand.u32 $0x4000, s31;
	s1 =	sadd.s32 s1, s30  }
0xbb: {  	s0 =	sor.u32 s3, s0;
	s1 =	sshll.u32 s1, $0x11  }
0xbc: {  	s0 =	sor.u32 s1, s0  }
0xbd: {  	s0 =	sadd.s32 $0x8F2B, s0  }
0xbe: {  	[sflag:s0] =	ssyncadd.remote.s32 $0x1  }
0xbf: {  	_ =	sfence.sel $0xFFFF  }
0xc0: {  	[dreg:$0x0] =	wrdreg $0xFFFFFFFF;
	(pc) =	sbr.abs _section_cstart, $3  }
0xc1: {  	[dreg:$0x1] =	wrdreg $0xFFFFFFFF  }
0xc2: {  	_ =	task.clear_ibuf [dreg:s7], $0x2FFFF;
	_ =	strace $0x9FFFFFFF  }
0xc3: {  	(tm) =	ssettm $0x7FFFFFFF  }
tec
execute0_lowered:
.L_overlay_start_1:
0x0: {  	(tag) =	ssettag $0x1  }
0x1: {  	s1 =	rddreg [dreg:$0x0]  }
0x2: {  	s0 =	srdreg.scid;
	s5 =	rddreg [dreg:$0x1]  }
0x3: {  	s9 =	stileid.u32;
	s3 =	rddreg [dreg:$0x2]  }
0x4: {  	s20 =	simm.s32 $0x6780;
	s21 =	simm.s32 $0x5;
	s22 =	simm.s32 $0x3  }
0x5: {  	s23 =	simm.s32 $0x4;
	s24 =	simm.s32 $0x50;
	s25 =	simm.s32 $0x8F80  }
0x6: {  	s26 =	simm.s32 $0x1;
	s28 =	simm.s32 $0x2;
	s31 =	simm.s32 $0x6500  }
0x7: {  	s0 =	sand.u32 $0x1, s0;
	s7 =	sshll.u32 s9, $0x7;
	s8 =	smul.u32 $0x13C00, s9  }
0x8: {  	s2 =	sshll.u32 s0, $0x4;
	s7 =	sand.u32 $0x380, s7;
	s29 =	smul.u32 $0x13C000, s0  }
0x9: {  	s0 =	ssub.s32 $0x2, s0;
	s2 =	sor.u32 s9, s2;
	s9 =	smul.u32 $0x4F000, s9  }
0xa: {  	s30 =	sshrl.u32 s0, $0x1;
	s4 =	sshrl.u32 s2, $0x3;
	s2 =	sshll.u32 s2, $0xB  }
0xb: {  	s0 =	ssub.s32 s0, s30;
	s6 =	smul.u32 $0x13C00, s4;
	s4 =	simm.s32 $0x0  }
0xc: {  	s2 =	sadd.s32 s2, s5;
	s9 =	sshrl.u32 s9, $0x2;
	s16 =	smax.u32 s0, $0x1  }
0xd: {  	s0 =	simm.s32 $0x0;
	s6 =	sor.u32 s7, s6;
	s7 =	sadd.s32 s8, s29  }
0xe: {  	[smem:$0x7FF] =	sst s4;
	s6 =	sshrl.u32 s6, $0x3;
	s7 =	sshrl.u32 s7, $0x3  }
0xf: {  	_ =	strace $0x8000004D;
	s6 =	sadd.s32 s6, s5;
	s15 =	sadd.s32 s7, s5  }
0x10: {  	s5 =	sadd.s32 s9, s3;
	s7 =	sadd.s32 $0x2800, s2;
	s2 =	simm.s32 $0x6580  }
0x11: {  	s6 =	sadd.s32 $0x12800, s6;
	s8 =	sadd.s32 $0x2800, s5;
	s9 =	sadd.s32 $0x5000, s5  }
0x12: {  	s10 =	sadd.s32 $0x7800, s5;
	s11 =	sadd.s32 $0xA000, s5;
	s12 =	sadd.s32 $0xC800, s5  }
0x13: {  	v0 =	vimm.f32 $0.0e+00;
	s13 =	sadd.s32 $0xF000, s5;
	s14 =	sadd.s32 $0x11800, s5;
	s15 =	sadd.s32 $0x1C600, s15  }
.LBB2_1:
0x14: {  	s17 =	simm.s32 $0x80;
	s18 =	simm.s32 $0x400  }
0x15: {  	[tilespmem:s4], [sflag:$0x3] =	stream.strided.gather [hbm4b:s6+s17], $0x2780, s18, s17, $0x38;
	[tilespmem:$0x1F380] =	vst v63  }
0x16: {  	s19 =	simm.s32 $0x2780;
	s29 =	sand.u32 $0xFE00, s4  }
0x17: {  	[tilespmem:s19], [sflag:$0x4] =	stream.linear.gather [hbm4b:s7+s4], $0x3E80, $0x38;
	[tilespmem:$0x1F380] =	vst v63  }
0x18: {  	s30 =	sand.u32 $0x70, s4;
	s19 =	sshrl.u32 s29, $0x2  }
0x19: {  	s17 =	simm.s32 $0x40;
	s18 =	simm.s32 $0x0;
	s19 =	sor.u32 s30, s19  }
.LBB2_2:
0x1a: {  	p0 =	sne.s32 s17, $0x9FC0  }
0x1b: {  	[tilespmem:s19+$0x6780] =	vst v0;
	s18 =	sadd.s32 $0x10, s18;
	s19 =	smov.u32 s17;
	s17 =	sadd.s32 $0x40, s17  }
.Ltmp0:
0x1c: {  	(pc) =	sbr.rel @p0 .LBB2_2-.Ltmp0, $4  }
0x1d: {  	_ = 	snop  }
0x1e: {  	s19 =	sand.u32 $0xFE00, s19  }
0x1f: {  	s29 =	sand.u32 $0x70, s18;
	s19 =	sshrl.u32 s19, $0x2  }
0x20: {  	s19 =	sor.u32 s29, s19  }
0x21: {  	[tilespmem:s19+$0x6780] =	vst v0  }
0x22: {  	[spmem:s5] =	stream.linear.scatter [tilespmem:s20], [sflag:$0x5], $0x2800, $0x38;
	[tilespmem:$0x1F380] =	vst v63  }
0x23: {  	_ =	swait.ge [sflag:s21], $0x2800  }
0x24: {  	[sflag:s21] =	ssyncset.done $0x0  }
0x25: {  	[sflag:s21] =	ssyncadd.s32 $0xFFFFD800  }
0x26: {  	[spmem:s8] =	stream.linear.scatter [tilespmem:s20], [sflag:$0x5], $0x2800, $0x38;
	[tilespmem:$0x1F380] =	vst v63  }
0x27: {  	_ =	swait.ge [sflag:s21], $0x2800  }
0x28: {  	[sflag:s21] =	ssyncset.done $0x0  }
0x29: {  	[sflag:s21] =	ssyncadd.s32 $0xFFFFD800  }
0x2a: {  	[spmem:s9] =	stream.linear.scatter [tilespmem:s20], [sflag:$0x5], $0x2800, $0x38;
	[tilespmem:$0x1F380] =	vst v63  }
0x2b: {  	_ =	swait.ge [sflag:s21], $0x2800  }
0x2c: {  	[sflag:s21] =	ssyncset.done $0x0  }
0x2d: {  	[sflag:s21] =	ssyncadd.s32 $0xFFFFD800  }
0x2e: {  	[spmem:s10] =	stream.linear.scatter [tilespmem:s20], [sflag:$0x5], $0x2800, $0x38;
	[tilespmem:$0x1F380] =	vst v63  }
0x2f: {  	_ =	swait.ge [sflag:s21], $0x2800  }
0x30: {  	[sflag:s21] =	ssyncset.done $0x0  }
0x31: {  	[sflag:s21] =	ssyncadd.s32 $0xFFFFD800  }
0x32: {  	[spmem:s11] =	stream.linear.scatter [tilespmem:s20], [sflag:$0x5], $0x2800, $0x38;
	[tilespmem:$0x1F380] =	vst v63  }
0x33: {  	_ =	swait.ge [sflag:s21], $0x2800  }
0x34: {  	[sflag:s21] =	ssyncset.done $0x0  }
0x35: {  	[sflag:s21] =	ssyncadd.s32 $0xFFFFD800  }
0x36: {  	[spmem:s12] =	stream.linear.scatter [tilespmem:s20], [sflag:$0x5], $0x2800, $0x38;
	[tilespmem:$0x1F380] =	vst v63  }
0x37: {  	_ =	swait.ge [sflag:s21], $0x2800  }
0x38: {  	[sflag:s21] =	ssyncset.done $0x0  }
0x39: {  	[sflag:s21] =	ssyncadd.s32 $0xFFFFD800  }
0x3a: {  	[spmem:s13] =	stream.linear.scatter [tilespmem:s20], [sflag:$0x5], $0x2800, $0x38;
	[tilespmem:$0x1F380] =	vst v63  }
0x3b: {  	_ =	swait.ge [sflag:s21], $0x2800  }
0x3c: {  	[sflag:s21] =	ssyncset.done $0x0  }
0x3d: {  	[sflag:s21] =	ssyncadd.s32 $0xFFFFD800  }
0x3e: {  	[spmem:s14] =	stream.linear.scatter [tilespmem:s20], [sflag:$0x5], $0x2400, $0x38;
	[tilespmem:$0x1F380] =	vst v63  }
0x3f: {  	_ =	swait.ge [sflag:s21], $0x2400  }
0x40: {  	[sflag:s21] =	ssyncset.done $0x0  }
0x41: {  	[sflag:s21] =	ssyncadd.s32 $0xFFFFDC00  }
0x42: {  	_ =	swait.ge [sflag:s22], $0x2780  }
0x43: {  	[sflag:s22] =	ssyncset.done $0x0  }
0x44: {  	[sflag:s22] =	ssyncadd.s32 $0xFFFFD880  }
0x45: {  	_ =	swait.ge [sflag:s23], $0x3E80  }
0x46: {  	[sflag:s23] =	ssyncset.done $0x0  }
0x47: {  	[sflag:s23] =	ssyncadd.s32 $0xFFFFC180  }
0x48: {  	s17 =	simm.s32 $0x0;
	[bflag:$0x0] =	sbarrier.arrive $0xFFFF  }
0x49: {  	[tilespmem:s20], [sflag:$0x1] =	stream.indirect.gather [hbm4b:s1+s24], $0x80, s17, s24, $0xb8;
	[tilespmem:$0x1F380] =	vst v63  }
0x4a: {  	_ = 	snop  }
0x4b: {  	[tilespmem:s25], [sflag:$0x2] =	stream.indirect.gather [hbm4b:s1+s24], $0x80, s24, s24, $0xb8;
	[tilespmem:$0x1F380] =	vst v63  }
0x4c: {  	_ =	swait.ge [sflag:s26], $0x2800  }
0x4d: {  	[sflag:s26] =	ssyncset.done $0x0  }
0x4e: {  	s19 =	simm.s32 $0x2780;
	[sflag:s26] =	ssyncadd.s32 $0xFFFFD800  }
0x4f: {  	[spmem:s3] =	stream.indirect.scatter.add.f32 [tilespmem:s20], [sflag:$0x5], $0x80, s19, s24, $0xb8;
	[tilespmem:$0x1F380] =	vst v63  }
0x50: {  	_ =	swait.ge [sflag:s21], $0x2800  }
0x51: {  	[sflag:s21] =	ssyncset.done $0x0  }
0x52: {  	s29 =	simm.s32 $0xA0;
	[sflag:s21] =	ssyncadd.s32 $0xFFFFD800  }
0x53: {  	[tilespmem:s20], [sflag:$0x1] =	stream.indirect.gather [hbm4b:s1+s24], $0x80, s29, s24, $0xb8;
	[tilespmem:$0x1F380] =	vst v63  }
0x54: {  	_ =	swait.ge [sflag:s28], $0x2800  }
0x55: {  	[sflag:s28] =	ssyncset.done $0x0  }
0x56: {  	s30 =	simm.s32 $0x2800;
	[sflag:s28] =	ssyncadd.s32 $0xFFFFD800  }
0x57: {  	[spmem:s3] =	stream.indirect.scatter.add.f32 [tilespmem:s25], [sflag:$0x5], $0x80, s30, s24, $0xb8;
	[tilespmem:$0x1F380] =	vst v63  }
0x58: {  	_ =	swait.ge [sflag:s21], $0x2800  }
0x59: {  	s18 =	simm.s32 $0x400;
	[sflag:s21] =	ssyncset.done $0x0  }
0x5a: {  	s17 =	simm.s32 $0xF0;
	s19 =	simm.s32 $0x190;
	[sflag:s21] =	ssyncadd.s32 $0xFFFFD800  }
.LBB2_4:
0x5b: {  	[tilespmem:s25], [sflag:$0x2] =	stream.indirect.gather [hbm4b:s1+s24], $0x80, s17, s24, $0xb8;
	[tilespmem:$0x1F380] =	vst v63  }
0x5c: {  	s29 =	smov.u32 s18;
	s17 =	smov.u32 s19  }
0x5d: {  	p0 =	sne.s32 s18, $0xF000;
	s18 =	sadd.s32 $0x400, s18;
	_ =	swait.ge [sflag:s26], $0x2800  }
0x5e: {  	s29 =	sshra.s32 s29, $0x2;
	[sflag:s26] =	ssyncset.done $0x0  }
0x5f: {  	s30 =	sadd.s32 $0x2780, s29;
	[sflag:s26] =	ssyncadd.s32 $0xFFFFD800  }
0x60: {  	[spmem:s3] =	stream.indirect.scatter.add.f32 [tilespmem:s20], [sflag:$0x5], $0x80, s30, s24, $0xb8;
	[tilespmem:$0x1F380] =	vst v63  }
0x61: {  	_ =	swait.ge [sflag:s21], $0x2800  }
0x62: {  	[sflag:s21] =	ssyncset.done $0x0  }
0x63: {  	s30 =	sadd.s32 $0xFFFFFFB0, s19;
	[sflag:s21] =	ssyncadd.s32 $0xFFFFD800  }
0x64: {  	[tilespmem:s20], [sflag:$0x1] =	stream.indirect.gather [hbm4b:s1+s24], $0x80, s30, s24, $0xb8;
	[tilespmem:$0x1F380] =	vst v63  }
0x65: {  	_ =	swait.ge [sflag:s28], $0x2800  }
0x66: {  	[sflag:s28] =	ssyncset.done $0x0  }
.Ltmp1:
0x67: {  	s29 =	sadd.s32 $0x2800, s29;
	[sflag:s28] =	ssyncadd.s32 $0xFFFFD800;
	(pc) =	sbr.rel @p0 .LBB2_4-.Ltmp1, $4  }
0x68: {  	[spmem:s3] =	stream.indirect.scatter.add.f32 [tilespmem:s25], [sflag:$0x5], $0x80, s29, s24, $0xb8;
	[tilespmem:$0x1F380] =	vst v63  }
0x69: {  	_ =	swait.ge [sflag:s21], $0x2800  }
0x6a: {  	[sflag:s21] =	ssyncset.done $0x0  }
0x6b: {  	s19 =	sadd.s32 $0xA0, s19;
	[sflag:s21] =	ssyncadd.s32 $0xFFFFD800  }
0x6c: {  	[tilespmem:s25], [sflag:$0x2] =	stream.indirect.gather [hbm4b:s1+s24], $0x80, s17, s24, $0xb8;
	[tilespmem:$0x1F380] =	vst v63  }
0x6d: {  	_ =	swait.ge [sflag:s26], $0x2800  }
0x6e: {  	[sflag:s26] =	ssyncset.done $0x0  }
0x6f: {  	s19 =	simm.s32 $0x6480;
	[sflag:s26] =	ssyncadd.s32 $0xFFFFD800  }
0x70: {  	[spmem:s3] =	stream.indirect.scatter.add.f32 [tilespmem:s20], [sflag:$0x5], $0x80, s19, s24, $0xb8;
	[tilespmem:$0x1F380] =	vst v63  }
0x71: {  	_ =	swait.ge [sflag:s21], $0x2800  }
0x72: {  	[sflag:s21] =	ssyncset.done $0x0  }
0x73: {  	s29 =	simm.s32 $0x26C0;
	[sflag:s21] =	ssyncadd.s32 $0xFFFFD800  }
0x74: {  	[tilespmem:s20], [sflag:$0x1] =	stream.indirect.gather [hbm4b:s1+s24], $0x80, s29, s24, $0xb8;
	[tilespmem:$0x1F380] =	vst v63  }
0x75: {  	_ =	swait.ge [sflag:s28], $0x2800  }
0x76: {  	[sflag:s28] =	ssyncset.done $0x0  }
0x77: {  	[sflag:s28] =	ssyncadd.s32 $0xFFFFD800  }
0x78: {  	[spmem:s3] =	stream.indirect.scatter.add.f32 [tilespmem:s25], [sflag:$0x5], $0x80, s31, s24, $0xb8;
	[tilespmem:$0x1F380] =	vst v63  }
0x79: {  	_ =	swait.ge [sflag:s21], $0x2800  }
0x7a: {  	[sflag:s21] =	ssyncset.done $0x0  }
0x7b: {  	[sflag:s21] =	ssyncadd.s32 $0xFFFFD800  }
0x7c: {  	_ =	swait.ge [sflag:s26], $0x2800  }
0x7d: {  	[sflag:s26] =	ssyncset.done $0x0  }
0x7e: {  	[sflag:s26] =	ssyncadd.s32 $0xFFFFD800  }
0x7f: {  	[spmem:s3] =	stream.indirect.scatter.add.f32 [tilespmem:s20], [sflag:$0x5], $0x80, s2, s24, $0xb8;
	[tilespmem:$0x1F380] =	vst v63  }
0x80: {  	s30 =	stileid.u32;
	_ =	swait.ge [sflag:s21], $0x2800  }
0x81: {  	s18 =	sshrl.u32 s5, $0x3;
	s0 =	sadd.s32 $0x1, s0;
	[sflag:s21] =	ssyncset.done $0x0  }
0x82: {  	s17 =	sshll.u32 s30, $0x6;
	p0 =	sne.s32 s0, s16;
	[sflag:s21] =	ssyncadd.s32 $0xFFFFD800  }
.Ltmp2:
0x83: {  	s17 =	sor.u32 $0x1C05, s17;
	[bflag:$0x0] =	sbarrier.arrive $0xFFFF;
	(pc) =	sbr.rel @p0 .LBB2_1-.Ltmp2, $4  }
0x84: {  	[hbm:s15], [sflag:s17] =	dma.local [spmem:s18], $0x2780  }
0x85: {  	_ =	swait.ge [sflag:s21], $0x2780  }
0x86: {  	[sflag:s21] =	ssyncset.done $0x0  }
0x87: {  	[sflag:s21] =	ssyncadd.s32 $0xFFFFD880  }
0x88: {  	_ =	sfence.sel $0x180000  }
0x89: {  	[bflag:$0x0] =	sbarrier.arrive $0xFFFF  }
0x8a: {  	_ =	strace $0x9000004D  }
0x8b: {  	s0 =	stileid.u32;
	[bflag:$0x2] =	sbarrier.arrive $0xFFFF  }
0x8c: {  	p0 =	sne.s32 s0, $0x0;
	s0 =	rddreg [dreg:$0x3]  }
0x8d: {  	s0 =	sadd.s32 @!p0 $0x100000, s0  }
0x8e: {  	[sflag:s0] =	ssyncadd.tile.s32 @!p0 $0x1;
	_ =	shalt  }
.Lfunc_end2:
_tile_overlayer_lowered:
.L_overlay_start_2:
0x8f: {  	(tag) =	ssettag $0x2  }
0x90: {  	s0 =	rddreg [dreg:$0x0];
	s2 =	stileid.u32  }
0x91: {  	s1 =	rddreg [dreg:$0x1];
	p0 =	sne.s32 s2, $0x0  }
0x92: {  	s3 =	rddreg [dreg:$0x2];
	[bflag:$0x3] =	sbarrier.arrive $0xFFFF;
	s2 =	simm.s32 @!p0 $0x1C05  }
0x93: {  	[timem:s3], [sflag:s2] =	dma.local @!p0 [hbm:s0], s1  }
0x94: {  	s0 =	simm.s32 @!p0 $0x5  }
0x95: {  	_ =	swait.ge @!p0 [sflag:s0], s1  }
0x96: {  	s1 =	ssub.s32 @!p0 $0x0, s1;
	[sflag:s0] =	ssyncset.done @!p0 $0x0  }
0x97: {  	[sflag:s0] =	ssyncadd.s32 @!p0 s1  }
0x98: {  	[bflag:$0x3] =	sbarrier.arrive $0xFFFF  }
0x99: {  	_ =	shalt  }

// kernel: kernel.8.cloned.1.call-start
scs
__scs_entry_jumppad:
0x0: {  	(pc) =	sbr.rel $0x88, $3  }
0x1: {  	(tag) =	ssettag $0x0;
	lr =	simm.s32 $0x1  }
0x2: {  	[smem:$0x3F9B] =	sst lr;
	_ =	strace $0xD0000000  }
0x3: {  	_ = 	snop  }
0x4: {  	_ = 	snop  }
0x5: {  	_ = 	snop  }
0x6: {  	_ = 	snop  }
0x7: {  	_ = 	snop  }
__scs_overlays_trampoline_lowered:
0x8: {  	[smem:$0x3FAA] =	sst s0  }
0x9: {  	[smem:$0x3FAB] =	sst s1  }
0xa: {  	[smem:$0x3FAC] =	sst s2  }
0xb: {  	[smem:$0x3FAD] =	sst s3  }
0xc: {  	[smem:$0x3FAE] =	sst s4  }
0xd: {  	[smem:$0x3FAF] =	sst s5  }
0xe: {  	[smem:$0x3FB0] =	sst s6  }
0xf: {  	[smem:$0x3FB1] =	sst s7  }
0x10: {  	[smem:$0x3FB2] =	sst s8  }
0x11: {  	[smem:$0x3FB3] =	sst s9;
	s0 =	simm.s32 @!p0 $0x0  }
0x12: {  	s1 =	sld [smem:$0x3F99];
	s0 =	simm.s32 @p0 $0x1  }
0x13: {  	[smem:$0x3FB4] =	sst s0;
	s0 =	simm.s32 @!p1 $0x0  }
0x14: {  	s2 =	sld [smem:$0x3F98];
	s0 =	simm.s32 @p1 $0x1  }
0x15: {  	[smem:$0x3FB5] =	sst s0;
	s0 =	simm.s32 @!p2 $0x0  }
0x16: {  	s3 =	sld [smem:$0x3FDB];
	s0 =	simm.s32 @p2 $0x1  }
0x17: {  	s4 =	simm.s32 $0x1BF5;
	[smem:$0x3FB7] =	sst s0  }
0x18: {  	s0 =	sld [smem:$0x3F9A];
	_ =	swait.ge [sflag:s4], $0x0  }
0x19: {  	s7 =	sld [smem:$0x3F9B]  }
0x1a: {  	s8 =	sadd.s32 $0xFFFFE003, lr  }
0x1b: {  	s9 =	sadd.s32 $0xFFFFFEF7, lr;
	s5 =	simm.s32 $0xFFFFFFFF;
	p2 =	slt.u32 s8, $0xFFFFF086  }
0x1c: {  	p1 =	slt.u32 s9, $0xF7A;
	s5 =	simm.s32 @!p2 $0x0  }
0x1d: {  	s5 =	simm.s32 @p1 $0x1;
	p0 =	seq.s32 s7, s2  }
0x1e: {  	s7 =	smul.u32 @!p0 $0xF7A, s2;
	p2 =	seq.s32 @!p0 s5, $0x0  }
0x1f: {  	s9 =	smul.u32 $0xF7A, s1;
	s8 =	simm.s32 @!p0 $0x1BF5;
	p2 =	por !p2, p0  }
0x20: {  	[sflag:s8] =	ssyncset.s32 @!p0 $0xFFFFF086;
	s6 =	sadd.s32 @!p0 s3, s7;
	s7 =	simm.s32 @!p0 $0x108  }
0x21: {  	s3 =	sadd.s32 s3, s9;
	s6 =	sadd.s32 @!p0 $0x88, s6;
	s7 =	simm.s32 @p2 $0x1082  }
0x22: {  	[simem:s7], [sflag:s8] =	dma.local @!p0 [hbm:s6], $0xF7A  }
0x23: {  	s9 =	sor.u32 $0xD0000000, s2;
	s6 =	simm.s32 $0x108;
	_ =	swait.ge @!p0 [sflag:s8], $0x0  }
0x24: {  	s3 =	sadd.s32 $0x88, s3;
	s6 =	simm.s32 @!p1 $0x1082;
	[sflag:s4] =	ssyncset.s32 $0xFFFFF086  }
0x25: {  	[simem:s6], [sflag:s4] =	dma.local [hbm:s3], $0xF7A  }
0x26: {  	[smem:$0x3F9B] =	sst s1;
	(tag) =	ssettag s2;
	_ =	strace s9  }
0x27: {  	s1 =	sld [smem:$0x3FAB]  }
0x28: {  	s2 =	sld [smem:$0x3FAC]  }
0x29: {  	s4 =	sld [smem:$0x3FAE]  }
0x2a: {  	p0 =	seq.s32 s5, $0x0;
	s5 =	sld [smem:$0x3FAF]  }
0x2b: {  	s6 =	sld [smem:$0x3FB0]  }
0x2c: {  	s7 =	sld [smem:$0x3FB1]  }
0x2d: {  	s3 =	simm.s32 $0x108;
	s8 =	sld [smem:$0x3FB2]  }
0x2e: {  	s3 =	simm.s32 @!p0 $0x1082;
	s9 =	sld [smem:$0x3FB3]  }
0x2f: {  	lr =	sadd.s32 s0, s3;
	s0 =	sld [smem:$0x3FAA]  }
0x30: {  	s3 =	sld [smem:$0x3FAD]  }
0x31: {  	[smem:$0x3FB6] =	sst s10  }
0x32: {  	s10 =	sld [smem:$0x3FB4];
	_ =	sdelay $0x3  }
0x33: {  	p0 =	seq.s32 s10, $0x1;
	s10 =	sld [smem:$0x3FB6];
	_ =	sdelay $0x3  }
0x34: {  	[smem:$0x3FB6] =	sst s10  }
0x35: {  	s10 =	sld [smem:$0x3FB5];
	_ =	sdelay $0x3  }
0x36: {  	p1 =	seq.s32 s10, $0x1;
	s10 =	sld [smem:$0x3FB6];
	_ =	sdelay $0x3  }
0x37: {  	[smem:$0x3FB6] =	sst s10  }
0x38: {  	s10 =	sld [smem:$0x3FB7]  }
0x39: {  	_ = 	snop;
	(pc) =	sbr.ind lr, $3  }
0x3a: {  	_ = 	snop  }
0x3b: {  	_ = 	snop  }
0x3c: {  	p2 =	seq.s32 s10, $0x1;
	s10 =	sld [smem:$0x3FB6]  }
0x3d: {  	_ =	shalt  }
0x3e: {  	_ =	shalt  }
0x3f: {  	_ =	shalt  }
0x40: {  	_ =	shalt  }
0x41: {  	_ =	shalt  }
0x42: {  	_ =	shalt  }
0x43: {  	_ =	shalt  }
0x44: {  	_ =	shalt  }
0x45: {  	_ =	shalt  }
0x46: {  	_ =	shalt  }
0x47: {  	_ =	shalt  }
0x48: {  	_ =	shalt  }
0x49: {  	_ =	shalt  }
0x4a: {  	_ =	shalt  }
0x4b: {  	_ =	shalt  }
0x4c: {  	_ =	shalt  }
0x4d: {  	_ =	shalt  }
0x4e: {  	_ =	shalt  }
0x4f: {  	_ =	shalt  }
0x50: {  	_ =	shalt  }
0x51: {  	_ =	shalt  }
0x52: {  	_ =	shalt  }
0x53: {  	_ =	shalt  }
0x54: {  	_ =	shalt  }
0x55: {  	_ =	shalt  }
0x56: {  	_ =	shalt  }
0x57: {  	_ =	shalt  }
0x58: {  	_ =	shalt  }
0x59: {  	_ =	shalt  }
0x5a: {  	_ =	shalt  }
0x5b: {  	_ =	shalt  }
0x5c: {  	_ =	shalt  }
0x5d: {  	_ =	shalt  }
0x5e: {  	_ =	shalt  }
0x5f: {  	_ =	shalt  }
0x60: {  	_ =	shalt  }
0x61: {  	_ =	shalt  }
0x62: {  	_ =	shalt  }
0x63: {  	_ =	shalt  }
0x64: {  	_ =	shalt  }
0x65: {  	_ =	shalt  }
0x66: {  	_ =	shalt  }
0x67: {  	_ =	shalt  }
0x68: {  	_ =	shalt  }
0x69: {  	_ =	shalt  }
0x6a: {  	_ =	shalt  }
0x6b: {  	_ =	shalt  }
0x6c: {  	_ =	shalt  }
0x6d: {  	_ =	shalt  }
0x6e: {  	_ =	shalt  }
0x6f: {  	_ =	shalt  }
0x70: {  	_ =	shalt  }
0x71: {  	_ =	shalt  }
0x72: {  	_ =	shalt  }
0x73: {  	_ =	shalt  }
0x74: {  	_ =	shalt  }
0x75: {  	_ =	shalt  }
0x76: {  	_ =	shalt  }
0x77: {  	_ =	shalt  }
0x78: {  	_ =	shalt  }
0x79: {  	_ =	shalt  }
0x7a: {  	_ =	shalt  }
0x7b: {  	_ =	shalt  }
0x7c: {  	_ =	shalt  }
0x7d: {  	_ =	shalt  }
0x7e: {  	_ =	shalt  }
0x7f: {  	_ =	shalt  }
0x80: {  	_ =	shalt  }
0x81: {  	_ =	shalt  }
0x82: {  	_ =	shalt  }
0x83: {  	_ =	shalt  }
0x84: {  	_ =	shalt  }
0x85: {  	_ =	shalt  }
0x86: {  	_ =	shalt  }
0x87: {  	_ =	shalt  }
.Lfunc_end0:
.L_simem_size_0:
called_computation_lowered:
.L_overlay_start_0:
0x88: {  	s2 =	sld [smem:$0x3FD9]  }
0x89: {  	s3 =	sld [smem:$0x3FFE];
	_ =	sdelay $0x1  }
0x8a: {  	s1 =	srdreg.scid  }
0x8b: {  	s0 =	sand.u32 $0x1, s1  }
0x8c: {  	s17 =	sshll.u32 s0, $0xA;
	s2 =	sadd.s32 s3, s2  }
0x8d: {  	s2 =	sadd.s32 s2, s17  }
0x8e: {  	[smem:$0x3FC2] =	sst s2  }
0x8f: {  	_ = 	snop  }
0x90: {  	s2 =	sld [smem:$0x3FD0];
	(tm) =	ssettm $0x1  }
0x91: {  	s18 =	sld [smem:$0x3FFB];
	_ =	sdelay $0x3  }
0x92: {  	_ =	strace s18  }
0x93: {  	s3 =	sld [smem:$0x3FFC];
	_ =	sdelay $0x3  }
0x94: {  	_ =	strace s3  }
0x95: {  	s3 =	sld [smem:$0x3FFD];
	_ =	sdelay $0x3  }
0x96: {  	_ =	strace s3  }
0x97: {  	_ =	strace $0x8FFFFFFF  }
0x98: {  	s19 =	sld [smem:$0x3FDB];
	_ =	sdelay $0x1  }
0x99: {  	s4 =	simm.s32 $_scs_section_size  }
0x9a: {  	s5 =	simm.s32 $_size__tile_overlayer_lowered;
	s6 =	simm.s32 $_tile_overlayer_lowered  }
0x9b: {  	s22 =	simm.s32 $0x1BFF;
	s21 =	sshll.u32 s6, $0x1;
	s3 =	sadd.s32 s4, s19  }
0x9c: {  	s7 =	simm.s32 $0x0;
	s20 =	sshll.u32 s5, $0x1;
	s5 =	sadd.s32 s21, s3  }
0x9d: {  	[timem:s7], [sflag:s22] =	dma.local [hbm:s5], s20  }
0x9e: {  	_ =	swait.ge [sflag:s22], s20  }
0x9f: {  	s4 =	ssub.s32 $0x0, s20;
	[sflag:s22] =	ssyncset.done $0x0  }
0xa0: {  	[sflag:s22] =	ssyncadd.s32 s4;
	_ =	sdelay $0x1  }
0xa1: {  	s23 =	simm.s32 $0x1B8B  }
0xa2: {  	_ =	swait.ge [sflag:s23], $0x1  }
0xa3: {  	[sflag:s23] =	ssyncset.done $0x0  }
0xa4: {  	s25 =	simm.s32 $0x1B8E;
	s24 =	sld [smem:$0x3FFE];
	[sflag:s23] =	ssyncadd.s32 $0xFFFFFFFF  }
0xa5: {  	s26 =	simm.s32 $execute0_lowered;
	[smem:$0x3FD2] =	sst s25  }
0xa6: {  	s5 =	sshll.u32 s26, $0x1;
	_ =	strace $0x80000046;
	[dreg:$0x1] =	wrdreg $0xFFFFFFFF  }
0xa7: {  	s28 =	simm.s32 $_size_execute0_lowered;
	s3 =	sadd.s32 s3, s5;
	[dreg:$0x0] =	wrdreg $0x0  }
0xa8: {  	s5 =	sshll.u32 s28, $0x1;
	[dreg:$0x2] =	wrdreg s3  }
0xa9: {  	[dreg:$0x3] =	wrdreg s5  }
0xaa: {  	[dreg:$0x4] =	wrdreg $0xC0  }
0xab: {  	_ =	task [dreg:s7], $0x5FFFF  }
0xac: {  	[dreg:$0x1] =	wrdreg $0xFFFFFFFF  }
0xad: {  	[dreg:$0x0] =	wrdreg $0x60  }
0xae: {  	[dreg:$0x2] =	wrdreg s2  }
0xaf: {  	[dreg:$0x3] =	wrdreg s24  }
0xb0: {  	[dreg:$0x4] =	wrdreg $0x53000  }
0xb1: {  	[dreg:$0x5] =	wrdreg $0x9  }
0xb2: {  	_ =	task.clear_ibuf [dreg:s7], $0x6FFFF;
	_ =	strace $0x90000046  }
0xb3: {  	s29 =	simm.s32 $0x9;
	_ =	strace $0x80000048  }
0xb4: {  	_ =	swait.ge [sflag:s29], $0x1  }
0xb5: {  	[sflag:s29] =	ssyncadd.s32 $0xFFFFFFFF  }
0xb6: {  	_ =	strace $0x90000048  }
0xb7: {  	_ =	sfence  }
0xb8: {  	s30 =	sld [smem:$0x0];
	_ =	sdelay $0x2  }
0xb9: {  	s31 =	sshll.u32 s1, $0xD;
	s1 =	sshrl.u32 s1, $0x2  }
0xba: {  	s3 =	sand.u32 $0x4000, s31;
	s1 =	sadd.s32 s1, s30  }
0xbb: {  	s0 =	sor.u32 s3, s0;
	s1 =	sshll.u32 s1, $0x11  }
0xbc: {  	s0 =	sor.u32 s1, s0  }
0xbd: {  	s0 =	sadd.s32 $0x8F2B, s0  }
0xbe: {  	[sflag:s0] =	ssyncadd.remote.s32 $0x1  }
0xbf: {  	_ =	sfence.sel $0xFFFF  }
0xc0: {  	[dreg:$0x0] =	wrdreg $0xFFFFFFFF;
	(pc) =	sbr.abs _section_cstart, $3  }
0xc1: {  	[dreg:$0x1] =	wrdreg $0xFFFFFFFF  }
0xc2: {  	_ =	task.clear_ibuf [dreg:s7], $0x2FFFF;
	_ =	strace $0x9FFFFFFF  }
0xc3: {  	(tm) =	ssettm $0x7FFFFFFF  }
tec
execute0_lowered:
.L_overlay_start_1:
0x0: {  	(tag) =	ssettag $0x1  }
0x1: {  	s4 =	rddreg [dreg:$0x0]  }
0x2: {  	s1 =	srdreg.scid;
	s0 =	stileid.u32  }
0x3: {  	s5 =	rddreg [dreg:$0x1];
	s7 =	smul.u32 $0x278, s0  }
0x4: {  	s2 =	rddreg [dreg:$0x2];
	s6 =	sand.u32 $0x1, s1;
	s10 =	smul.u32 $0x5000, s0  }
0x5: {  	s3 =	simm.s32 $0x0;
	s11 =	simm.s32 $0x7D;
	s8 =	smul.u32 $0x2780, s6  }
0x6: {  	s12 =	simm.s32 $0x5000;
	[smem:$0x7FF] =	sst s3;
	s9 =	smul.u32 $0x50000, s6  }
0x7: {  	s13 =	simm.s32 $0x0;
	s1 =	rddreg [dreg:$0x3];
	_ =	strace $0x80000047  }
0x8: {  	s6 =	ssub.s32 $0x2, s6;
	s8 =	sadd.s32 s7, s8;
	s9 =	sadd.s32 s10, s9  }
0x9: {  	s31 =	sshrl.u32 s6, $0x1;
	s8 =	sshrl.u32 s8, $0x3;
	s9 =	sshrl.u32 s9, $0x3  }
0xa: {  	s10 =	ssub.s32 s6, s31;
	s8 =	sadd.s32 s8, s5;
	s4 =	sadd.s32 s4, s9  }
0xb: {  	s5 =	sadd.s32 s7, s2;
	s7 =	smax.u32 s10, $0x1;
	s9 =	simm.s32 $0x2  }
0xc: {  	v0 =	vimm.f32 $1.000000000e+00;
	v1 =	vimm.f32 $0.0e+00;
	s10 =	simm.s32 $0x1;
	s6 =	sadd.s32 $0x1E00, s8;
	s8 =	simm.s32 $0x5080  }
.LBB2_1:
0xd: {  	[tilespmem:s3], [sflag:$0x1] =	stream.linear.gather [hbm4b:s4+s3], $0x5000, $0x38;
	[tilespmem:$0x5578] =	vst v63  }
0xe: {  	[tilespmem:$0x5000] =	vst v0  }
0xf: {  	[tilespmem:$0x5010] =	vst v0  }
0x10: {  	[tilespmem:$0x5020] =	vst v0  }
0x11: {  	[tilespmem:$0x5030] =	vst v0  }
0x12: {  	[tilespmem:$0x5040] =	vst v0  }
0x13: {  	[tilespmem:$0x5050] =	vst v0  }
0x14: {  	[tilespmem:$0x5060] =	vst v0  }
0x15: {  	[tilespmem:$0x5070] =	vst v0  }
0x16: {  	[tilespmem:$0x5080] =	vst v1  }
0x17: {  	[tilespmem:$0x5090] =	vst v1  }
0x18: {  	[tilespmem:$0x50A0] =	vst v1  }
0x19: {  	[tilespmem:$0x50B0] =	vst v1  }
0x1a: {  	[tilespmem:$0x50C0] =	vst v1  }
0x1b: {  	[tilespmem:$0x50D0] =	vst v1  }
0x1c: {  	[tilespmem:$0x50E0] =	vst v1  }
0x1d: {  	[tilespmem:$0x50F0] =	vst v1  }
0x1e: {  	[tilespmem:$0x5100] =	vst v1  }
0x1f: {  	[tilespmem:$0x5110] =	vst v1  }
0x20: {  	[tilespmem:$0x5120] =	vst v1  }
0x21: {  	[tilespmem:$0x5130] =	vst v1  }
0x22: {  	[tilespmem:$0x5140] =	vst v1  }
0x23: {  	[tilespmem:$0x5150] =	vst v1  }
0x24: {  	[tilespmem:$0x5160] =	vst v1  }
0x25: {  	[tilespmem:$0x5170] =	vst v1  }
0x26: {  	[tilespmem:$0x5180] =	vst v1  }
0x27: {  	[tilespmem:$0x5190] =	vst v1  }
0x28: {  	[tilespmem:$0x51A0] =	vst v1  }
0x29: {  	[tilespmem:$0x51B0] =	vst v1  }
0x2a: {  	[tilespmem:$0x51C0] =	vst v1  }
0x2b: {  	[tilespmem:$0x51D0] =	vst v1  }
0x2c: {  	[tilespmem:$0x51E0] =	vst v1  }
0x2d: {  	[tilespmem:$0x51F0] =	vst v1  }
0x2e: {  	[tilespmem:$0x5200] =	vst v1  }
0x2f: {  	[tilespmem:$0x5210] =	vst v1  }
0x30: {  	[tilespmem:$0x5220] =	vst v1  }
0x31: {  	[tilespmem:$0x5230] =	vst v1  }
0x32: {  	[tilespmem:$0x5240] =	vst v1  }
0x33: {  	[tilespmem:$0x5250] =	vst v1  }
0x34: {  	[tilespmem:$0x5260] =	vst v1  }
0x35: {  	[tilespmem:$0x5270] =	vst v1  }
0x36: {  	[tilespmem:$0x5280] =	vst v1  }
0x37: {  	[tilespmem:$0x5290] =	vst v1  }
0x38: {  	[tilespmem:$0x52A0] =	vst v1  }
0x39: {  	[tilespmem:$0x52B0] =	vst v1  }
0x3a: {  	[tilespmem:$0x52C0] =	vst v1  }
0x3b: {  	[tilespmem:$0x52D0] =	vst v1  }
0x3c: {  	[tilespmem:$0x52E0] =	vst v1  }
0x3d: {  	[tilespmem:$0x52F0] =	vst v1  }
0x3e: {  	[spmem:s5] =	stream.linear.scatter [tilespmem:s8], [sflag:$0x2], $0x278, $0x38;
	[tilespmem:$0x5578] =	vst v63  }
0x3f: {  	_ =	swait.ge [sflag:s9], $0x278  }
0x40: {  	[sflag:s9] =	ssyncset.done $0x0  }
0x41: {  	[sflag:s9] =	ssyncadd.s32 $0xFFFFFD88  }
0x42: {  	_ =	swait.ge [sflag:s10], $0x5000  }
0x43: {  	[sflag:s10] =	ssyncset.done $0x0  }
0x44: {  	[sflag:s10] =	ssyncadd.s32 $0xFFFFB000  }
0x45: {  	s14 =	simm.s32 $0x0;
	[bflag:$0x0] =	sbarrier.arrive $0xFFFF  }
0x46: {  	[spmem:s2] =	stream.indirect.scatter.add.f32 [tilespmem:s12], [sflag:$0x2], $0x1, s14, s11, $0xb8;
	[tilespmem:$0x5578] =	vst v63  }
0x47: {  	_ =	swait.ge [sflag:s9], $0x7D  }
0x48: {  	s14 =	simm.s32 $0x200;
	[sflag:s9] =	ssyncset.done $0x0  }
.LBB2_2:
0x49: {  	s15 =	sshra.s32 s14, $0x2;
	[sflag:s9] =	ssyncadd.s32 $0xFFFFFF83;
	p0 =	sne.s32 s14, $0x13E00  }
0x4a: {  	[spmem:s2] =	stream.indirect.scatter.add.f32 [tilespmem:s12], [sflag:$0x2], $0x1, s15, s11, $0xb8;
	[tilespmem:$0x5578] =	vst v63  }
.Ltmp0:
0x4b: {  	_ = 	snop;
	(pc) =	sbr.rel @p0 .LBB2_2-.Ltmp0, $4  }
0x4c: {  	_ = 	snop  }
0x4d: {  	s14 =	sadd.s32 $0x200, s14  }
0x4e: {  	_ =	swait.ge [sflag:s9], $0x7D  }
0x4f: {  	[sflag:s9] =	ssyncset.done $0x0  }
0x50: {  	[sflag:s9] =	ssyncadd.s32 $0xFFFFFF83  }
0x51: {  	[bflag:$0x0] =	sbarrier.arrive $0xFFFF  }
0x52: {  	[tilespmem:s8], [sflag:$0x2] =	stream.linear.gather [spmem:s5], $0x278, $0x38;
	[tilespmem:$0x5578] =	vst v63  }
0x53: {  	s13 =	sadd.s32 $0x1, s13;
	_ =	swait.ge [sflag:s9], $0x278  }
0x54: {  	p0 =	sne.s32 s13, s7;
	[sflag:s9] =	ssyncset.done $0x0  }
.Ltmp1:
0x55: {  	[sflag:s9] =	ssyncadd.s32 $0xFFFFFD88;
	(pc) =	sbr.rel @p0 .LBB2_1-.Ltmp1, $4  }
0x56: {  	[hbm4b:s6+s3] =	stream.linear.scatter [tilespmem:s8], [sflag:$0x2], $0x278, $0x38;
	[tilespmem:$0x5578] =	vst v63  }
0x57: {  	_ =	swait.ge [sflag:s9], $0x278  }
0x58: {  	[sflag:s9] =	ssyncset.done $0x0  }
0x59: {  	[sflag:s9] =	ssyncadd.s32 $0xFFFFFD88  }
0x5a: {  	_ =	sfence.sel $0x180000  }
0x5b: {  	[bflag:$0x0] =	sbarrier.arrive $0xFFFF  }
0x5c: {  	p0 =	sne.s32 s0, $0x0;
	_ =	strace $0x90000047  }
0x5d: {  	s0 =	sadd.s32 @!p0 $0x100000, s1;
	[bflag:$0x2] =	sbarrier.arrive $0xFFFF  }
0x5e: {  	[sflag:s0] =	ssyncadd.tile.s32 @!p0 $0x1;
	_ =	shalt  }
.Lfunc_end2:
_tile_overlayer_lowered:
.L_overlay_start_2:
0x5f: {  	(tag) =	ssettag $0x2  }
0x60: {  	s0 =	rddreg [dreg:$0x0];
	s2 =	stileid.u32  }
0x61: {  	s1 =	rddreg [dreg:$0x1];
	p0 =	sne.s32 s2, $0x0  }
0x62: {  	s3 =	rddreg [dreg:$0x2];
	[bflag:$0x3] =	sbarrier.arrive $0xFFFF;
	s2 =	simm.s32 @!p0 $0x1C02  }
0x63: {  	[timem:s3], [sflag:s2] =	dma.local @!p0 [hbm:s0], s1  }
0x64: {  	s0 =	simm.s32 @!p0 $0x2  }
0x65: {  	_ =	swait.ge @!p0 [sflag:s0], s1  }
0x66: {  	s1 =	ssub.s32 @!p0 $0x0, s1;
	[sflag:s0] =	ssyncset.done @!p0 $0x0  }
0x67: {  	[sflag:s0] =	ssyncadd.s32 @!p0 s1  }
0x68: {  	[bflag:$0x3] =	sbarrier.arrive $0xFFFF  }
0x69: {  	_ =	shalt  }

</sc_bundles>
